<compile_context>
chip_gen: v7x
topology: tpu7x:2x2x1
jax: 0.10.2.dev20260603
libtpu: 0.0.44.dev20260713+nightly
codegen_flags: <defaults>
</compile_context>

<pallas_src>
import functools

import jax
import jax.numpy as jnp
from jax import lax
from jax.experimental import pallas as pl
from jax.experimental.pallas import tpu as pltpu
from jax.experimental.pallas import tpu_sc as plsc

PRE_SEQ_LEN = 128
HIDDEN = 1024
OUT_DIM = 24 * 2 * 1024
TOKENS = 8 * 128
CW = 1024
NCHUNK = OUT_DIM // CW

NC, NS = 2, 16
NW = NC * NS
TPW = TOKENS // NW
ROWS_PER_TEC = PRE_SEQ_LEN // NS


def _table_body(emb_ref, w1_ref, b1_ref, w2_ref, b2_ref, tab_ref, h_ref):
    j = pl.program_id(0)

    @pl.when(j == 0)
    def _init():
        h_ref[...] = jnp.tanh(
            jnp.dot(emb_ref[...], w1_ref[...],
                    preferred_element_type=jnp.float32) + b1_ref[...])

    t = jnp.dot(h_ref[...], w2_ref[...],
                preferred_element_type=jnp.float32) + b2_ref[...]
    tab_ref[...] = t.reshape(1, PRE_SEQ_LEN, CW)


def _make_table(emb, W1, b1, W2, b2):
    return pl.pallas_call(
        _table_body,
        grid=(NCHUNK,),
        in_specs=[
            pl.BlockSpec((PRE_SEQ_LEN, HIDDEN), lambda j: (0, 0)),
            pl.BlockSpec((HIDDEN, HIDDEN), lambda j: (0, 0)),
            pl.BlockSpec((1, HIDDEN), lambda j: (0, 0)),
            pl.BlockSpec((HIDDEN, CW), lambda j: (0, j)),
            pl.BlockSpec((1, CW), lambda j: (0, j)),
        ],
        out_specs=pl.BlockSpec((1, PRE_SEQ_LEN, CW), lambda j: (j, 0, 0)),
        out_shape=jax.ShapeDtypeStruct((NCHUNK, PRE_SEQ_LEN, CW), jnp.float32),
        scratch_shapes=[pltpu.VMEM((PRE_SEQ_LEN, HIDDEN), jnp.float32)],
        compiler_params=pltpu.CompilerParams(
            dimension_semantics=("arbitrary",),
        ),
    )(emb, W1, b1.reshape(1, HIDDEN), W2, b2.reshape(1, OUT_DIM))


@functools.partial(
    pl.kernel,
    out_type=jax.ShapeDtypeStruct((TOKENS, OUT_DIM), jnp.float32),
    mesh=plsc.VectorSubcoreMesh(core_axis_name="c", subcore_axis_name="s"),
    scratch_types=[
        pltpu.VMEM((TPW,), jnp.int32),
        pltpu.VMEM((TPW, CW), jnp.float32),
        pltpu.VMEM_SHARED((PRE_SEQ_LEN, CW), jnp.float32),
        pltpu.SemaphoreType.DMA,
    ],
)
def _sc_gather(tab_hbm, idx_hbm, out_hbm, idx_v, buf_v, chunk_s, sem):
    cid = lax.axis_index("c")
    sid = lax.axis_index("s")
    wid = sid * NC + cid
    base = wid * TPW
    pltpu.sync_copy(idx_hbm.at[pl.ds(base, TPW)], idx_v)

    @pl.loop(0, NCHUNK)
    def _chunk(c):
        pltpu.sync_copy(tab_hbm.at[c, pl.ds(sid * ROWS_PER_TEC, ROWS_PER_TEC)],
                        chunk_s.at[pl.ds(sid * ROWS_PER_TEC, ROWS_PER_TEC)])
        plsc.subcore_barrier()
        idx_lo = idx_v[pl.ds(0, 16)]
        idx_hi = idx_v[pl.ds(16, 16)]
        for i in range(TPW):
            r = idx_lo[i] if i < 16 else idx_hi[i - 16]
            pltpu.async_copy(chunk_s.at[r], buf_v.at[i], sem)
        pltpu.make_async_copy(tab_hbm.at[0].at[pl.ds(0, TPW)], buf_v, sem).wait()
        pltpu.sync_copy(buf_v, out_hbm.at[pl.ds(base, TPW), pl.ds(c * CW, CW)])
        plsc.subcore_barrier()


def kernel(prefix, emb, W1, b1, W2, b2):
    table = _make_table(emb, W1, b1, W2, b2)
    idx = prefix.reshape(TOKENS).astype(jnp.int32)
    out = _sc_gather(table, idx)
    return out.reshape(prefix.shape[0], prefix.shape[1], OUT_DIM)

# --- scband reference (transcript-rebuilt; emitter-appended) ---
"""Pipeline reference for scband-prefix-encoder-54073638256746 (READ-ONLY COPY).

The authoritative reference and input builder live on the scoring server;
editing this copy changes nothing except your own understanding.
"""

import jax, jax.numpy as jnp
import numpy as np

PRE_SEQ_LEN = 128
HIDDEN = 1024
PREFIX_HIDDEN = 1024
NUM_LAYERS = 24
OUT_DIM = NUM_LAYERS * 2 * HIDDEN  # 49152
BATCH = 8

def setup_inputs(seed: int = 0) -> dict:
    key = jax.random.key(seed)
    k0, k1, k2, k3, k4, k5 = jax.random.split(key, 6)
    prefix = jax.random.randint(k0, (BATCH, PRE_SEQ_LEN), 0, PRE_SEQ_LEN, dtype=jnp.int64 if jax.config.jax_enable_x64 else jnp.int32)
    emb = jax.random.normal(k1, (PRE_SEQ_LEN, HIDDEN), dtype=jnp.float32) * 0.02
    W1 = jax.random.normal(k2, (HIDDEN, PREFIX_HIDDEN), dtype=jnp.float32) * (1.0 / np.sqrt(HIDDEN))
    b1 = jnp.zeros((PREFIX_HIDDEN,), dtype=jnp.float32)
    W2 = jax.random.normal(k3, (PREFIX_HIDDEN, OUT_DIM), dtype=jnp.float32) * (1.0 / np.sqrt(PREFIX_HIDDEN))
    b2 = jnp.zeros((OUT_DIM,), dtype=jnp.float32)
    return {"prefix": prefix, "emb": emb, "W1": W1, "b1": b1, "W2": W2, "b2": b2}

def reference(prefix, emb, W1, b1, W2, b2):
    # Embedding lookup: (B, L) -> (B, L, hidden)
    prefix_tokens = jnp.take(emb, prefix, axis=0)
    # trans: Linear -> Tanh -> Linear
    h = jnp.tanh(prefix_tokens @ W1 + b1)
    past_key_values = h @ W2 + b2
    return past_key_values

if __name__ == "__main__":
    import jax
    _d = setup_inputs()
    print(jax.jit(kernel)(*tuple(_d.values())))

</pallas_src>

<mosaic_0001>
#map = affine_map<(d0, d1) -> (0, 0, 0)>
#map1 = affine_map<(d0, d1) -> (0)>
#map2 = affine_map<(d0, d1) -> (0, 0)>
module attributes {stable_mosaic.version = 14 : i64} {
  func.func @_sc_gather(%arg0: i32, %arg1: i32, %arg2: memref<48x128x1024xf32, #tpu.memory_space<hbm>>, %arg3: memref<1024xi32, #tpu.memory_space<hbm>>, %arg4: memref<1024x49152xf32, #tpu.memory_space<hbm>>, %arg5: memref<32xi32, #tpu.memory_space<vmem>>, %arg6: memref<32x1024xf32, #tpu.memory_space<vmem>>, %arg7: memref<128x1024xf32, #tpu.memory_space<vmem_shared>>, %arg8: memref<!tpu.dma_semaphore, #tpu.memory_space<semaphore_mem>>) attributes {dimension_semantics = [#tpu.dimension_semantics<core_parallel>, #tpu.dimension_semantics<subcore_parallel>], iteration_bounds = array<i64: 2, 16>, scalar_prefetch = 0 : i64, scratch_operands = 4 : i64, tpu.core_type = #tpu.core_type<sc_vector_subcore>, window_params = [{transform_indices = #map}, {transform_indices = #map1}, {transform_indices = #map2}]} {
    %mul3A = arith.constant 2 : i32
    %mul3A_0 = arith.muli %arg1, %mul3A : i32
    %add3A = arith.addi %mul3A_0, %arg0 : i32
    %mul3A_1 = arith.constant 32 : i32
    %mul3A_2 = arith.muli %add3A, %mul3A_1 : i32
    "tpu.region"() ({
      %run_scoped3A = tpu.sem_alloc : memref<!tpu.dma_semaphore, #tpu.memory_space<semaphore_mem>>
      %dma_start3A = tpu.memref_slice %arg3[%mul3A_2] : memref<1024xi32, #tpu.memory_space<hbm>> -> memref<32xi32, #tpu.memory_space<hbm>>
      %dma_start3A_7 = tpu.memref_slice %arg3[%mul3A_2] : memref<1024xi32, #tpu.memory_space<hbm>> -> memref<32xi32, #tpu.memory_space<hbm>>
      tpu.enqueue_dma source(%dma_start3A_7 : memref<32xi32, #tpu.memory_space<hbm>>) target(%arg5 : memref<32xi32, #tpu.memory_space<vmem>>) target_semaphore(%run_scoped3A : memref<!tpu.dma_semaphore, #tpu.memory_space<semaphore_mem>>)
      %dma_wait3A = tpu.memref_slice %arg3[%mul3A_2] : memref<1024xi32, #tpu.memory_space<hbm>> -> memref<32xi32, #tpu.memory_space<hbm>>
      %dma_wait3A_8 = tpu.memref_slice %arg3[%mul3A_2] : memref<1024xi32, #tpu.memory_space<hbm>> -> memref<32xi32, #tpu.memory_space<hbm>>
      tpu.wait_dma2 semaphore(%run_scoped3A : memref<!tpu.dma_semaphore, #tpu.memory_space<semaphore_mem>>) src(%dma_wait3A_8 : memref<32xi32, #tpu.memory_space<hbm>>) dst(%arg5 : memref<32xi32, #tpu.memory_space<vmem>>)
      tpu.yield
    }) : () -> ()
    %scan3A = arith.constant 0 : i32
    %scan3A_3 = arith.constant 48 : i32
    %scan3A_4 = arith.addi %scan3A, %scan3A_3 : i32
    %scan3A_5 = arith.constant 1 : i32
    scf.for %scan3A_7 = %scan3A to %scan3A_4 step %scan3A_5  : i32 {
      %mul3A_8 = arith.constant 1 : i32
      %mul3A_9 = arith.muli %scan3A_7, %mul3A_8 : i32
      %add3A_10 = arith.constant 0 : i32
      %add3A_11 = arith.addi %add3A_10, %mul3A_9 : i32
      %mul3A_12 = arith.constant 8 : i32
      %mul3A_13 = arith.muli %arg1, %mul3A_12 : i32
      %mul3A_14 = arith.constant 8 : i32
      %mul3A_15 = arith.muli %arg1, %mul3A_14 : i32
      "tpu.region"() ({
        %run_scoped3A = tpu.sem_alloc : memref<!tpu.dma_semaphore, #tpu.memory_space<semaphore_mem>>
        %dma_start3A_515 = arith.constant 0 : i32
        %dma_start3A_516 = tpu.memref_slice %arg7[%mul3A_15, %dma_start3A_515] : memref<128x1024xf32, #tpu.memory_space<vmem_shared>> -> memref<8x1024xf32, #tpu.memory_space<vmem_shared>>
        %dma_start3A_517 = arith.constant 0 : i32
        %dma_start3A_518 = tpu.memref_slice %arg2[%add3A_11, %mul3A_13, %dma_start3A_517] : memref<48x128x1024xf32, #tpu.memory_space<hbm>> -> memref<1x8x1024xf32, #tpu.memory_space<hbm>>
        %dma_start3A_519 = tpu.memref_squeeze %dma_start3A_518 : memref<1x8x1024xf32, #tpu.memory_space<hbm>> -> memref<8x1024xf32, #tpu.memory_space<hbm>>
        tpu.enqueue_dma source(%dma_start3A_519 : memref<8x1024xf32, #tpu.memory_space<hbm>>) target(%dma_start3A_516 : memref<8x1024xf32, #tpu.memory_space<vmem_shared>>) target_semaphore(%run_scoped3A : memref<!tpu.dma_semaphore, #tpu.memory_space<semaphore_mem>>)
        %dma_wait3A_520 = arith.constant 0 : i32
        %dma_wait3A_521 = tpu.memref_slice %arg7[%mul3A_15, %dma_wait3A_520] : memref<128x1024xf32, #tpu.memory_space<vmem_shared>> -> memref<8x1024xf32, #tpu.memory_space<vmem_shared>>
        %dma_wait3A_522 = arith.constant 0 : i32
        %dma_wait3A_523 = tpu.memref_slice %arg2[%add3A_11, %mul3A_13, %dma_wait3A_522] : memref<48x128x1024xf32, #tpu.memory_space<hbm>> -> memref<1x8x1024xf32, #tpu.memory_space<hbm>>
        %dma_wait3A_524 = tpu.memref_squeeze %dma_wait3A_523 : memref<1x8x1024xf32, #tpu.memory_space<hbm>> -> memref<8x1024xf32, #tpu.memory_space<hbm>>
        tpu.wait_dma2 semaphore(%run_scoped3A : memref<!tpu.dma_semaphore, #tpu.memory_space<semaphore_mem>>) src(%dma_wait3A_524 : memref<8x1024xf32, #tpu.memory_space<hbm>>) dst(%dma_wait3A_521 : memref<8x1024xf32, #tpu.memory_space<vmem_shared>>)
        tpu.yield
      }) : () -> ()
      %barrier3A = arith.constant 0 : index
      tpu.barrier barrier_id(%barrier3A)
      %get3A = arith.constant 0 : index
      %get3A_16 = tpu.vector_load %arg5[%get3A] {strides = array<i32>} : memref<32xi32, #tpu.memory_space<vmem>>, vector<16xi32>,
      %get3A_17 = vector.shape_cast %get3A_16 : vector<16xi32> to vector<16xi32>
      %get3A_18 = arith.constant 16 : index
      %get3A_19 = tpu.vector_load %arg5[%get3A_18] {strides = array<i32>} : memref<32xi32, #tpu.memory_space<vmem>>, vector<16xi32>,
      %get3A_20 = vector.shape_cast %get3A_19 : vector<16xi32> to vector<16xi32>
      %slice3A = vector.extract_strided_slice %get3A_17 {offsets = [0], sizes = [1], strides = [1]} : vector<16xi32> to vector<1xi32>
      %squeeze3A = vector.extract %slice3A[0] : i32 from vector<1xi32>
      %dma_start3A = arith.constant 0 : i32
      %dma_start3A_21 = arith.constant 0 : i32
      %dma_start3A_22 = tpu.memref_slice %arg6[%dma_start3A, %dma_start3A_21] : memref<32x1024xf32, #tpu.memory_space<vmem>> -> memref<1x1024xf32, #tpu.memory_space<vmem>>
      %dma_start3A_23 = tpu.memref_squeeze %dma_start3A_22 : memref<1x1024xf32, #tpu.memory_space<vmem>> -> memref<1024xf32, #tpu.memory_space<vmem>>
      %dma_start3A_24 = arith.constant 0 : i32
      %dma_start3A_25 = tpu.memref_slice %arg7[%squeeze3A, %dma_start3A_24] : memref<128x1024xf32, #tpu.memory_space<vmem_shared>> -> memref<1x1024xf32, #tpu.memory_space<vmem_shared>>
      %dma_start3A_26 = tpu.memref_squeeze %dma_start3A_25 : memref<1x1024xf32, #tpu.memory_space<vmem_shared>> -> memref<1024xf32, #tpu.memory_space<vmem_shared>>
      %dma_start3A_27 = arith.constant 0 : i32
      %dma_start3A_28 = tpu.memref_slice %arg6[%dma_start3A, %dma_start3A_27] : memref<32x1024xf32, #tpu.memory_space<vmem>> -> memref<1x1024xf32, #tpu.memory_space<vmem>>
      %dma_start3A_29 = tpu.memref_squeeze %dma_start3A_28 : memref<1x1024xf32, #tpu.memory_space<vmem>> -> memref<1024xf32, #tpu.memory_space<vmem>>
      %dma_start3A_30 = arith.constant 0 : i32
      %dma_start3A_31 = tpu.memref_slice %arg7[%squeeze3A, %dma_start3A_30] : memref<128x1024xf32, #tpu.memory_space<vmem_shared>> -> memref<1x1024xf32, #tpu.memory_space<vmem_shared>>
      %dma_start3A_32 = tpu.memref_squeeze %dma_start3A_31 : memref<1x1024xf32, #tpu.memory_space<vmem_shared>> -> memref<1024xf32, #tpu.memory_space<vmem_shared>>
      tpu.enqueue_dma source(%dma_start3A_32 : memref<1024xf32, #tpu.memory_space<vmem_shared>>) target(%dma_start3A_29 : memref<1024xf32, #tpu.memory_space<vmem>>) target_semaphore(%arg8 : memref<!tpu.dma_semaphore, #tpu.memory_space<semaphore_mem>>)
      %slice3A_33 = vector.extract_strided_slice %get3A_17 {offsets = [1], sizes = [1], strides = [1]} : vector<16xi32> to vector<1xi32>
      %squeeze3A_34 = vector.extract %slice3A_33[0] : i32 from vector<1xi32>
      %dma_start3A_35 = arith.constant 1 : i32
      %dma_start3A_36 = arith.constant 0 : i32
      %dma_start3A_37 = tpu.memref_slice %arg6[%dma_start3A_35, %dma_start3A_36] : memref<32x1024xf32, #tpu.memory_space<vmem>> -> memref<1x1024xf32, #tpu.memory_space<vmem>>
      %dma_start3A_38 = tpu.memref_squeeze %dma_start3A_37 : memref<1x1024xf32, #tpu.memory_space<vmem>> -> memref<1024xf32, #tpu.memory_space<vmem>>
      %dma_start3A_39 = arith.constant 0 : i32
      %dma_start3A_40 = tpu.memref_slice %arg7[%squeeze3A_34, %dma_start3A_39] : memref<128x1024xf32, #tpu.memory_space<vmem_shared>> -> memref<1x1024xf32, #tpu.memory_space<vmem_shared>>
      %dma_start3A_41 = tpu.memref_squeeze %dma_start3A_40 : memref<1x1024xf32, #tpu.memory_space<vmem_shared>> -> memref<1024xf32, #tpu.memory_space<vmem_shared>>
      %dma_start3A_42 = arith.constant 0 : i32
      %dma_start3A_43 = tpu.memref_slice %arg6[%dma_start3A_35, %dma_start3A_42] : memref<32x1024xf32, #tpu.memory_space<vmem>> -> memref<1x1024xf32, #tpu.memory_space<vmem>>
      %dma_start3A_44 = tpu.memref_squeeze %dma_start3A_43 : memref<1x1024xf32, #tpu.memory_space<vmem>> -> memref<1024xf32, #tpu.memory_space<vmem>>
      %dma_start3A_45 = arith.constant 0 : i32
      %dma_start3A_46 = tpu.memref_slice %arg7[%squeeze3A_34, %dma_start3A_45] : memref<128x1024xf32, #tpu.memory_space<vmem_shared>> -> memref<1x1024xf32, #tpu.memory_space<vmem_shared>>
      %dma_start3A_47 = tpu.memref_squeeze %dma_start3A_46 : memref<1x1024xf32, #tpu.memory_space<vmem_shared>> -> memref<1024xf32, #tpu.memory_space<vmem_shared>>
      tpu.enqueue_dma source(%dma_start3A_47 : memref<1024xf32, #tpu.memory_space<vmem_shared>>) target(%dma_start3A_44 : memref<1024xf32, #tpu.memory_space<vmem>>) target_semaphore(%arg8 : memref<!tpu.dma_semaphore, #tpu.memory_space<semaphore_mem>>)
      %slice3A_48 = vector.extract_strided_slice %get3A_17 {offsets = [2], sizes = [1], strides = [1]} : vector<16xi32> to vector<1xi32>
      %squeeze3A_49 = vector.extract %slice3A_48[0] : i32 from vector<1xi32>
      %dma_start3A_50 = arith.constant 2 : i32
      %dma_start3A_51 = arith.constant 0 : i32
      %dma_start3A_52 = tpu.memref_slice %arg6[%dma_start3A_50, %dma_start3A_51] : memref<32x1024xf32, #tpu.memory_space<vmem>> -> memref<1x1024xf32, #tpu.memory_space<vmem>>
      %dma_start3A_53 = tpu.memref_squeeze %dma_start3A_52 : memref<1x1024xf32, #tpu.memory_space<vmem>> -> memref<1024xf32, #tpu.memory_space<vmem>>
      %dma_start3A_54 = arith.constant 0 : i32
      %dma_start3A_55 = tpu.memref_slice %arg7[%squeeze3A_49, %dma_start3A_54] : memref<128x1024xf32, #tpu.memory_space<vmem_shared>> -> memref<1x1024xf32, #tpu.memory_space<vmem_shared>>
      %dma_start3A_56 = tpu.memref_squeeze %dma_start3A_55 : memref<1x1024xf32, #tpu.memory_space<vmem_shared>> -> memref<1024xf32, #tpu.memory_space<vmem_shared>>
      %dma_start3A_57 = arith.constant 0 : i32
      %dma_start3A_58 = tpu.memref_slice %arg6[%dma_start3A_50, %dma_start3A_57] : memref<32x1024xf32, #tpu.memory_space<vmem>> -> memref<1x1024xf32, #tpu.memory_space<vmem>>
      %dma_start3A_59 = tpu.memref_squeeze %dma_start3A_58 : memref<1x1024xf32, #tpu.memory_space<vmem>> -> memref<1024xf32, #tpu.memory_space<vmem>>
      %dma_start3A_60 = arith.constant 0 : i32
      %dma_start3A_61 = tpu.memref_slice %arg7[%squeeze3A_49, %dma_start3A_60] : memref<128x1024xf32, #tpu.memory_space<vmem_shared>> -> memref<1x1024xf32, #tpu.memory_space<vmem_shared>>
      %dma_start3A_62 = tpu.memref_squeeze %dma_start3A_61 : memref<1x1024xf32, #tpu.memory_space<vmem_shared>> -> memref<1024xf32, #tpu.memory_space<vmem_shared>>
      tpu.enqueue_dma source(%dma_start3A_62 : memref<1024xf32, #tpu.memory_space<vmem_shared>>) target(%dma_start3A_59 : memref<1024xf32, #tpu.memory_space<vmem>>) target_semaphore(%arg8 : memref<!tpu.dma_semaphore, #tpu.memory_space<semaphore_mem>>)
      %slice3A_63 = vector.extract_strided_slice %get3A_17 {offsets = [3], sizes = [1], strides = [1]} : vector<16xi32> to vector<1xi32>
      %squeeze3A_64 = vector.extract %slice3A_63[0] : i32 from vector<1xi32>
      %dma_start3A_65 = arith.constant 3 : i32
      %dma_start3A_66 = arith.constant 0 : i32
      %dma_start3A_67 = tpu.memref_slice %arg6[%dma_start3A_65, %dma_start3A_66] : memref<32x1024xf32, #tpu.memory_space<vmem>> -> memref<1x1024xf32, #tpu.memory_space<vmem>>
      %dma_start3A_68 = tpu.memref_squeeze %dma_start3A_67 : memref<1x1024xf32, #tpu.memory_space<vmem>> -> memref<1024xf32, #tpu.memory_space<vmem>>
      %dma_start3A_69 = arith.constant 0 : i32
      %dma_start3A_70 = tpu.memref_slice %arg7[%squeeze3A_64, %dma_start3A_69] : memref<128x1024xf32, #tpu.memory_space<vmem_shared>> -> memref<1x1024xf32, #tpu.memory_space<vmem_shared>>
      %dma_start3A_71 = tpu.memref_squeeze %dma_start3A_70 : memref<1x1024xf32, #tpu.memory_space<vmem_shared>> -> memref<1024xf32, #tpu.memory_space<vmem_shared>>
      %dma_start3A_72 = arith.constant 0 : i32
      %dma_start3A_73 = tpu.memref_slice %arg6[%dma_start3A_65, %dma_start3A_72] : memref<32x1024xf32, #tpu.memory_space<vmem>> -> memref<1x1024xf32, #tpu.memory_space<vmem>>
      %dma_start3A_74 = tpu.memref_squeeze %dma_start3A_73 : memref<1x1024xf32, #tpu.memory_space<vmem>> -> memref<1024xf32, #tpu.memory_space<vmem>>
      %dma_start3A_75 = arith.constant 0 : i32
      %dma_start3A_76 = tpu.memref_slice %arg7[%squeeze3A_64, %dma_start3A_75] : memref<128x1024xf32, #tpu.memory_space<vmem_shared>> -> memref<1x1024xf32, #tpu.memory_space<vmem_shared>>
      %dma_start3A_77 = tpu.memref_squeeze %dma_start3A_76 : memref<1x1024xf32, #tpu.memory_space<vmem_shared>> -> memref<1024xf32, #tpu.memory_space<vmem_shared>>
      tpu.enqueue_dma source(%dma_start3A_77 : memref<1024xf32, #tpu.memory_space<vmem_shared>>) target(%dma_start3A_74 : memref<1024xf32, #tpu.memory_space<vmem>>) target_semaphore(%arg8 : memref<!tpu.dma_semaphore, #tpu.memory_space<semaphore_mem>>)
      %slice3A_78 = vector.extract_strided_slice %get3A_17 {offsets = [4], sizes = [1], strides = [1]} : vector<16xi32> to vector<1xi32>
      %squeeze3A_79 = vector.extract %slice3A_78[0] : i32 from vector<1xi32>
      %dma_start3A_80 = arith.constant 4 : i32
      %dma_start3A_81 = arith.constant 0 : i32
      %dma_start3A_82 = tpu.memref_slice %arg6[%dma_start3A_80, %dma_start3A_81] : memref<32x1024xf32, #tpu.memory_space<vmem>> -> memref<1x1024xf32, #tpu.memory_space<vmem>>
      %dma_start3A_83 = tpu.memref_squeeze %dma_start3A_82 : memref<1x1024xf32, #tpu.memory_space<vmem>> -> memref<1024xf32, #tpu.memory_space<vmem>>
      %dma_start3A_84 = arith.constant 0 : i32
      %dma_start3A_85 = tpu.memref_slice %arg7[%squeeze3A_79, %dma_start3A_84] : memref<128x1024xf32, #tpu.memory_space<vmem_shared>> -> memref<1x1024xf32, #tpu.memory_space<vmem_shared>>
      %dma_start3A_86 = tpu.memref_squeeze %dma_start3A_85 : memref<1x1024xf32, #tpu.memory_space<vmem_shared>> -> memref<1024xf32, #tpu.memory_space<vmem_shared>>
      %dma_start3A_87 = arith.constant 0 : i32
      %dma_start3A_88 = tpu.memref_slice %arg6[%dma_start3A_80, %dma_start3A_87] : memref<32x1024xf32, #tpu.memory_space<vmem>> -> memref<1x1024xf32, #tpu.memory_space<vmem>>
      %dma_start3A_89 = tpu.memref_squeeze %dma_start3A_88 : memref<1x1024xf32, #tpu.memory_space<vmem>> -> memref<1024xf32, #tpu.memory_space<vmem>>
      %dma_start3A_90 = arith.constant 0 : i32
      %dma_start3A_91 = tpu.memref_slice %arg7[%squeeze3A_79, %dma_start3A_90] : memref<128x1024xf32, #tpu.memory_space<vmem_shared>> -> memref<1x1024xf32, #tpu.memory_space<vmem_shared>>
      %dma_start3A_92 = tpu.memref_squeeze %dma_start3A_91 : memref<1x1024xf32, #tpu.memory_space<vmem_shared>> -> memref<1024xf32, #tpu.memory_space<vmem_shared>>
      tpu.enqueue_dma source(%dma_start3A_92 : memref<1024xf32, #tpu.memory_space<vmem_shared>>) target(%dma_start3A_89 : memref<1024xf32, #tpu.memory_space<vmem>>) target_semaphore(%arg8 : memref<!tpu.dma_semaphore, #tpu.memory_space<semaphore_mem>>)
      %slice3A_93 = vector.extract_strided_slice %get3A_17 {offsets = [5], sizes = [1], strides = [1]} : vector<16xi32> to vector<1xi32>
      %squeeze3A_94 = vector.extract %slice3A_93[0] : i32 from vector<1xi32>
      %dma_start3A_95 = arith.constant 5 : i32
      %dma_start3A_96 = arith.constant 0 : i32
      %dma_start3A_97 = tpu.memref_slice %arg6[%dma_start3A_95, %dma_start3A_96] : memref<32x1024xf32, #tpu.memory_space<vmem>> -> memref<1x1024xf32, #tpu.memory_space<vmem>>
      %dma_start3A_98 = tpu.memref_squeeze %dma_start3A_97 : memref<1x1024xf32, #tpu.memory_space<vmem>> -> memref<1024xf32, #tpu.memory_space<vmem>>
      %dma_start3A_99 = arith.constant 0 : i32
      %dma_start3A_100 = tpu.memref_slice %arg7[%squeeze3A_94, %dma_start3A_99] : memref<128x1024xf32, #tpu.memory_space<vmem_shared>> -> memref<1x1024xf32, #tpu.memory_space<vmem_shared>>
      %dma_start3A_101 = tpu.memref_squeeze %dma_start3A_100 : memref<1x1024xf32, #tpu.memory_space<vmem_shared>> -> memref<1024xf32, #tpu.memory_space<vmem_shared>>
      %dma_start3A_102 = arith.constant 0 : i32
      %dma_start3A_103 = tpu.memref_slice %arg6[%dma_start3A_95, %dma_start3A_102] : memref<32x1024xf32, #tpu.memory_space<vmem>> -> memref<1x1024xf32, #tpu.memory_space<vmem>>
      %dma_start3A_104 = tpu.memref_squeeze %dma_start3A_103 : memref<1x1024xf32, #tpu.memory_space<vmem>> -> memref<1024xf32, #tpu.memory_space<vmem>>
      %dma_start3A_105 = arith.constant 0 : i32
      %dma_start3A_106 = tpu.memref_slice %arg7[%squeeze3A_94, %dma_start3A_105] : memref<128x1024xf32, #tpu.memory_space<vmem_shared>> -> memref<1x1024xf32, #tpu.memory_space<vmem_shared>>
      %dma_start3A_107 = tpu.memref_squeeze %dma_start3A_106 : memref<1x1024xf32, #tpu.memory_space<vmem_shared>> -> memref<1024xf32, #tpu.memory_space<vmem_shared>>
      tpu.enqueue_dma source(%dma_start3A_107 : memref<1024xf32, #tpu.memory_space<vmem_shared>>) target(%dma_start3A_104 : memref<1024xf32, #tpu.memory_space<vmem>>) target_semaphore(%arg8 : memref<!tpu.dma_semaphore, #tpu.memory_space<semaphore_mem>>)
      %slice3A_108 = vector.extract_strided_slice %get3A_17 {offsets = [6], sizes = [1], strides = [1]} : vector<16xi32> to vector<1xi32>
      %squeeze3A_109 = vector.extract %slice3A_108[0] : i32 from vector<1xi32>
      %dma_start3A_110 = arith.constant 6 : i32
      %dma_start3A_111 = arith.constant 0 : i32
      %dma_start3A_112 = tpu.memref_slice %arg6[%dma_start3A_110, %dma_start3A_111] : memref<32x1024xf32, #tpu.memory_space<vmem>> -> memref<1x1024xf32, #tpu.memory_space<vmem>>
      %dma_start3A_113 = tpu.memref_squeeze %dma_start3A_112 : memref<1x1024xf32, #tpu.memory_space<vmem>> -> memref<1024xf32, #tpu.memory_space<vmem>>
      %dma_start3A_114 = arith.constant 0 : i32
      %dma_start3A_115 = tpu.memref_slice %arg7[%squeeze3A_109, %dma_start3A_114] : memref<128x1024xf32, #tpu.memory_space<vmem_shared>> -> memref<1x1024xf32, #tpu.memory_space<vmem_shared>>
      %dma_start3A_116 = tpu.memref_squeeze %dma_start3A_115 : memref<1x1024xf32, #tpu.memory_space<vmem_shared>> -> memref<1024xf32, #tpu.memory_space<vmem_shared>>
      %dma_start3A_117 = arith.constant 0 : i32
      %dma_start3A_118 = tpu.memref_slice %arg6[%dma_start3A_110, %dma_start3A_117] : memref<32x1024xf32, #tpu.memory_space<vmem>> -> memref<1x1024xf32, #tpu.memory_space<vmem>>
      %dma_start3A_119 = tpu.memref_squeeze %dma_start3A_118 : memref<1x1024xf32, #tpu.memory_space<vmem>> -> memref<1024xf32, #tpu.memory_space<vmem>>
      %dma_start3A_120 = arith.constant 0 : i32
      %dma_start3A_121 = tpu.memref_slice %arg7[%squeeze3A_109, %dma_start3A_120] : memref<128x1024xf32, #tpu.memory_space<vmem_shared>> -> memref<1x1024xf32, #tpu.memory_space<vmem_shared>>
      %dma_start3A_122 = tpu.memref_squeeze %dma_start3A_121 : memref<1x1024xf32, #tpu.memory_space<vmem_shared>> -> memref<1024xf32, #tpu.memory_space<vmem_shared>>
      tpu.enqueue_dma source(%dma_start3A_122 : memref<1024xf32, #tpu.memory_space<vmem_shared>>) target(%dma_start3A_119 : memref<1024xf32, #tpu.memory_space<vmem>>) target_semaphore(%arg8 : memref<!tpu.dma_semaphore, #tpu.memory_space<semaphore_mem>>)
      %slice3A_123 = vector.extract_strided_slice %get3A_17 {offsets = [7], sizes = [1], strides = [1]} : vector<16xi32> to vector<1xi32>
      %squeeze3A_124 = vector.extract %slice3A_123[0] : i32 from vector<1xi32>
      %dma_start3A_125 = arith.constant 7 : i32
      %dma_start3A_126 = arith.constant 0 : i32
      %dma_start3A_127 = tpu.memref_slice %arg6[%dma_start3A_125, %dma_start3A_126] : memref<32x1024xf32, #tpu.memory_space<vmem>> -> memref<1x1024xf32, #tpu.memory_space<vmem>>
      %dma_start3A_128 = tpu.memref_squeeze %dma_start3A_127 : memref<1x1024xf32, #tpu.memory_space<vmem>> -> memref<1024xf32, #tpu.memory_space<vmem>>
      %dma_start3A_129 = arith.constant 0 : i32
      %dma_start3A_130 = tpu.memref_slice %arg7[%squeeze3A_124, %dma_start3A_129] : memref<128x1024xf32, #tpu.memory_space<vmem_shared>> -> memref<1x1024xf32, #tpu.memory_space<vmem_shared>>
      %dma_start3A_131 = tpu.memref_squeeze %dma_start3A_130 : memref<1x1024xf32, #tpu.memory_space<vmem_shared>> -> memref<1024xf32, #tpu.memory_space<vmem_shared>>
      %dma_start3A_132 = arith.constant 0 : i32
      %dma_start3A_133 = tpu.memref_slice %arg6[%dma_start3A_125, %dma_start3A_132] : memref<32x1024xf32, #tpu.memory_space<vmem>> -> memref<1x1024xf32, #tpu.memory_space<vmem>>
      %dma_start3A_134 = tpu.memref_squeeze %dma_start3A_133 : memref<1x1024xf32, #tpu.memory_space<vmem>> -> memref<1024xf32, #tpu.memory_space<vmem>>
      %dma_start3A_135 = arith.constant 0 : i32
      %dma_start3A_136 = tpu.memref_slice %arg7[%squeeze3A_124, %dma_start3A_135] : memref<128x1024xf32, #tpu.memory_space<vmem_shared>> -> memref<1x1024xf32, #tpu.memory_space<vmem_shared>>
      %dma_start3A_137 = tpu.memref_squeeze %dma_start3A_136 : memref<1x1024xf32, #tpu.memory_space<vmem_shared>> -> memref<1024xf32, #tpu.memory_space<vmem_shared>>
      tpu.enqueue_dma source(%dma_start3A_137 : memref<1024xf32, #tpu.memory_space<vmem_shared>>) target(%dma_start3A_134 : memref<1024xf32, #tpu.memory_space<vmem>>) target_semaphore(%arg8 : memref<!tpu.dma_semaphore, #tpu.memory_space<semaphore_mem>>)
      %slice3A_138 = vector.extract_strided_slice %get3A_17 {offsets = [8], sizes = [1], strides = [1]} : vector<16xi32> to vector<1xi32>
      %squeeze3A_139 = vector.extract %slice3A_138[0] : i32 from vector<1xi32>
      %dma_start3A_140 = arith.constant 8 : i32
      %dma_start3A_141 = arith.constant 0 : i32
      %dma_start3A_142 = tpu.memref_slice %arg6[%dma_start3A_140, %dma_start3A_141] : memref<32x1024xf32, #tpu.memory_space<vmem>> -> memref<1x1024xf32, #tpu.memory_space<vmem>>
      %dma_start3A_143 = tpu.memref_squeeze %dma_start3A_142 : memref<1x1024xf32, #tpu.memory_space<vmem>> -> memref<1024xf32, #tpu.memory_space<vmem>>
      %dma_start3A_144 = arith.constant 0 : i32
      %dma_start3A_145 = tpu.memref_slice %arg7[%squeeze3A_139, %dma_start3A_144] : memref<128x1024xf32, #tpu.memory_space<vmem_shared>> -> memref<1x1024xf32, #tpu.memory_space<vmem_shared>>
      %dma_start3A_146 = tpu.memref_squeeze %dma_start3A_145 : memref<1x1024xf32, #tpu.memory_space<vmem_shared>> -> memref<1024xf32, #tpu.memory_space<vmem_shared>>
      %dma_start3A_147 = arith.constant 0 : i32
      %dma_start3A_148 = tpu.memref_slice %arg6[%dma_start3A_140, %dma_start3A_147] : memref<32x1024xf32, #tpu.memory_space<vmem>> -> memref<1x1024xf32, #tpu.memory_space<vmem>>
      %dma_start3A_149 = tpu.memref_squeeze %dma_start3A_148 : memref<1x1024xf32, #tpu.memory_space<vmem>> -> memref<1024xf32, #tpu.memory_space<vmem>>
      %dma_start3A_150 = arith.constant 0 : i32
      %dma_start3A_151 = tpu.memref_slice %arg7[%squeeze3A_139, %dma_start3A_150] : memref<128x1024xf32, #tpu.memory_space<vmem_shared>> -> memref<1x1024xf32, #tpu.memory_space<vmem_shared>>
      %dma_start3A_152 = tpu.memref_squeeze %dma_start3A_151 : memref<1x1024xf32, #tpu.memory_space<vmem_shared>> -> memref<1024xf32, #tpu.memory_space<vmem_shared>>
      tpu.enqueue_dma source(%dma_start3A_152 : memref<1024xf32, #tpu.memory_space<vmem_shared>>) target(%dma_start3A_149 : memref<1024xf32, #tpu.memory_space<vmem>>) target_semaphore(%arg8 : memref<!tpu.dma_semaphore, #tpu.memory_space<semaphore_mem>>)
      %slice3A_153 = vector.extract_strided_slice %get3A_17 {offsets = [9], sizes = [1], strides = [1]} : vector<16xi32> to vector<1xi32>
      %squeeze3A_154 = vector.extract %slice3A_153[0] : i32 from vector<1xi32>
      %dma_start3A_155 = arith.constant 9 : i32
      %dma_start3A_156 = arith.constant 0 : i32
      %dma_start3A_157 = tpu.memref_slice %arg6[%dma_start3A_155, %dma_start3A_156] : memref<32x1024xf32, #tpu.memory_space<vmem>> -> memref<1x1024xf32, #tpu.memory_space<vmem>>
      %dma_start3A_158 = tpu.memref_squeeze %dma_start3A_157 : memref<1x1024xf32, #tpu.memory_space<vmem>> -> memref<1024xf32, #tpu.memory_space<vmem>>
      %dma_start3A_159 = arith.constant 0 : i32
      %dma_start3A_160 = tpu.memref_slice %arg7[%squeeze3A_154, %dma_start3A_159] : memref<128x1024xf32, #tpu.memory_space<vmem_shared>> -> memref<1x1024xf32, #tpu.memory_space<vmem_shared>>
      %dma_start3A_161 = tpu.memref_squeeze %dma_start3A_160 : memref<1x1024xf32, #tpu.memory_space<vmem_shared>> -> memref<1024xf32, #tpu.memory_space<vmem_shared>>
      %dma_start3A_162 = arith.constant 0 : i32
      %dma_start3A_163 = tpu.memref_slice %arg6[%dma_start3A_155, %dma_start3A_162] : memref<32x1024xf32, #tpu.memory_space<vmem>> -> memref<1x1024xf32, #tpu.memory_space<vmem>>
      %dma_start3A_164 = tpu.memref_squeeze %dma_start3A_163 : memref<1x1024xf32, #tpu.memory_space<vmem>> -> memref<1024xf32, #tpu.memory_space<vmem>>
      %dma_start3A_165 = arith.constant 0 : i32
      %dma_start3A_166 = tpu.memref_slice %arg7[%squeeze3A_154, %dma_start3A_165] : memref<128x1024xf32, #tpu.memory_space<vmem_shared>> -> memref<1x1024xf32, #tpu.memory_space<vmem_shared>>
      %dma_start3A_167 = tpu.memref_squeeze %dma_start3A_166 : memref<1x1024xf32, #tpu.memory_space<vmem_shared>> -> memref<1024xf32, #tpu.memory_space<vmem_shared>>
      tpu.enqueue_dma source(%dma_start3A_167 : memref<1024xf32, #tpu.memory_space<vmem_shared>>) target(%dma_start3A_164 : memref<1024xf32, #tpu.memory_space<vmem>>) target_semaphore(%arg8 : memref<!tpu.dma_semaphore, #tpu.memory_space<semaphore_mem>>)
      %slice3A_168 = vector.extract_strided_slice %get3A_17 {offsets = [10], sizes = [1], strides = [1]} : vector<16xi32> to vector<1xi32>
      %squeeze3A_169 = vector.extract %slice3A_168[0] : i32 from vector<1xi32>
      %dma_start3A_170 = arith.constant 10 : i32
      %dma_start3A_171 = arith.constant 0 : i32
      %dma_start3A_172 = tpu.memref_slice %arg6[%dma_start3A_170, %dma_start3A_171] : memref<32x1024xf32, #tpu.memory_space<vmem>> -> memref<1x1024xf32, #tpu.memory_space<vmem>>
      %dma_start3A_173 = tpu.memref_squeeze %dma_start3A_172 : memref<1x1024xf32, #tpu.memory_space<vmem>> -> memref<1024xf32, #tpu.memory_space<vmem>>
      %dma_start3A_174 = arith.constant 0 : i32
      %dma_start3A_175 = tpu.memref_slice %arg7[%squeeze3A_169, %dma_start3A_174] : memref<128x1024xf32, #tpu.memory_space<vmem_shared>> -> memref<1x1024xf32, #tpu.memory_space<vmem_shared>>
      %dma_start3A_176 = tpu.memref_squeeze %dma_start3A_175 : memref<1x1024xf32, #tpu.memory_space<vmem_shared>> -> memref<1024xf32, #tpu.memory_space<vmem_shared>>
      %dma_start3A_177 = arith.constant 0 : i32
      %dma_start3A_178 = tpu.memref_slice %arg6[%dma_start3A_170, %dma_start3A_177] : memref<32x1024xf32, #tpu.memory_space<vmem>> -> memref<1x1024xf32, #tpu.memory_space<vmem>>
      %dma_start3A_179 = tpu.memref_squeeze %dma_start3A_178 : memref<1x1024xf32, #tpu.memory_space<vmem>> -> memref<1024xf32, #tpu.memory_space<vmem>>
      %dma_start3A_180 = arith.constant 0 : i32
      %dma_start3A_181 = tpu.memref_slice %arg7[%squeeze3A_169, %dma_start3A_180] : memref<128x1024xf32, #tpu.memory_space<vmem_shared>> -> memref<1x1024xf32, #tpu.memory_space<vmem_shared>>
      %dma_start3A_182 = tpu.memref_squeeze %dma_start3A_181 : memref<1x1024xf32, #tpu.memory_space<vmem_shared>> -> memref<1024xf32, #tpu.memory_space<vmem_shared>>
      tpu.enqueue_dma source(%dma_start3A_182 : memref<1024xf32, #tpu.memory_space<vmem_shared>>) target(%dma_start3A_179 : memref<1024xf32, #tpu.memory_space<vmem>>) target_semaphore(%arg8 : memref<!tpu.dma_semaphore, #tpu.memory_space<semaphore_mem>>)
      %slice3A_183 = vector.extract_strided_slice %get3A_17 {offsets = [11], sizes = [1], strides = [1]} : vector<16xi32> to vector<1xi32>
      %squeeze3A_184 = vector.extract %slice3A_183[0] : i32 from vector<1xi32>
      %dma_start3A_185 = arith.constant 11 : i32
      %dma_start3A_186 = arith.constant 0 : i32
      %dma_start3A_187 = tpu.memref_slice %arg6[%dma_start3A_185, %dma_start3A_186] : memref<32x1024xf32, #tpu.memory_space<vmem>> -> memref<1x1024xf32, #tpu.memory_space<vmem>>
      %dma_start3A_188 = tpu.memref_squeeze %dma_start3A_187 : memref<1x1024xf32, #tpu.memory_space<vmem>> -> memref<1024xf32, #tpu.memory_space<vmem>>
      %dma_start3A_189 = arith.constant 0 : i32
      %dma_start3A_190 = tpu.memref_slice %arg7[%squeeze3A_184, %dma_start3A_189] : memref<128x1024xf32, #tpu.memory_space<vmem_shared>> -> memref<1x1024xf32, #tpu.memory_space<vmem_shared>>
      %dma_start3A_191 = tpu.memref_squeeze %dma_start3A_190 : memref<1x1024xf32, #tpu.memory_space<vmem_shared>> -> memref<1024xf32, #tpu.memory_space<vmem_shared>>
      %dma_start3A_192 = arith.constant 0 : i32
      %dma_start3A_193 = tpu.memref_slice %arg6[%dma_start3A_185, %dma_start3A_192] : memref<32x1024xf32, #tpu.memory_space<vmem>> -> memref<1x1024xf32, #tpu.memory_space<vmem>>
      %dma_start3A_194 = tpu.memref_squeeze %dma_start3A_193 : memref<1x1024xf32, #tpu.memory_space<vmem>> -> memref<1024xf32, #tpu.memory_space<vmem>>
      %dma_start3A_195 = arith.constant 0 : i32
      %dma_start3A_196 = tpu.memref_slice %arg7[%squeeze3A_184, %dma_start3A_195] : memref<128x1024xf32, #tpu.memory_space<vmem_shared>> -> memref<1x1024xf32, #tpu.memory_space<vmem_shared>>
      %dma_start3A_197 = tpu.memref_squeeze %dma_start3A_196 : memref<1x1024xf32, #tpu.memory_space<vmem_shared>> -> memref<1024xf32, #tpu.memory_space<vmem_shared>>
      tpu.enqueue_dma source(%dma_start3A_197 : memref<1024xf32, #tpu.memory_space<vmem_shared>>) target(%dma_start3A_194 : memref<1024xf32, #tpu.memory_space<vmem>>) target_semaphore(%arg8 : memref<!tpu.dma_semaphore, #tpu.memory_space<semaphore_mem>>)
      %slice3A_198 = vector.extract_strided_slice %get3A_17 {offsets = [12], sizes = [1], strides = [1]} : vector<16xi32> to vector<1xi32>
      %squeeze3A_199 = vector.extract %slice3A_198[0] : i32 from vector<1xi32>
      %dma_start3A_200 = arith.constant 12 : i32
      %dma_start3A_201 = arith.constant 0 : i32
      %dma_start3A_202 = tpu.memref_slice %arg6[%dma_start3A_200, %dma_start3A_201] : memref<32x1024xf32, #tpu.memory_space<vmem>> -> memref<1x1024xf32, #tpu.memory_space<vmem>>
      %dma_start3A_203 = tpu.memref_squeeze %dma_start3A_202 : memref<1x1024xf32, #tpu.memory_space<vmem>> -> memref<1024xf32, #tpu.memory_space<vmem>>
      %dma_start3A_204 = arith.constant 0 : i32
      %dma_start3A_205 = tpu.memref_slice %arg7[%squeeze3A_199, %dma_start3A_204] : memref<128x1024xf32, #tpu.memory_space<vmem_shared>> -> memref<1x1024xf32, #tpu.memory_space<vmem_shared>>
      %dma_start3A_206 = tpu.memref_squeeze %dma_start3A_205 : memref<1x1024xf32, #tpu.memory_space<vmem_shared>> -> memref<1024xf32, #tpu.memory_space<vmem_shared>>
      %dma_start3A_207 = arith.constant 0 : i32
      %dma_start3A_208 = tpu.memref_slice %arg6[%dma_start3A_200, %dma_start3A_207] : memref<32x1024xf32, #tpu.memory_space<vmem>> -> memref<1x1024xf32, #tpu.memory_space<vmem>>
      %dma_start3A_209 = tpu.memref_squeeze %dma_start3A_208 : memref<1x1024xf32, #tpu.memory_space<vmem>> -> memref<1024xf32, #tpu.memory_space<vmem>>
      %dma_start3A_210 = arith.constant 0 : i32
      %dma_start3A_211 = tpu.memref_slice %arg7[%squeeze3A_199, %dma_start3A_210] : memref<128x1024xf32, #tpu.memory_space<vmem_shared>> -> memref<1x1024xf32, #tpu.memory_space<vmem_shared>>
      %dma_start3A_212 = tpu.memref_squeeze %dma_start3A_211 : memref<1x1024xf32, #tpu.memory_space<vmem_shared>> -> memref<1024xf32, #tpu.memory_space<vmem_shared>>
      tpu.enqueue_dma source(%dma_start3A_212 : memref<1024xf32, #tpu.memory_space<vmem_shared>>) target(%dma_start3A_209 : memref<1024xf32, #tpu.memory_space<vmem>>) target_semaphore(%arg8 : memref<!tpu.dma_semaphore, #tpu.memory_space<semaphore_mem>>)
      %slice3A_213 = vector.extract_strided_slice %get3A_17 {offsets = [13], sizes = [1], strides = [1]} : vector<16xi32> to vector<1xi32>
      %squeeze3A_214 = vector.extract %slice3A_213[0] : i32 from vector<1xi32>
      %dma_start3A_215 = arith.constant 13 : i32
      %dma_start3A_216 = arith.constant 0 : i32
      %dma_start3A_217 = tpu.memref_slice %arg6[%dma_start3A_215, %dma_start3A_216] : memref<32x1024xf32, #tpu.memory_space<vmem>> -> memref<1x1024xf32, #tpu.memory_space<vmem>>
      %dma_start3A_218 = tpu.memref_squeeze %dma_start3A_217 : memref<1x1024xf32, #tpu.memory_space<vmem>> -> memref<1024xf32, #tpu.memory_space<vmem>>
      %dma_start3A_219 = arith.constant 0 : i32
      %dma_start3A_220 = tpu.memref_slice %arg7[%squeeze3A_214, %dma_start3A_219] : memref<128x1024xf32, #tpu.memory_space<vmem_shared>> -> memref<1x1024xf32, #tpu.memory_space<vmem_shared>>
      %dma_start3A_221 = tpu.memref_squeeze %dma_start3A_220 : memref<1x1024xf32, #tpu.memory_space<vmem_shared>> -> memref<1024xf32, #tpu.memory_space<vmem_shared>>
      %dma_start3A_222 = arith.constant 0 : i32
      %dma_start3A_223 = tpu.memref_slice %arg6[%dma_start3A_215, %dma_start3A_222] : memref<32x1024xf32, #tpu.memory_space<vmem>> -> memref<1x1024xf32, #tpu.memory_space<vmem>>
      %dma_start3A_224 = tpu.memref_squeeze %dma_start3A_223 : memref<1x1024xf32, #tpu.memory_space<vmem>> -> memref<1024xf32, #tpu.memory_space<vmem>>
      %dma_start3A_225 = arith.constant 0 : i32
      %dma_start3A_226 = tpu.memref_slice %arg7[%squeeze3A_214, %dma_start3A_225] : memref<128x1024xf32, #tpu.memory_space<vmem_shared>> -> memref<1x1024xf32, #tpu.memory_space<vmem_shared>>
      %dma_start3A_227 = tpu.memref_squeeze %dma_start3A_226 : memref<1x1024xf32, #tpu.memory_space<vmem_shared>> -> memref<1024xf32, #tpu.memory_space<vmem_shared>>
      tpu.enqueue_dma source(%dma_start3A_227 : memref<1024xf32, #tpu.memory_space<vmem_shared>>) target(%dma_start3A_224 : memref<1024xf32, #tpu.memory_space<vmem>>) target_semaphore(%arg8 : memref<!tpu.dma_semaphore, #tpu.memory_space<semaphore_mem>>)
      %slice3A_228 = vector.extract_strided_slice %get3A_17 {offsets = [14], sizes = [1], strides = [1]} : vector<16xi32> to vector<1xi32>
      %squeeze3A_229 = vector.extract %slice3A_228[0] : i32 from vector<1xi32>
      %dma_start3A_230 = arith.constant 14 : i32
      %dma_start3A_231 = arith.constant 0 : i32
      %dma_start3A_232 = tpu.memref_slice %arg6[%dma_start3A_230, %dma_start3A_231] : memref<32x1024xf32, #tpu.memory_space<vmem>> -> memref<1x1024xf32, #tpu.memory_space<vmem>>
      %dma_start3A_233 = tpu.memref_squeeze %dma_start3A_232 : memref<1x1024xf32, #tpu.memory_space<vmem>> -> memref<1024xf32, #tpu.memory_space<vmem>>
      %dma_start3A_234 = arith.constant 0 : i32
      %dma_start3A_235 = tpu.memref_slice %arg7[%squeeze3A_229, %dma_start3A_234] : memref<128x1024xf32, #tpu.memory_space<vmem_shared>> -> memref<1x1024xf32, #tpu.memory_space<vmem_shared>>
      %dma_start3A_236 = tpu.memref_squeeze %dma_start3A_235 : memref<1x1024xf32, #tpu.memory_space<vmem_shared>> -> memref<1024xf32, #tpu.memory_space<vmem_shared>>
      %dma_start3A_237 = arith.constant 0 : i32
      %dma_start3A_238 = tpu.memref_slice %arg6[%dma_start3A_230, %dma_start3A_237] : memref<32x1024xf32, #tpu.memory_space<vmem>> -> memref<1x1024xf32, #tpu.memory_space<vmem>>
      %dma_start3A_239 = tpu.memref_squeeze %dma_start3A_238 : memref<1x1024xf32, #tpu.memory_space<vmem>> -> memref<1024xf32, #tpu.memory_space<vmem>>
      %dma_start3A_240 = arith.constant 0 : i32
      %dma_start3A_241 = tpu.memref_slice %arg7[%squeeze3A_229, %dma_start3A_240] : memref<128x1024xf32, #tpu.memory_space<vmem_shared>> -> memref<1x1024xf32, #tpu.memory_space<vmem_shared>>
      %dma_start3A_242 = tpu.memref_squeeze %dma_start3A_241 : memref<1x1024xf32, #tpu.memory_space<vmem_shared>> -> memref<1024xf32, #tpu.memory_space<vmem_shared>>
      tpu.enqueue_dma source(%dma_start3A_242 : memref<1024xf32, #tpu.memory_space<vmem_shared>>) target(%dma_start3A_239 : memref<1024xf32, #tpu.memory_space<vmem>>) target_semaphore(%arg8 : memref<!tpu.dma_semaphore, #tpu.memory_space<semaphore_mem>>)
      %slice3A_243 = vector.extract_strided_slice %get3A_17 {offsets = [15], sizes = [1], strides = [1]} : vector<16xi32> to vector<1xi32>
      %squeeze3A_244 = vector.extract %slice3A_243[0] : i32 from vector<1xi32>
      %dma_start3A_245 = arith.constant 15 : i32
      %dma_start3A_246 = arith.constant 0 : i32
      %dma_start3A_247 = tpu.memref_slice %arg6[%dma_start3A_245, %dma_start3A_246] : memref<32x1024xf32, #tpu.memory_space<vmem>> -> memref<1x1024xf32, #tpu.memory_space<vmem>>
      %dma_start3A_248 = tpu.memref_squeeze %dma_start3A_247 : memref<1x1024xf32, #tpu.memory_space<vmem>> -> memref<1024xf32, #tpu.memory_space<vmem>>
      %dma_start3A_249 = arith.constant 0 : i32
      %dma_start3A_250 = tpu.memref_slice %arg7[%squeeze3A_244, %dma_start3A_249] : memref<128x1024xf32, #tpu.memory_space<vmem_shared>> -> memref<1x1024xf32, #tpu.memory_space<vmem_shared>>
      %dma_start3A_251 = tpu.memref_squeeze %dma_start3A_250 : memref<1x1024xf32, #tpu.memory_space<vmem_shared>> -> memref<1024xf32, #tpu.memory_space<vmem_shared>>
      %dma_start3A_252 = arith.constant 0 : i32
      %dma_start3A_253 = tpu.memref_slice %arg6[%dma_start3A_245, %dma_start3A_252] : memref<32x1024xf32, #tpu.memory_space<vmem>> -> memref<1x1024xf32, #tpu.memory_space<vmem>>
      %dma_start3A_254 = tpu.memref_squeeze %dma_start3A_253 : memref<1x1024xf32, #tpu.memory_space<vmem>> -> memref<1024xf32, #tpu.memory_space<vmem>>
      %dma_start3A_255 = arith.constant 0 : i32
      %dma_start3A_256 = tpu.memref_slice %arg7[%squeeze3A_244, %dma_start3A_255] : memref<128x1024xf32, #tpu.memory_space<vmem_shared>> -> memref<1x1024xf32, #tpu.memory_space<vmem_shared>>
      %dma_start3A_257 = tpu.memref_squeeze %dma_start3A_256 : memref<1x1024xf32, #tpu.memory_space<vmem_shared>> -> memref<1024xf32, #tpu.memory_space<vmem_shared>>
      tpu.enqueue_dma source(%dma_start3A_257 : memref<1024xf32, #tpu.memory_space<vmem_shared>>) target(%dma_start3A_254 : memref<1024xf32, #tpu.memory_space<vmem>>) target_semaphore(%arg8 : memref<!tpu.dma_semaphore, #tpu.memory_space<semaphore_mem>>)
      %slice3A_258 = vector.extract_strided_slice %get3A_20 {offsets = [0], sizes = [1], strides = [1]} : vector<16xi32> to vector<1xi32>
      %squeeze3A_259 = vector.extract %slice3A_258[0] : i32 from vector<1xi32>
      %dma_start3A_260 = arith.constant 16 : i32
      %dma_start3A_261 = arith.constant 0 : i32
      %dma_start3A_262 = tpu.memref_slice %arg6[%dma_start3A_260, %dma_start3A_261] : memref<32x1024xf32, #tpu.memory_space<vmem>> -> memref<1x1024xf32, #tpu.memory_space<vmem>>
      %dma_start3A_263 = tpu.memref_squeeze %dma_start3A_262 : memref<1x1024xf32, #tpu.memory_space<vmem>> -> memref<1024xf32, #tpu.memory_space<vmem>>
      %dma_start3A_264 = arith.constant 0 : i32
      %dma_start3A_265 = tpu.memref_slice %arg7[%squeeze3A_259, %dma_start3A_264] : memref<128x1024xf32, #tpu.memory_space<vmem_shared>> -> memref<1x1024xf32, #tpu.memory_space<vmem_shared>>
      %dma_start3A_266 = tpu.memref_squeeze %dma_start3A_265 : memref<1x1024xf32, #tpu.memory_space<vmem_shared>> -> memref<1024xf32, #tpu.memory_space<vmem_shared>>
      %dma_start3A_267 = arith.constant 0 : i32
      %dma_start3A_268 = tpu.memref_slice %arg6[%dma_start3A_260, %dma_start3A_267] : memref<32x1024xf32, #tpu.memory_space<vmem>> -> memref<1x1024xf32, #tpu.memory_space<vmem>>
      %dma_start3A_269 = tpu.memref_squeeze %dma_start3A_268 : memref<1x1024xf32, #tpu.memory_space<vmem>> -> memref<1024xf32, #tpu.memory_space<vmem>>
      %dma_start3A_270 = arith.constant 0 : i32
      %dma_start3A_271 = tpu.memref_slice %arg7[%squeeze3A_259, %dma_start3A_270] : memref<128x1024xf32, #tpu.memory_space<vmem_shared>> -> memref<1x1024xf32, #tpu.memory_space<vmem_shared>>
      %dma_start3A_272 = tpu.memref_squeeze %dma_start3A_271 : memref<1x1024xf32, #tpu.memory_space<vmem_shared>> -> memref<1024xf32, #tpu.memory_space<vmem_shared>>
      tpu.enqueue_dma source(%dma_start3A_272 : memref<1024xf32, #tpu.memory_space<vmem_shared>>) target(%dma_start3A_269 : memref<1024xf32, #tpu.memory_space<vmem>>) target_semaphore(%arg8 : memref<!tpu.dma_semaphore, #tpu.memory_space<semaphore_mem>>)
      %slice3A_273 = vector.extract_strided_slice %get3A_20 {offsets = [1], sizes = [1], strides = [1]} : vector<16xi32> to vector<1xi32>
      %squeeze3A_274 = vector.extract %slice3A_273[0] : i32 from vector<1xi32>
      %dma_start3A_275 = arith.constant 17 : i32
      %dma_start3A_276 = arith.constant 0 : i32
      %dma_start3A_277 = tpu.memref_slice %arg6[%dma_start3A_275, %dma_start3A_276] : memref<32x1024xf32, #tpu.memory_space<vmem>> -> memref<1x1024xf32, #tpu.memory_space<vmem>>
      %dma_start3A_278 = tpu.memref_squeeze %dma_start3A_277 : memref<1x1024xf32, #tpu.memory_space<vmem>> -> memref<1024xf32, #tpu.memory_space<vmem>>
      %dma_start3A_279 = arith.constant 0 : i32
      %dma_start3A_280 = tpu.memref_slice %arg7[%squeeze3A_274, %dma_start3A_279] : memref<128x1024xf32, #tpu.memory_space<vmem_shared>> -> memref<1x1024xf32, #tpu.memory_space<vmem_shared>>
      %dma_start3A_281 = tpu.memref_squeeze %dma_start3A_280 : memref<1x1024xf32, #tpu.memory_space<vmem_shared>> -> memref<1024xf32, #tpu.memory_space<vmem_shared>>
      %dma_start3A_282 = arith.constant 0 : i32
      %dma_start3A_283 = tpu.memref_slice %arg6[%dma_start3A_275, %dma_start3A_282] : memref<32x1024xf32, #tpu.memory_space<vmem>> -> memref<1x1024xf32, #tpu.memory_space<vmem>>
      %dma_start3A_284 = tpu.memref_squeeze %dma_start3A_283 : memref<1x1024xf32, #tpu.memory_space<vmem>> -> memref<1024xf32, #tpu.memory_space<vmem>>
      %dma_start3A_285 = arith.constant 0 : i32
      %dma_start3A_286 = tpu.memref_slice %arg7[%squeeze3A_274, %dma_start3A_285] : memref<128x1024xf32, #tpu.memory_space<vmem_shared>> -> memref<1x1024xf32, #tpu.memory_space<vmem_shared>>
      %dma_start3A_287 = tpu.memref_squeeze %dma_start3A_286 : memref<1x1024xf32, #tpu.memory_space<vmem_shared>> -> memref<1024xf32, #tpu.memory_space<vmem_shared>>
      tpu.enqueue_dma source(%dma_start3A_287 : memref<1024xf32, #tpu.memory_space<vmem_shared>>) target(%dma_start3A_284 : memref<1024xf32, #tpu.memory_space<vmem>>) target_semaphore(%arg8 : memref<!tpu.dma_semaphore, #tpu.memory_space<semaphore_mem>>)
      %slice3A_288 = vector.extract_strided_slice %get3A_20 {offsets = [2], sizes = [1], strides = [1]} : vector<16xi32> to vector<1xi32>
      %squeeze3A_289 = vector.extract %slice3A_288[0] : i32 from vector<1xi32>
      %dma_start3A_290 = arith.constant 18 : i32
      %dma_start3A_291 = arith.constant 0 : i32
      %dma_start3A_292 = tpu.memref_slice %arg6[%dma_start3A_290, %dma_start3A_291] : memref<32x1024xf32, #tpu.memory_space<vmem>> -> memref<1x1024xf32, #tpu.memory_space<vmem>>
      %dma_start3A_293 = tpu.memref_squeeze %dma_start3A_292 : memref<1x1024xf32, #tpu.memory_space<vmem>> -> memref<1024xf32, #tpu.memory_space<vmem>>
      %dma_start3A_294 = arith.constant 0 : i32
      %dma_start3A_295 = tpu.memref_slice %arg7[%squeeze3A_289, %dma_start3A_294] : memref<128x1024xf32, #tpu.memory_space<vmem_shared>> -> memref<1x1024xf32, #tpu.memory_space<vmem_shared>>
      %dma_start3A_296 = tpu.memref_squeeze %dma_start3A_295 : memref<1x1024xf32, #tpu.memory_space<vmem_shared>> -> memref<1024xf32, #tpu.memory_space<vmem_shared>>
      %dma_start3A_297 = arith.constant 0 : i32
      %dma_start3A_298 = tpu.memref_slice %arg6[%dma_start3A_290, %dma_start3A_297] : memref<32x1024xf32, #tpu.memory_space<vmem>> -> memref<1x1024xf32, #tpu.memory_space<vmem>>
      %dma_start3A_299 = tpu.memref_squeeze %dma_start3A_298 : memref<1x1024xf32, #tpu.memory_space<vmem>> -> memref<1024xf32, #tpu.memory_space<vmem>>
      %dma_start3A_300 = arith.constant 0 : i32
      %dma_start3A_301 = tpu.memref_slice %arg7[%squeeze3A_289, %dma_start3A_300] : memref<128x1024xf32, #tpu.memory_space<vmem_shared>> -> memref<1x1024xf32, #tpu.memory_space<vmem_shared>>
      %dma_start3A_302 = tpu.memref_squeeze %dma_start3A_301 : memref<1x1024xf32, #tpu.memory_space<vmem_shared>> -> memref<1024xf32, #tpu.memory_space<vmem_shared>>
      tpu.enqueue_dma source(%dma_start3A_302 : memref<1024xf32, #tpu.memory_space<vmem_shared>>) target(%dma_start3A_299 : memref<1024xf32, #tpu.memory_space<vmem>>) target_semaphore(%arg8 : memref<!tpu.dma_semaphore, #tpu.memory_space<semaphore_mem>>)
      %slice3A_303 = vector.extract_strided_slice %get3A_20 {offsets = [3], sizes = [1], strides = [1]} : vector<16xi32> to vector<1xi32>
      %squeeze3A_304 = vector.extract %slice3A_303[0] : i32 from vector<1xi32>
      %dma_start3A_305 = arith.constant 19 : i32
      %dma_start3A_306 = arith.constant 0 : i32
      %dma_start3A_307 = tpu.memref_slice %arg6[%dma_start3A_305, %dma_start3A_306] : memref<32x1024xf32, #tpu.memory_space<vmem>> -> memref<1x1024xf32, #tpu.memory_space<vmem>>
      %dma_start3A_308 = tpu.memref_squeeze %dma_start3A_307 : memref<1x1024xf32, #tpu.memory_space<vmem>> -> memref<1024xf32, #tpu.memory_space<vmem>>
      %dma_start3A_309 = arith.constant 0 : i32
      %dma_start3A_310 = tpu.memref_slice %arg7[%squeeze3A_304, %dma_start3A_309] : memref<128x1024xf32, #tpu.memory_space<vmem_shared>> -> memref<1x1024xf32, #tpu.memory_space<vmem_shared>>
      %dma_start3A_311 = tpu.memref_squeeze %dma_start3A_310 : memref<1x1024xf32, #tpu.memory_space<vmem_shared>> -> memref<1024xf32, #tpu.memory_space<vmem_shared>>
      %dma_start3A_312 = arith.constant 0 : i32
      %dma_start3A_313 = tpu.memref_slice %arg6[%dma_start3A_305, %dma_start3A_312] : memref<32x1024xf32, #tpu.memory_space<vmem>> -> memref<1x1024xf32, #tpu.memory_space<vmem>>
      %dma_start3A_314 = tpu.memref_squeeze %dma_start3A_313 : memref<1x1024xf32, #tpu.memory_space<vmem>> -> memref<1024xf32, #tpu.memory_space<vmem>>
      %dma_start3A_315 = arith.constant 0 : i32
      %dma_start3A_316 = tpu.memref_slice %arg7[%squeeze3A_304, %dma_start3A_315] : memref<128x1024xf32, #tpu.memory_space<vmem_shared>> -> memref<1x1024xf32, #tpu.memory_space<vmem_shared>>
      %dma_start3A_317 = tpu.memref_squeeze %dma_start3A_316 : memref<1x1024xf32, #tpu.memory_space<vmem_shared>> -> memref<1024xf32, #tpu.memory_space<vmem_shared>>
      tpu.enqueue_dma source(%dma_start3A_317 : memref<1024xf32, #tpu.memory_space<vmem_shared>>) target(%dma_start3A_314 : memref<1024xf32, #tpu.memory_space<vmem>>) target_semaphore(%arg8 : memref<!tpu.dma_semaphore, #tpu.memory_space<semaphore_mem>>)
      %slice3A_318 = vector.extract_strided_slice %get3A_20 {offsets = [4], sizes = [1], strides = [1]} : vector<16xi32> to vector<1xi32>
      %squeeze3A_319 = vector.extract %slice3A_318[0] : i32 from vector<1xi32>
      %dma_start3A_320 = arith.constant 20 : i32
      %dma_start3A_321 = arith.constant 0 : i32
      %dma_start3A_322 = tpu.memref_slice %arg6[%dma_start3A_320, %dma_start3A_321] : memref<32x1024xf32, #tpu.memory_space<vmem>> -> memref<1x1024xf32, #tpu.memory_space<vmem>>
      %dma_start3A_323 = tpu.memref_squeeze %dma_start3A_322 : memref<1x1024xf32, #tpu.memory_space<vmem>> -> memref<1024xf32, #tpu.memory_space<vmem>>
      %dma_start3A_324 = arith.constant 0 : i32
      %dma_start3A_325 = tpu.memref_slice %arg7[%squeeze3A_319, %dma_start3A_324] : memref<128x1024xf32, #tpu.memory_space<vmem_shared>> -> memref<1x1024xf32, #tpu.memory_space<vmem_shared>>
      %dma_start3A_326 = tpu.memref_squeeze %dma_start3A_325 : memref<1x1024xf32, #tpu.memory_space<vmem_shared>> -> memref<1024xf32, #tpu.memory_space<vmem_shared>>
      %dma_start3A_327 = arith.constant 0 : i32
      %dma_start3A_328 = tpu.memref_slice %arg6[%dma_start3A_320, %dma_start3A_327] : memref<32x1024xf32, #tpu.memory_space<vmem>> -> memref<1x1024xf32, #tpu.memory_space<vmem>>
      %dma_start3A_329 = tpu.memref_squeeze %dma_start3A_328 : memref<1x1024xf32, #tpu.memory_space<vmem>> -> memref<1024xf32, #tpu.memory_space<vmem>>
      %dma_start3A_330 = arith.constant 0 : i32
      %dma_start3A_331 = tpu.memref_slice %arg7[%squeeze3A_319, %dma_start3A_330] : memref<128x1024xf32, #tpu.memory_space<vmem_shared>> -> memref<1x1024xf32, #tpu.memory_space<vmem_shared>>
      %dma_start3A_332 = tpu.memref_squeeze %dma_start3A_331 : memref<1x1024xf32, #tpu.memory_space<vmem_shared>> -> memref<1024xf32, #tpu.memory_space<vmem_shared>>
      tpu.enqueue_dma source(%dma_start3A_332 : memref<1024xf32, #tpu.memory_space<vmem_shared>>) target(%dma_start3A_329 : memref<1024xf32, #tpu.memory_space<vmem>>) target_semaphore(%arg8 : memref<!tpu.dma_semaphore, #tpu.memory_space<semaphore_mem>>)
      %slice3A_333 = vector.extract_strided_slice %get3A_20 {offsets = [5], sizes = [1], strides = [1]} : vector<16xi32> to vector<1xi32>
      %squeeze3A_334 = vector.extract %slice3A_333[0] : i32 from vector<1xi32>
      %dma_start3A_335 = arith.constant 21 : i32
      %dma_start3A_336 = arith.constant 0 : i32
      %dma_start3A_337 = tpu.memref_slice %arg6[%dma_start3A_335, %dma_start3A_336] : memref<32x1024xf32, #tpu.memory_space<vmem>> -> memref<1x1024xf32, #tpu.memory_space<vmem>>
      %dma_start3A_338 = tpu.memref_squeeze %dma_start3A_337 : memref<1x1024xf32, #tpu.memory_space<vmem>> -> memref<1024xf32, #tpu.memory_space<vmem>>
      %dma_start3A_339 = arith.constant 0 : i32
      %dma_start3A_340 = tpu.memref_slice %arg7[%squeeze3A_334, %dma_start3A_339] : memref<128x1024xf32, #tpu.memory_space<vmem_shared>> -> memref<1x1024xf32, #tpu.memory_space<vmem_shared>>
      %dma_start3A_341 = tpu.memref_squeeze %dma_start3A_340 : memref<1x1024xf32, #tpu.memory_space<vmem_shared>> -> memref<1024xf32, #tpu.memory_space<vmem_shared>>
      %dma_start3A_342 = arith.constant 0 : i32
      %dma_start3A_343 = tpu.memref_slice %arg6[%dma_start3A_335, %dma_start3A_342] : memref<32x1024xf32, #tpu.memory_space<vmem>> -> memref<1x1024xf32, #tpu.memory_space<vmem>>
      %dma_start3A_344 = tpu.memref_squeeze %dma_start3A_343 : memref<1x1024xf32, #tpu.memory_space<vmem>> -> memref<1024xf32, #tpu.memory_space<vmem>>
      %dma_start3A_345 = arith.constant 0 : i32
      %dma_start3A_346 = tpu.memref_slice %arg7[%squeeze3A_334, %dma_start3A_345] : memref<128x1024xf32, #tpu.memory_space<vmem_shared>> -> memref<1x1024xf32, #tpu.memory_space<vmem_shared>>
      %dma_start3A_347 = tpu.memref_squeeze %dma_start3A_346 : memref<1x1024xf32, #tpu.memory_space<vmem_shared>> -> memref<1024xf32, #tpu.memory_space<vmem_shared>>
      tpu.enqueue_dma source(%dma_start3A_347 : memref<1024xf32, #tpu.memory_space<vmem_shared>>) target(%dma_start3A_344 : memref<1024xf32, #tpu.memory_space<vmem>>) target_semaphore(%arg8 : memref<!tpu.dma_semaphore, #tpu.memory_space<semaphore_mem>>)
      %slice3A_348 = vector.extract_strided_slice %get3A_20 {offsets = [6], sizes = [1], strides = [1]} : vector<16xi32> to vector<1xi32>
      %squeeze3A_349 = vector.extract %slice3A_348[0] : i32 from vector<1xi32>
      %dma_start3A_350 = arith.constant 22 : i32
      %dma_start3A_351 = arith.constant 0 : i32
      %dma_start3A_352 = tpu.memref_slice %arg6[%dma_start3A_350, %dma_start3A_351] : memref<32x1024xf32, #tpu.memory_space<vmem>> -> memref<1x1024xf32, #tpu.memory_space<vmem>>
      %dma_start3A_353 = tpu.memref_squeeze %dma_start3A_352 : memref<1x1024xf32, #tpu.memory_space<vmem>> -> memref<1024xf32, #tpu.memory_space<vmem>>
      %dma_start3A_354 = arith.constant 0 : i32
      %dma_start3A_355 = tpu.memref_slice %arg7[%squeeze3A_349, %dma_start3A_354] : memref<128x1024xf32, #tpu.memory_space<vmem_shared>> -> memref<1x1024xf32, #tpu.memory_space<vmem_shared>>
      %dma_start3A_356 = tpu.memref_squeeze %dma_start3A_355 : memref<1x1024xf32, #tpu.memory_space<vmem_shared>> -> memref<1024xf32, #tpu.memory_space<vmem_shared>>
      %dma_start3A_357 = arith.constant 0 : i32
      %dma_start3A_358 = tpu.memref_slice %arg6[%dma_start3A_350, %dma_start3A_357] : memref<32x1024xf32, #tpu.memory_space<vmem>> -> memref<1x1024xf32, #tpu.memory_space<vmem>>
      %dma_start3A_359 = tpu.memref_squeeze %dma_start3A_358 : memref<1x1024xf32, #tpu.memory_space<vmem>> -> memref<1024xf32, #tpu.memory_space<vmem>>
      %dma_start3A_360 = arith.constant 0 : i32
      %dma_start3A_361 = tpu.memref_slice %arg7[%squeeze3A_349, %dma_start3A_360] : memref<128x1024xf32, #tpu.memory_space<vmem_shared>> -> memref<1x1024xf32, #tpu.memory_space<vmem_shared>>
      %dma_start3A_362 = tpu.memref_squeeze %dma_start3A_361 : memref<1x1024xf32, #tpu.memory_space<vmem_shared>> -> memref<1024xf32, #tpu.memory_space<vmem_shared>>
      tpu.enqueue_dma source(%dma_start3A_362 : memref<1024xf32, #tpu.memory_space<vmem_shared>>) target(%dma_start3A_359 : memref<1024xf32, #tpu.memory_space<vmem>>) target_semaphore(%arg8 : memref<!tpu.dma_semaphore, #tpu.memory_space<semaphore_mem>>)
      %slice3A_363 = vector.extract_strided_slice %get3A_20 {offsets = [7], sizes = [1], strides = [1]} : vector<16xi32> to vector<1xi32>
      %squeeze3A_364 = vector.extract %slice3A_363[0] : i32 from vector<1xi32>
      %dma_start3A_365 = arith.constant 23 : i32
      %dma_start3A_366 = arith.constant 0 : i32
      %dma_start3A_367 = tpu.memref_slice %arg6[%dma_start3A_365, %dma_start3A_366] : memref<32x1024xf32, #tpu.memory_space<vmem>> -> memref<1x1024xf32, #tpu.memory_space<vmem>>
      %dma_start3A_368 = tpu.memref_squeeze %dma_start3A_367 : memref<1x1024xf32, #tpu.memory_space<vmem>> -> memref<1024xf32, #tpu.memory_space<vmem>>
      %dma_start3A_369 = arith.constant 0 : i32
      %dma_start3A_370 = tpu.memref_slice %arg7[%squeeze3A_364, %dma_start3A_369] : memref<128x1024xf32, #tpu.memory_space<vmem_shared>> -> memref<1x1024xf32, #tpu.memory_space<vmem_shared>>
      %dma_start3A_371 = tpu.memref_squeeze %dma_start3A_370 : memref<1x1024xf32, #tpu.memory_space<vmem_shared>> -> memref<1024xf32, #tpu.memory_space<vmem_shared>>
      %dma_start3A_372 = arith.constant 0 : i32
      %dma_start3A_373 = tpu.memref_slice %arg6[%dma_start3A_365, %dma_start3A_372] : memref<32x1024xf32, #tpu.memory_space<vmem>> -> memref<1x1024xf32, #tpu.memory_space<vmem>>
      %dma_start3A_374 = tpu.memref_squeeze %dma_start3A_373 : memref<1x1024xf32, #tpu.memory_space<vmem>> -> memref<1024xf32, #tpu.memory_space<vmem>>
      %dma_start3A_375 = arith.constant 0 : i32
      %dma_start3A_376 = tpu.memref_slice %arg7[%squeeze3A_364, %dma_start3A_375] : memref<128x1024xf32, #tpu.memory_space<vmem_shared>> -> memref<1x1024xf32, #tpu.memory_space<vmem_shared>>
      %dma_start3A_377 = tpu.memref_squeeze %dma_start3A_376 : memref<1x1024xf32, #tpu.memory_space<vmem_shared>> -> memref<1024xf32, #tpu.memory_space<vmem_shared>>
      tpu.enqueue_dma source(%dma_start3A_377 : memref<1024xf32, #tpu.memory_space<vmem_shared>>) target(%dma_start3A_374 : memref<1024xf32, #tpu.memory_space<vmem>>) target_semaphore(%arg8 : memref<!tpu.dma_semaphore, #tpu.memory_space<semaphore_mem>>)
      %slice3A_378 = vector.extract_strided_slice %get3A_20 {offsets = [8], sizes = [1], strides = [1]} : vector<16xi32> to vector<1xi32>
      %squeeze3A_379 = vector.extract %slice3A_378[0] : i32 from vector<1xi32>
      %dma_start3A_380 = arith.constant 24 : i32
      %dma_start3A_381 = arith.constant 0 : i32
      %dma_start3A_382 = tpu.memref_slice %arg6[%dma_start3A_380, %dma_start3A_381] : memref<32x1024xf32, #tpu.memory_space<vmem>> -> memref<1x1024xf32, #tpu.memory_space<vmem>>
      %dma_start3A_383 = tpu.memref_squeeze %dma_start3A_382 : memref<1x1024xf32, #tpu.memory_space<vmem>> -> memref<1024xf32, #tpu.memory_space<vmem>>
      %dma_start3A_384 = arith.constant 0 : i32
      %dma_start3A_385 = tpu.memref_slice %arg7[%squeeze3A_379, %dma_start3A_384] : memref<128x1024xf32, #tpu.memory_space<vmem_shared>> -> memref<1x1024xf32, #tpu.memory_space<vmem_shared>>
      %dma_start3A_386 = tpu.memref_squeeze %dma_start3A_385 : memref<1x1024xf32, #tpu.memory_space<vmem_shared>> -> memref<1024xf32, #tpu.memory_space<vmem_shared>>
      %dma_start3A_387 = arith.constant 0 : i32
      %dma_start3A_388 = tpu.memref_slice %arg6[%dma_start3A_380, %dma_start3A_387] : memref<32x1024xf32, #tpu.memory_space<vmem>> -> memref<1x1024xf32, #tpu.memory_space<vmem>>
      %dma_start3A_389 = tpu.memref_squeeze %dma_start3A_388 : memref<1x1024xf32, #tpu.memory_space<vmem>> -> memref<1024xf32, #tpu.memory_space<vmem>>
      %dma_start3A_390 = arith.constant 0 : i32
      %dma_start3A_391 = tpu.memref_slice %arg7[%squeeze3A_379, %dma_start3A_390] : memref<128x1024xf32, #tpu.memory_space<vmem_shared>> -> memref<1x1024xf32, #tpu.memory_space<vmem_shared>>
      %dma_start3A_392 = tpu.memref_squeeze %dma_start3A_391 : memref<1x1024xf32, #tpu.memory_space<vmem_shared>> -> memref<1024xf32, #tpu.memory_space<vmem_shared>>
      tpu.enqueue_dma source(%dma_start3A_392 : memref<1024xf32, #tpu.memory_space<vmem_shared>>) target(%dma_start3A_389 : memref<1024xf32, #tpu.memory_space<vmem>>) target_semaphore(%arg8 : memref<!tpu.dma_semaphore, #tpu.memory_space<semaphore_mem>>)
      %slice3A_393 = vector.extract_strided_slice %get3A_20 {offsets = [9], sizes = [1], strides = [1]} : vector<16xi32> to vector<1xi32>
      %squeeze3A_394 = vector.extract %slice3A_393[0] : i32 from vector<1xi32>
      %dma_start3A_395 = arith.constant 25 : i32
      %dma_start3A_396 = arith.constant 0 : i32
      %dma_start3A_397 = tpu.memref_slice %arg6[%dma_start3A_395, %dma_start3A_396] : memref<32x1024xf32, #tpu.memory_space<vmem>> -> memref<1x1024xf32, #tpu.memory_space<vmem>>
      %dma_start3A_398 = tpu.memref_squeeze %dma_start3A_397 : memref<1x1024xf32, #tpu.memory_space<vmem>> -> memref<1024xf32, #tpu.memory_space<vmem>>
      %dma_start3A_399 = arith.constant 0 : i32
      %dma_start3A_400 = tpu.memref_slice %arg7[%squeeze3A_394, %dma_start3A_399] : memref<128x1024xf32, #tpu.memory_space<vmem_shared>> -> memref<1x1024xf32, #tpu.memory_space<vmem_shared>>
      %dma_start3A_401 = tpu.memref_squeeze %dma_start3A_400 : memref<1x1024xf32, #tpu.memory_space<vmem_shared>> -> memref<1024xf32, #tpu.memory_space<vmem_shared>>
      %dma_start3A_402 = arith.constant 0 : i32
      %dma_start3A_403 = tpu.memref_slice %arg6[%dma_start3A_395, %dma_start3A_402] : memref<32x1024xf32, #tpu.memory_space<vmem>> -> memref<1x1024xf32, #tpu.memory_space<vmem>>
      %dma_start3A_404 = tpu.memref_squeeze %dma_start3A_403 : memref<1x1024xf32, #tpu.memory_space<vmem>> -> memref<1024xf32, #tpu.memory_space<vmem>>
      %dma_start3A_405 = arith.constant 0 : i32
      %dma_start3A_406 = tpu.memref_slice %arg7[%squeeze3A_394, %dma_start3A_405] : memref<128x1024xf32, #tpu.memory_space<vmem_shared>> -> memref<1x1024xf32, #tpu.memory_space<vmem_shared>>
      %dma_start3A_407 = tpu.memref_squeeze %dma_start3A_406 : memref<1x1024xf32, #tpu.memory_space<vmem_shared>> -> memref<1024xf32, #tpu.memory_space<vmem_shared>>
      tpu.enqueue_dma source(%dma_start3A_407 : memref<1024xf32, #tpu.memory_space<vmem_shared>>) target(%dma_start3A_404 : memref<1024xf32, #tpu.memory_space<vmem>>) target_semaphore(%arg8 : memref<!tpu.dma_semaphore, #tpu.memory_space<semaphore_mem>>)
      %slice3A_408 = vector.extract_strided_slice %get3A_20 {offsets = [10], sizes = [1], strides = [1]} : vector<16xi32> to vector<1xi32>
      %squeeze3A_409 = vector.extract %slice3A_408[0] : i32 from vector<1xi32>
      %dma_start3A_410 = arith.constant 26 : i32
      %dma_start3A_411 = arith.constant 0 : i32
      %dma_start3A_412 = tpu.memref_slice %arg6[%dma_start3A_410, %dma_start3A_411] : memref<32x1024xf32, #tpu.memory_space<vmem>> -> memref<1x1024xf32, #tpu.memory_space<vmem>>
      %dma_start3A_413 = tpu.memref_squeeze %dma_start3A_412 : memref<1x1024xf32, #tpu.memory_space<vmem>> -> memref<1024xf32, #tpu.memory_space<vmem>>
      %dma_start3A_414 = arith.constant 0 : i32
      %dma_start3A_415 = tpu.memref_slice %arg7[%squeeze3A_409, %dma_start3A_414] : memref<128x1024xf32, #tpu.memory_space<vmem_shared>> -> memref<1x1024xf32, #tpu.memory_space<vmem_shared>>
      %dma_start3A_416 = tpu.memref_squeeze %dma_start3A_415 : memref<1x1024xf32, #tpu.memory_space<vmem_shared>> -> memref<1024xf32, #tpu.memory_space<vmem_shared>>
      %dma_start3A_417 = arith.constant 0 : i32
      %dma_start3A_418 = tpu.memref_slice %arg6[%dma_start3A_410, %dma_start3A_417] : memref<32x1024xf32, #tpu.memory_space<vmem>> -> memref<1x1024xf32, #tpu.memory_space<vmem>>
      %dma_start3A_419 = tpu.memref_squeeze %dma_start3A_418 : memref<1x1024xf32, #tpu.memory_space<vmem>> -> memref<1024xf32, #tpu.memory_space<vmem>>
      %dma_start3A_420 = arith.constant 0 : i32
      %dma_start3A_421 = tpu.memref_slice %arg7[%squeeze3A_409, %dma_start3A_420] : memref<128x1024xf32, #tpu.memory_space<vmem_shared>> -> memref<1x1024xf32, #tpu.memory_space<vmem_shared>>
      %dma_start3A_422 = tpu.memref_squeeze %dma_start3A_421 : memref<1x1024xf32, #tpu.memory_space<vmem_shared>> -> memref<1024xf32, #tpu.memory_space<vmem_shared>>
      tpu.enqueue_dma source(%dma_start3A_422 : memref<1024xf32, #tpu.memory_space<vmem_shared>>) target(%dma_start3A_419 : memref<1024xf32, #tpu.memory_space<vmem>>) target_semaphore(%arg8 : memref<!tpu.dma_semaphore, #tpu.memory_space<semaphore_mem>>)
      %slice3A_423 = vector.extract_strided_slice %get3A_20 {offsets = [11], sizes = [1], strides = [1]} : vector<16xi32> to vector<1xi32>
      %squeeze3A_424 = vector.extract %slice3A_423[0] : i32 from vector<1xi32>
      %dma_start3A_425 = arith.constant 27 : i32
      %dma_start3A_426 = arith.constant 0 : i32
      %dma_start3A_427 = tpu.memref_slice %arg6[%dma_start3A_425, %dma_start3A_426] : memref<32x1024xf32, #tpu.memory_space<vmem>> -> memref<1x1024xf32, #tpu.memory_space<vmem>>
      %dma_start3A_428 = tpu.memref_squeeze %dma_start3A_427 : memref<1x1024xf32, #tpu.memory_space<vmem>> -> memref<1024xf32, #tpu.memory_space<vmem>>
      %dma_start3A_429 = arith.constant 0 : i32
      %dma_start3A_430 = tpu.memref_slice %arg7[%squeeze3A_424, %dma_start3A_429] : memref<128x1024xf32, #tpu.memory_space<vmem_shared>> -> memref<1x1024xf32, #tpu.memory_space<vmem_shared>>
      %dma_start3A_431 = tpu.memref_squeeze %dma_start3A_430 : memref<1x1024xf32, #tpu.memory_space<vmem_shared>> -> memref<1024xf32, #tpu.memory_space<vmem_shared>>
      %dma_start3A_432 = arith.constant 0 : i32
      %dma_start3A_433 = tpu.memref_slice %arg6[%dma_start3A_425, %dma_start3A_432] : memref<32x1024xf32, #tpu.memory_space<vmem>> -> memref<1x1024xf32, #tpu.memory_space<vmem>>
      %dma_start3A_434 = tpu.memref_squeeze %dma_start3A_433 : memref<1x1024xf32, #tpu.memory_space<vmem>> -> memref<1024xf32, #tpu.memory_space<vmem>>
      %dma_start3A_435 = arith.constant 0 : i32
      %dma_start3A_436 = tpu.memref_slice %arg7[%squeeze3A_424, %dma_start3A_435] : memref<128x1024xf32, #tpu.memory_space<vmem_shared>> -> memref<1x1024xf32, #tpu.memory_space<vmem_shared>>
      %dma_start3A_437 = tpu.memref_squeeze %dma_start3A_436 : memref<1x1024xf32, #tpu.memory_space<vmem_shared>> -> memref<1024xf32, #tpu.memory_space<vmem_shared>>
      tpu.enqueue_dma source(%dma_start3A_437 : memref<1024xf32, #tpu.memory_space<vmem_shared>>) target(%dma_start3A_434 : memref<1024xf32, #tpu.memory_space<vmem>>) target_semaphore(%arg8 : memref<!tpu.dma_semaphore, #tpu.memory_space<semaphore_mem>>)
      %slice3A_438 = vector.extract_strided_slice %get3A_20 {offsets = [12], sizes = [1], strides = [1]} : vector<16xi32> to vector<1xi32>
      %squeeze3A_439 = vector.extract %slice3A_438[0] : i32 from vector<1xi32>
      %dma_start3A_440 = arith.constant 28 : i32
      %dma_start3A_441 = arith.constant 0 : i32
      %dma_start3A_442 = tpu.memref_slice %arg6[%dma_start3A_440, %dma_start3A_441] : memref<32x1024xf32, #tpu.memory_space<vmem>> -> memref<1x1024xf32, #tpu.memory_space<vmem>>
      %dma_start3A_443 = tpu.memref_squeeze %dma_start3A_442 : memref<1x1024xf32, #tpu.memory_space<vmem>> -> memref<1024xf32, #tpu.memory_space<vmem>>
      %dma_start3A_444 = arith.constant 0 : i32
      %dma_start3A_445 = tpu.memref_slice %arg7[%squeeze3A_439, %dma_start3A_444] : memref<128x1024xf32, #tpu.memory_space<vmem_shared>> -> memref<1x1024xf32, #tpu.memory_space<vmem_shared>>
      %dma_start3A_446 = tpu.memref_squeeze %dma_start3A_445 : memref<1x1024xf32, #tpu.memory_space<vmem_shared>> -> memref<1024xf32, #tpu.memory_space<vmem_shared>>
      %dma_start3A_447 = arith.constant 0 : i32
      %dma_start3A_448 = tpu.memref_slice %arg6[%dma_start3A_440, %dma_start3A_447] : memref<32x1024xf32, #tpu.memory_space<vmem>> -> memref<1x1024xf32, #tpu.memory_space<vmem>>
      %dma_start3A_449 = tpu.memref_squeeze %dma_start3A_448 : memref<1x1024xf32, #tpu.memory_space<vmem>> -> memref<1024xf32, #tpu.memory_space<vmem>>
      %dma_start3A_450 = arith.constant 0 : i32
      %dma_start3A_451 = tpu.memref_slice %arg7[%squeeze3A_439, %dma_start3A_450] : memref<128x1024xf32, #tpu.memory_space<vmem_shared>> -> memref<1x1024xf32, #tpu.memory_space<vmem_shared>>
      %dma_start3A_452 = tpu.memref_squeeze %dma_start3A_451 : memref<1x1024xf32, #tpu.memory_space<vmem_shared>> -> memref<1024xf32, #tpu.memory_space<vmem_shared>>
      tpu.enqueue_dma source(%dma_start3A_452 : memref<1024xf32, #tpu.memory_space<vmem_shared>>) target(%dma_start3A_449 : memref<1024xf32, #tpu.memory_space<vmem>>) target_semaphore(%arg8 : memref<!tpu.dma_semaphore, #tpu.memory_space<semaphore_mem>>)
      %slice3A_453 = vector.extract_strided_slice %get3A_20 {offsets = [13], sizes = [1], strides = [1]} : vector<16xi32> to vector<1xi32>
      %squeeze3A_454 = vector.extract %slice3A_453[0] : i32 from vector<1xi32>
      %dma_start3A_455 = arith.constant 29 : i32
      %dma_start3A_456 = arith.constant 0 : i32
      %dma_start3A_457 = tpu.memref_slice %arg6[%dma_start3A_455, %dma_start3A_456] : memref<32x1024xf32, #tpu.memory_space<vmem>> -> memref<1x1024xf32, #tpu.memory_space<vmem>>
      %dma_start3A_458 = tpu.memref_squeeze %dma_start3A_457 : memref<1x1024xf32, #tpu.memory_space<vmem>> -> memref<1024xf32, #tpu.memory_space<vmem>>
      %dma_start3A_459 = arith.constant 0 : i32
      %dma_start3A_460 = tpu.memref_slice %arg7[%squeeze3A_454, %dma_start3A_459] : memref<128x1024xf32, #tpu.memory_space<vmem_shared>> -> memref<1x1024xf32, #tpu.memory_space<vmem_shared>>
      %dma_start3A_461 = tpu.memref_squeeze %dma_start3A_460 : memref<1x1024xf32, #tpu.memory_space<vmem_shared>> -> memref<1024xf32, #tpu.memory_space<vmem_shared>>
      %dma_start3A_462 = arith.constant 0 : i32
      %dma_start3A_463 = tpu.memref_slice %arg6[%dma_start3A_455, %dma_start3A_462] : memref<32x1024xf32, #tpu.memory_space<vmem>> -> memref<1x1024xf32, #tpu.memory_space<vmem>>
      %dma_start3A_464 = tpu.memref_squeeze %dma_start3A_463 : memref<1x1024xf32, #tpu.memory_space<vmem>> -> memref<1024xf32, #tpu.memory_space<vmem>>
      %dma_start3A_465 = arith.constant 0 : i32
      %dma_start3A_466 = tpu.memref_slice %arg7[%squeeze3A_454, %dma_start3A_465] : memref<128x1024xf32, #tpu.memory_space<vmem_shared>> -> memref<1x1024xf32, #tpu.memory_space<vmem_shared>>
      %dma_start3A_467 = tpu.memref_squeeze %dma_start3A_466 : memref<1x1024xf32, #tpu.memory_space<vmem_shared>> -> memref<1024xf32, #tpu.memory_space<vmem_shared>>
      tpu.enqueue_dma source(%dma_start3A_467 : memref<1024xf32, #tpu.memory_space<vmem_shared>>) target(%dma_start3A_464 : memref<1024xf32, #tpu.memory_space<vmem>>) target_semaphore(%arg8 : memref<!tpu.dma_semaphore, #tpu.memory_space<semaphore_mem>>)
      %slice3A_468 = vector.extract_strided_slice %get3A_20 {offsets = [14], sizes = [1], strides = [1]} : vector<16xi32> to vector<1xi32>
      %squeeze3A_469 = vector.extract %slice3A_468[0] : i32 from vector<1xi32>
      %dma_start3A_470 = arith.constant 30 : i32
      %dma_start3A_471 = arith.constant 0 : i32
      %dma_start3A_472 = tpu.memref_slice %arg6[%dma_start3A_470, %dma_start3A_471] : memref<32x1024xf32, #tpu.memory_space<vmem>> -> memref<1x1024xf32, #tpu.memory_space<vmem>>
      %dma_start3A_473 = tpu.memref_squeeze %dma_start3A_472 : memref<1x1024xf32, #tpu.memory_space<vmem>> -> memref<1024xf32, #tpu.memory_space<vmem>>
      %dma_start3A_474 = arith.constant 0 : i32
      %dma_start3A_475 = tpu.memref_slice %arg7[%squeeze3A_469, %dma_start3A_474] : memref<128x1024xf32, #tpu.memory_space<vmem_shared>> -> memref<1x1024xf32, #tpu.memory_space<vmem_shared>>
      %dma_start3A_476 = tpu.memref_squeeze %dma_start3A_475 : memref<1x1024xf32, #tpu.memory_space<vmem_shared>> -> memref<1024xf32, #tpu.memory_space<vmem_shared>>
      %dma_start3A_477 = arith.constant 0 : i32
      %dma_start3A_478 = tpu.memref_slice %arg6[%dma_start3A_470, %dma_start3A_477] : memref<32x1024xf32, #tpu.memory_space<vmem>> -> memref<1x1024xf32, #tpu.memory_space<vmem>>
      %dma_start3A_479 = tpu.memref_squeeze %dma_start3A_478 : memref<1x1024xf32, #tpu.memory_space<vmem>> -> memref<1024xf32, #tpu.memory_space<vmem>>
      %dma_start3A_480 = arith.constant 0 : i32
      %dma_start3A_481 = tpu.memref_slice %arg7[%squeeze3A_469, %dma_start3A_480] : memref<128x1024xf32, #tpu.memory_space<vmem_shared>> -> memref<1x1024xf32, #tpu.memory_space<vmem_shared>>
      %dma_start3A_482 = tpu.memref_squeeze %dma_start3A_481 : memref<1x1024xf32, #tpu.memory_space<vmem_shared>> -> memref<1024xf32, #tpu.memory_space<vmem_shared>>
      tpu.enqueue_dma source(%dma_start3A_482 : memref<1024xf32, #tpu.memory_space<vmem_shared>>) target(%dma_start3A_479 : memref<1024xf32, #tpu.memory_space<vmem>>) target_semaphore(%arg8 : memref<!tpu.dma_semaphore, #tpu.memory_space<semaphore_mem>>)
      %slice3A_483 = vector.extract_strided_slice %get3A_20 {offsets = [15], sizes = [1], strides = [1]} : vector<16xi32> to vector<1xi32>
      %squeeze3A_484 = vector.extract %slice3A_483[0] : i32 from vector<1xi32>
      %dma_start3A_485 = arith.constant 31 : i32
      %dma_start3A_486 = arith.constant 0 : i32
      %dma_start3A_487 = tpu.memref_slice %arg6[%dma_start3A_485, %dma_start3A_486] : memref<32x1024xf32, #tpu.memory_space<vmem>> -> memref<1x1024xf32, #tpu.memory_space<vmem>>
      %dma_start3A_488 = tpu.memref_squeeze %dma_start3A_487 : memref<1x1024xf32, #tpu.memory_space<vmem>> -> memref<1024xf32, #tpu.memory_space<vmem>>
      %dma_start3A_489 = arith.constant 0 : i32
      %dma_start3A_490 = tpu.memref_slice %arg7[%squeeze3A_484, %dma_start3A_489] : memref<128x1024xf32, #tpu.memory_space<vmem_shared>> -> memref<1x1024xf32, #tpu.memory_space<vmem_shared>>
      %dma_start3A_491 = tpu.memref_squeeze %dma_start3A_490 : memref<1x1024xf32, #tpu.memory_space<vmem_shared>> -> memref<1024xf32, #tpu.memory_space<vmem_shared>>
      %dma_start3A_492 = arith.constant 0 : i32
      %dma_start3A_493 = tpu.memref_slice %arg6[%dma_start3A_485, %dma_start3A_492] : memref<32x1024xf32, #tpu.memory_space<vmem>> -> memref<1x1024xf32, #tpu.memory_space<vmem>>
      %dma_start3A_494 = tpu.memref_squeeze %dma_start3A_493 : memref<1x1024xf32, #tpu.memory_space<vmem>> -> memref<1024xf32, #tpu.memory_space<vmem>>
      %dma_start3A_495 = arith.constant 0 : i32
      %dma_start3A_496 = tpu.memref_slice %arg7[%squeeze3A_484, %dma_start3A_495] : memref<128x1024xf32, #tpu.memory_space<vmem_shared>> -> memref<1x1024xf32, #tpu.memory_space<vmem_shared>>
      %dma_start3A_497 = tpu.memref_squeeze %dma_start3A_496 : memref<1x1024xf32, #tpu.memory_space<vmem_shared>> -> memref<1024xf32, #tpu.memory_space<vmem_shared>>
      tpu.enqueue_dma source(%dma_start3A_497 : memref<1024xf32, #tpu.memory_space<vmem_shared>>) target(%dma_start3A_494 : memref<1024xf32, #tpu.memory_space<vmem>>) target_semaphore(%arg8 : memref<!tpu.dma_semaphore, #tpu.memory_space<semaphore_mem>>)
      %dma_wait3A = arith.constant 0 : i32
      %dma_wait3A_498 = arith.constant 0 : i32
      %dma_wait3A_499 = arith.constant 0 : i32
      %dma_wait3A_500 = tpu.memref_slice %arg2[%dma_wait3A, %dma_wait3A_498, %dma_wait3A_499] : memref<48x128x1024xf32, #tpu.memory_space<hbm>> -> memref<1x128x1024xf32, #tpu.memory_space<hbm>>
      %dma_wait3A_501 = tpu.memref_squeeze %dma_wait3A_500 : memref<1x128x1024xf32, #tpu.memory_space<hbm>> -> memref<128x1024xf32, #tpu.memory_space<hbm>>
      %dma_wait3A_502 = arith.constant 0 : i32
      %dma_wait3A_503 = arith.constant 0 : i32
      %dma_wait3A_504 = tpu.memref_slice %dma_wait3A_501[%dma_wait3A_502, %dma_wait3A_503] : memref<128x1024xf32, #tpu.memory_space<hbm>> -> memref<32x1024xf32, #tpu.memory_space<hbm>>
      %dma_wait3A_505 = arith.constant 0 : i32
      %dma_wait3A_506 = arith.constant 0 : i32
      %dma_wait3A_507 = tpu.memref_slice %arg2[%dma_wait3A, %dma_wait3A_505, %dma_wait3A_506] : memref<48x128x1024xf32, #tpu.memory_space<hbm>> -> memref<1x128x1024xf32, #tpu.memory_space<hbm>>
      %dma_wait3A_508 = tpu.memref_squeeze %dma_wait3A_507 : memref<1x128x1024xf32, #tpu.memory_space<hbm>> -> memref<128x1024xf32, #tpu.memory_space<hbm>>
      %dma_wait3A_509 = arith.constant 0 : i32
      %dma_wait3A_510 = arith.constant 0 : i32
      %dma_wait3A_511 = tpu.memref_slice %dma_wait3A_508[%dma_wait3A_509, %dma_wait3A_510] : memref<128x1024xf32, #tpu.memory_space<hbm>> -> memref<32x1024xf32, #tpu.memory_space<hbm>>
      tpu.wait_dma2 semaphore(%arg8 : memref<!tpu.dma_semaphore, #tpu.memory_space<semaphore_mem>>) src(%dma_wait3A_511 : memref<32x1024xf32, #tpu.memory_space<hbm>>) dst(%arg6 : memref<32x1024xf32, #tpu.memory_space<vmem>>)
      %mul3A_512 = arith.constant 1024 : i32
      %mul3A_513 = arith.muli %add3A_11, %mul3A_512 : i32
      "tpu.region"() ({
        %run_scoped3A = tpu.sem_alloc : memref<!tpu.dma_semaphore, #tpu.memory_space<semaphore_mem>>
        %dma_start3A_515 = tpu.memref_slice %arg4[%mul3A_2, %mul3A_513] : memref<1024x49152xf32, #tpu.memory_space<hbm>> -> memref<32x1024xf32, #tpu.memory_space<hbm>>
        %dma_start3A_516 = tpu.memref_slice %arg4[%mul3A_2, %mul3A_513] : memref<1024x49152xf32, #tpu.memory_space<hbm>> -> memref<32x1024xf32, #tpu.memory_space<hbm>>
        tpu.enqueue_dma source(%arg6 : memref<32x1024xf32, #tpu.memory_space<vmem>>) target(%dma_start3A_516 : memref<32x1024xf32, #tpu.memory_space<hbm>>) target_semaphore(%run_scoped3A : memref<!tpu.dma_semaphore, #tpu.memory_space<semaphore_mem>>)
        %dma_wait3A_517 = tpu.memref_slice %arg4[%mul3A_2, %mul3A_513] : memref<1024x49152xf32, #tpu.memory_space<hbm>> -> memref<32x1024xf32, #tpu.memory_space<hbm>>
        %dma_wait3A_518 = tpu.memref_slice %arg4[%mul3A_2, %mul3A_513] : memref<1024x49152xf32, #tpu.memory_space<hbm>> -> memref<32x1024xf32, #tpu.memory_space<hbm>>
        tpu.wait_dma2 semaphore(%run_scoped3A : memref<!tpu.dma_semaphore, #tpu.memory_space<semaphore_mem>>) src(%arg6 : memref<32x1024xf32, #tpu.memory_space<vmem>>) dst(%dma_wait3A_518 : memref<32x1024xf32, #tpu.memory_space<hbm>>)
        tpu.yield
      }) : () -> ()
      %barrier3A_514 = arith.constant 0 : index
      tpu.barrier barrier_id(%barrier3A_514)
    }
    %scan3A_6 = arith.constant 48 : i32
    return
  }
}

module attributes {stable_mosaic.version = 14 : i64} {
  func.func @_table_body(%arg0: i32, %arg1: memref<128x1024xf32, #tpu.memory_space<vmem>>, %arg2: memref<1024x1024xf32, #tpu.memory_space<vmem>>, %arg3: memref<1x1024xf32, #tpu.memory_space<vmem>>, %arg4: memref<1024x1024xf32, #tpu.memory_space<vmem>>, %arg5: memref<1x1024xf32, #tpu.memory_space<vmem>>, %arg6: memref<1x128x1024xf32, #tpu.memory_space<vmem>>, %arg7: memref<128x1024xf32, #tpu.memory_space<vmem>>) attributes {dimension_semantics = [#tpu.dimension_semantics<arbitrary>], iteration_bounds = array<i64: 48>, scalar_prefetch = 0 : i64, scratch_operands = 1 : i64, tpu.core_type = #tpu.core_type<tc>, window_params = [{pipeline_mode = #tpu.pipeline_mode<synchronous>, transform_indices = @transform_0, window_bounds = array<i64: 128, 1024>}, {pipeline_mode = #tpu.pipeline_mode<synchronous>, transform_indices = @transform_1, window_bounds = array<i64: 1024, 1024>}, {pipeline_mode = #tpu.pipeline_mode<synchronous>, transform_indices = @transform_2, window_bounds = array<i64: 1, 1024>}, {transform_indices = @transform_3, window_bounds = array<i64: 1024, 1024>}, {transform_indices = @transform_4, window_bounds = array<i64: 1, 1024>}, {transform_indices = @transform_5, window_bounds = array<i64: 1, 128, 1024>}]} {
    %eq3A = arith.constant 0 : i32
    %eq3A_0 = arith.cmpi eq, %arg0, %eq3A : i32
    %convert_element_type3A = arith.extui %eq3A_0 : i1 to i32
    %cond3A = arith.constant 0 : i32
    %cond3A_1 = arith.cmpi ne, %convert_element_type3A, %cond3A : i32
    scf.if %cond3A_1 {
      %get3A_15 = arith.constant 0 : index
      %get3A_16 = arith.constant 0 : index
      %get3A_17 = vector.load %arg1[%get3A_15, %get3A_16] : memref<128x1024xf32, #tpu.memory_space<vmem>>, vector<128x1024xf32>
      %get3A_18 = arith.constant 0 : index
      %get3A_19 = arith.constant 0 : index
      %get3A_20 = vector.load %arg2[%get3A_18, %get3A_19] : memref<1024x1024xf32, #tpu.memory_space<vmem>>, vector<1024x1024xf32>
      %dot_general3A_21 = arith.constant dense<0.000000e+00> : vector<128x1024xf32>
      %dot_general3A_22 = tpu.matmul %get3A_17, %get3A_20, %dot_general3A_21 {dimension_numbers = #tpu.dot_dimension_numbers<[1], [0], [0], [1], [0, 0, 1, 1], [], []>, transpose_lhs_hint = false} : vector<128x1024xf32>, vector<1024x1024xf32>, vector<128x1024xf32> -> vector<128x1024xf32>
      %get3A_23 = arith.constant 0 : index
      %get3A_24 = arith.constant 0 : index
      %get3A_25 = vector.load %arg3[%get3A_23, %get3A_24] : memref<1x1024xf32, #tpu.memory_space<vmem>>, vector<1x1024xf32>
      %add3A_26 = vector.broadcast %get3A_25 : vector<1x1024xf32> to vector<128x1024xf32>
      %add3A_27 = arith.addf %dot_general3A_22, %add3A_26 : vector<128x1024xf32>
      %tanh3A = math.tanh %add3A_27 : vector<128x1024xf32>
      %swap3A_28 = arith.constant 0 : index
      %swap3A_29 = arith.constant 0 : index
      %swap3A_30 = vector.load %arg7[%swap3A_28, %swap3A_29] : memref<128x1024xf32, #tpu.memory_space<vmem>>, vector<128x1024xf32>
      tpu.vector_store %arg7[%swap3A_28, %swap3A_29], %tanh3A {strides = array<i32>} : memref<128x1024xf32, #tpu.memory_space<vmem>>, vector<128x1024xf32>,
    } else {
    }
    %get3A = arith.constant 0 : index
    %get3A_2 = arith.constant 0 : index
    %get3A_3 = vector.load %arg7[%get3A, %get3A_2] : memref<128x1024xf32, #tpu.memory_space<vmem>>, vector<128x1024xf32>
    %get3A_4 = arith.constant 0 : index
    %get3A_5 = arith.constant 0 : index
    %get3A_6 = vector.load %arg4[%get3A_4, %get3A_5] : memref<1024x1024xf32, #tpu.memory_space<vmem>>, vector<1024x1024xf32>
    %dot_general3A = arith.constant dense<0.000000e+00> : vector<128x1024xf32>
    %dot_general3A_7 = tpu.matmul %get3A_3, %get3A_6, %dot_general3A {dimension_numbers = #tpu.dot_dimension_numbers<[1], [0], [0], [1], [0, 0, 1, 1], [], []>, transpose_lhs_hint = false} : vector<128x1024xf32>, vector<1024x1024xf32>, vector<128x1024xf32> -> vector<128x1024xf32>
    %get3A_8 = arith.constant 0 : index
    %get3A_9 = arith.constant 0 : index
    %get3A_10 = vector.load %arg5[%get3A_8, %get3A_9] : memref<1x1024xf32, #tpu.memory_space<vmem>>, vector<1x1024xf32>
    %add3A = vector.broadcast %get3A_10 : vector<1x1024xf32> to vector<128x1024xf32>
    %add3A_11 = arith.addf %dot_general3A_7, %add3A : vector<128x1024xf32>
    %reshape3A = vector.shape_cast %add3A_11 : vector<128x1024xf32> to vector<1x128x1024xf32>
    %swap3A = arith.constant 0 : index
    %swap3A_12 = arith.constant 0 : index
    %swap3A_13 = arith.constant 0 : index
    %swap3A_14 = vector.load %arg6[%swap3A, %swap3A_12, %swap3A_13] : memref<1x128x1024xf32, #tpu.memory_space<vmem>>, vector<1x128x1024xf32>
    tpu.vector_store %arg6[%swap3A, %swap3A_12, %swap3A_13], %reshape3A {strides = array<i32>} : memref<1x128x1024xf32, #tpu.memory_space<vmem>>, vector<1x128x1024xf32>,
    return
  }
  func.func @transform_0(%arg0: i32) -> (i32, i32) {
    %c0_i32 = arith.constant 0 : i32
    %c0_i32_0 = arith.constant 0 : i32
    %c0_i32_1 = arith.constant 0 : i32
    return %c0_i32, %c0_i32_0 : i32, i32
  }
  func.func @transform_1(%arg0: i32) -> (i32, i32) {
    %c0_i32 = arith.constant 0 : i32
    %c0_i32_0 = arith.constant 0 : i32
    %c0_i32_1 = arith.constant 0 : i32
    return %c0_i32, %c0_i32_0 : i32, i32
  }
  func.func @transform_2(%arg0: i32) -> (i32, i32) {
    %c0_i32 = arith.constant 0 : i32
    %c0_i32_0 = arith.constant 0 : i32
    %c0_i32_1 = arith.constant 0 : i32
    return %c0_i32, %c0_i32_0 : i32, i32
  }
  func.func @transform_3(%arg0: i32) -> (i32, i32) {
    %c0_i32 = arith.constant 0 : i32
    %c0_i32_0 = arith.constant 0 : i32
    return %c0_i32, %arg0 : i32, i32
  }
  func.func @transform_4(%arg0: i32) -> (i32, i32) {
    %c0_i32 = arith.constant 0 : i32
    %c0_i32_0 = arith.constant 0 : i32
    return %c0_i32, %arg0 : i32, i32
  }
  func.func @transform_5(%arg0: i32) -> (i32, i32, i32) {
    %c0_i32 = arith.constant 0 : i32
    %c0_i32_0 = arith.constant 0 : i32
    %c0_i32_1 = arith.constant 0 : i32
    return %arg0, %c0_i32, %c0_i32_0 : i32, i32, i32
  }
}

</mosaic_0001>

<sc_bundles>
// kernel: kernel.4.cloned.1.call-start
scs
__scs_entry_jumppad:
0x0: {  	(pc) =	sbr.rel $0x88, $3  }
0x1: {  	(tag) =	ssettag $0x0;
	lr =	simm.s32 $0x1  }
0x2: {  	[smem:$0x3F9B] =	sst lr;
	_ =	strace $0xD0000000  }
0x3: {  	_ = 	snop  }
0x4: {  	_ = 	snop  }
0x5: {  	_ = 	snop  }
0x6: {  	_ = 	snop  }
0x7: {  	_ = 	snop  }
__scs_overlays_trampoline_lowered:
0x8: {  	[smem:$0x3FAA] =	sst s0  }
0x9: {  	[smem:$0x3FAB] =	sst s1  }
0xa: {  	[smem:$0x3FAC] =	sst s2  }
0xb: {  	[smem:$0x3FAD] =	sst s3  }
0xc: {  	[smem:$0x3FAE] =	sst s4  }
0xd: {  	[smem:$0x3FAF] =	sst s5  }
0xe: {  	[smem:$0x3FB0] =	sst s6  }
0xf: {  	[smem:$0x3FB1] =	sst s7  }
0x10: {  	[smem:$0x3FB2] =	sst s8  }
0x11: {  	[smem:$0x3FB3] =	sst s9;
	s0 =	simm.s32 @!p0 $0x0  }
0x12: {  	s1 =	sld [smem:$0x3F99];
	s0 =	simm.s32 @p0 $0x1  }
0x13: {  	[smem:$0x3FB4] =	sst s0;
	s0 =	simm.s32 @!p1 $0x0  }
0x14: {  	s2 =	sld [smem:$0x3F98];
	s0 =	simm.s32 @p1 $0x1  }
0x15: {  	[smem:$0x3FB5] =	sst s0;
	s0 =	simm.s32 @!p2 $0x0  }
0x16: {  	s3 =	sld [smem:$0x3FDB];
	s0 =	simm.s32 @p2 $0x1  }
0x17: {  	s4 =	simm.s32 $0x1BF5;
	[smem:$0x3FB7] =	sst s0  }
0x18: {  	s0 =	sld [smem:$0x3F9A];
	_ =	swait.ge [sflag:s4], $0x0  }
0x19: {  	s7 =	sld [smem:$0x3F9B]  }
0x1a: {  	s8 =	sadd.s32 $0xFFFFE003, lr  }
0x1b: {  	s9 =	sadd.s32 $0xFFFFFEF7, lr;
	s5 =	simm.s32 $0xFFFFFFFF;
	p2 =	slt.u32 s8, $0xFFFFF086  }
0x1c: {  	p1 =	slt.u32 s9, $0xF7A;
	s5 =	simm.s32 @!p2 $0x0  }
0x1d: {  	s5 =	simm.s32 @p1 $0x1;
	p0 =	seq.s32 s7, s2  }
0x1e: {  	s7 =	smul.u32 @!p0 $0xF7A, s2;
	p2 =	seq.s32 @!p0 s5, $0x0  }
0x1f: {  	s9 =	smul.u32 $0xF7A, s1;
	s8 =	simm.s32 @!p0 $0x1BF5;
	p2 =	por !p2, p0  }
0x20: {  	[sflag:s8] =	ssyncset.s32 @!p0 $0xFFFFF086;
	s6 =	sadd.s32 @!p0 s3, s7;
	s7 =	simm.s32 @!p0 $0x108  }
0x21: {  	s3 =	sadd.s32 s3, s9;
	s6 =	sadd.s32 @!p0 $0x88, s6;
	s7 =	simm.s32 @p2 $0x1082  }
0x22: {  	[simem:s7], [sflag:s8] =	dma.local @!p0 [hbm:s6], $0xF7A  }
0x23: {  	s9 =	sor.u32 $0xD0000000, s2;
	s6 =	simm.s32 $0x108;
	_ =	swait.ge @!p0 [sflag:s8], $0x0  }
0x24: {  	s3 =	sadd.s32 $0x88, s3;
	s6 =	simm.s32 @!p1 $0x1082;
	[sflag:s4] =	ssyncset.s32 $0xFFFFF086  }
0x25: {  	[simem:s6], [sflag:s4] =	dma.local [hbm:s3], $0xF7A  }
0x26: {  	[smem:$0x3F9B] =	sst s1;
	(tag) =	ssettag s2;
	_ =	strace s9  }
0x27: {  	s1 =	sld [smem:$0x3FAB]  }
0x28: {  	s2 =	sld [smem:$0x3FAC]  }
0x29: {  	s4 =	sld [smem:$0x3FAE]  }
0x2a: {  	p0 =	seq.s32 s5, $0x0;
	s5 =	sld [smem:$0x3FAF]  }
0x2b: {  	s6 =	sld [smem:$0x3FB0]  }
0x2c: {  	s7 =	sld [smem:$0x3FB1]  }
0x2d: {  	s3 =	simm.s32 $0x108;
	s8 =	sld [smem:$0x3FB2]  }
0x2e: {  	s3 =	simm.s32 @!p0 $0x1082;
	s9 =	sld [smem:$0x3FB3]  }
0x2f: {  	lr =	sadd.s32 s0, s3;
	s0 =	sld [smem:$0x3FAA]  }
0x30: {  	s3 =	sld [smem:$0x3FAD]  }
0x31: {  	[smem:$0x3FB6] =	sst s10  }
0x32: {  	s10 =	sld [smem:$0x3FB4];
	_ =	sdelay $0x3  }
0x33: {  	p0 =	seq.s32 s10, $0x1;
	s10 =	sld [smem:$0x3FB6];
	_ =	sdelay $0x3  }
0x34: {  	[smem:$0x3FB6] =	sst s10  }
0x35: {  	s10 =	sld [smem:$0x3FB5];
	_ =	sdelay $0x3  }
0x36: {  	p1 =	seq.s32 s10, $0x1;
	s10 =	sld [smem:$0x3FB6];
	_ =	sdelay $0x3  }
0x37: {  	[smem:$0x3FB6] =	sst s10  }
0x38: {  	s10 =	sld [smem:$0x3FB7]  }
0x39: {  	_ = 	snop;
	(pc) =	sbr.ind lr, $3  }
0x3a: {  	_ = 	snop  }
0x3b: {  	_ = 	snop  }
0x3c: {  	p2 =	seq.s32 s10, $0x1;
	s10 =	sld [smem:$0x3FB6]  }
0x3d: {  	_ =	shalt  }
0x3e: {  	_ =	shalt  }
0x3f: {  	_ =	shalt  }
0x40: {  	_ =	shalt  }
0x41: {  	_ =	shalt  }
0x42: {  	_ =	shalt  }
0x43: {  	_ =	shalt  }
0x44: {  	_ =	shalt  }
0x45: {  	_ =	shalt  }
0x46: {  	_ =	shalt  }
0x47: {  	_ =	shalt  }
0x48: {  	_ =	shalt  }
0x49: {  	_ =	shalt  }
0x4a: {  	_ =	shalt  }
0x4b: {  	_ =	shalt  }
0x4c: {  	_ =	shalt  }
0x4d: {  	_ =	shalt  }
0x4e: {  	_ =	shalt  }
0x4f: {  	_ =	shalt  }
0x50: {  	_ =	shalt  }
0x51: {  	_ =	shalt  }
0x52: {  	_ =	shalt  }
0x53: {  	_ =	shalt  }
0x54: {  	_ =	shalt  }
0x55: {  	_ =	shalt  }
0x56: {  	_ =	shalt  }
0x57: {  	_ =	shalt  }
0x58: {  	_ =	shalt  }
0x59: {  	_ =	shalt  }
0x5a: {  	_ =	shalt  }
0x5b: {  	_ =	shalt  }
0x5c: {  	_ =	shalt  }
0x5d: {  	_ =	shalt  }
0x5e: {  	_ =	shalt  }
0x5f: {  	_ =	shalt  }
0x60: {  	_ =	shalt  }
0x61: {  	_ =	shalt  }
0x62: {  	_ =	shalt  }
0x63: {  	_ =	shalt  }
0x64: {  	_ =	shalt  }
0x65: {  	_ =	shalt  }
0x66: {  	_ =	shalt  }
0x67: {  	_ =	shalt  }
0x68: {  	_ =	shalt  }
0x69: {  	_ =	shalt  }
0x6a: {  	_ =	shalt  }
0x6b: {  	_ =	shalt  }
0x6c: {  	_ =	shalt  }
0x6d: {  	_ =	shalt  }
0x6e: {  	_ =	shalt  }
0x6f: {  	_ =	shalt  }
0x70: {  	_ =	shalt  }
0x71: {  	_ =	shalt  }
0x72: {  	_ =	shalt  }
0x73: {  	_ =	shalt  }
0x74: {  	_ =	shalt  }
0x75: {  	_ =	shalt  }
0x76: {  	_ =	shalt  }
0x77: {  	_ =	shalt  }
0x78: {  	_ =	shalt  }
0x79: {  	_ =	shalt  }
0x7a: {  	_ =	shalt  }
0x7b: {  	_ =	shalt  }
0x7c: {  	_ =	shalt  }
0x7d: {  	_ =	shalt  }
0x7e: {  	_ =	shalt  }
0x7f: {  	_ =	shalt  }
0x80: {  	_ =	shalt  }
0x81: {  	_ =	shalt  }
0x82: {  	_ =	shalt  }
0x83: {  	_ =	shalt  }
0x84: {  	_ =	shalt  }
0x85: {  	_ =	shalt  }
0x86: {  	_ =	shalt  }
0x87: {  	_ =	shalt  }
.Lfunc_end0:
.L_simem_size_0:
called_computation_lowered:
.L_overlay_start_0:
0x88: {  	s2 =	sld [smem:$0x3FD9]  }
0x89: {  	s3 =	sld [smem:$0x3FFE];
	_ =	sdelay $0x1  }
0x8a: {  	s1 =	srdreg.scid  }
0x8b: {  	s0 =	sand.u32 $0x1, s1  }
0x8c: {  	s17 =	sshll.u32 s0, $0xA;
	s2 =	sadd.s32 s3, s2  }
0x8d: {  	s2 =	sadd.s32 s2, s17  }
0x8e: {  	[smem:$0x3FC2] =	sst s2  }
0x8f: {  	_ = 	snop  }
0x90: {  	s2 =	sld [smem:$0x3FC9]  }
0x91: {  	s18 =	sld [smem:$0x3FD0];
	(tm) =	ssettm $0x1  }
0x92: {  	s4 =	sld [smem:$0x3FFB];
	_ =	sdelay $0x3  }
0x93: {  	_ =	strace s4  }
0x94: {  	s4 =	sld [smem:$0x3FFC];
	_ =	sdelay $0x3  }
0x95: {  	_ =	strace s4  }
0x96: {  	s4 =	sld [smem:$0x3FFD];
	_ =	sdelay $0x3  }
0x97: {  	_ =	strace s4  }
0x98: {  	_ =	strace $0x8FFFFFFF  }
0x99: {  	s19 =	sld [smem:$0x3FDB];
	_ =	sdelay $0x1  }
0x9a: {  	s5 =	simm.s32 $_scs_section_size  }
0x9b: {  	s6 =	simm.s32 $_size__tile_overlayer_lowered;
	s7 =	simm.s32 $_tile_overlayer_lowered  }
0x9c: {  	s22 =	simm.s32 $0x1BFF;
	s21 =	sshll.u32 s7, $0x1;
	s4 =	sadd.s32 s5, s19  }
0x9d: {  	s8 =	simm.s32 $0x0;
	s20 =	sshll.u32 s6, $0x1;
	s6 =	sadd.s32 s21, s4  }
0x9e: {  	[timem:s8], [sflag:s22] =	dma.local [hbm:s6], s20  }
0x9f: {  	_ =	swait.ge [sflag:s22], s20  }
0xa0: {  	s5 =	ssub.s32 $0x0, s20;
	[sflag:s22] =	ssyncset.done $0x0  }
0xa1: {  	[sflag:s22] =	ssyncadd.s32 s5;
	_ =	sdelay $0x1  }
0xa2: {  	s23 =	simm.s32 $0x1B8B  }
0xa3: {  	_ =	swait.ge [sflag:s23], $0x1  }
0xa4: {  	[sflag:s23] =	ssyncset.done $0x0  }
0xa5: {  	s25 =	simm.s32 $0x1B8E;
	s24 =	sld [smem:$0x3FFE];
	[sflag:s23] =	ssyncadd.s32 $0xFFFFFFFF  }
0xa6: {  	s26 =	simm.s32 $execute0_lowered;
	[smem:$0x3FD2] =	sst s25  }
0xa7: {  	s6 =	sshll.u32 s26, $0x1;
	_ =	strace $0x80000046;
	[dreg:$0x1] =	wrdreg $0xFFFFFFFF  }
0xa8: {  	s28 =	simm.s32 $_size_execute0_lowered;
	s4 =	sadd.s32 s4, s6;
	[dreg:$0x0] =	wrdreg $0x0  }
0xa9: {  	s6 =	sshll.u32 s28, $0x1;
	[dreg:$0x2] =	wrdreg s4  }
0xaa: {  	[dreg:$0x3] =	wrdreg s6  }
0xab: {  	[dreg:$0x4] =	wrdreg $0xC0  }
0xac: {  	_ =	task [dreg:s8], $0x5FFFF  }
0xad: {  	[dreg:$0x1] =	wrdreg $0xFFFFFFFF  }
0xae: {  	[dreg:$0x0] =	wrdreg $0x60  }
0xaf: {  	[dreg:$0x2] =	wrdreg s24  }
0xb0: {  	[dreg:$0x3] =	wrdreg s2  }
0xb1: {  	[dreg:$0x4] =	wrdreg s18  }
0xb2: {  	[dreg:$0x5] =	wrdreg $0x80800  }
0xb3: {  	[dreg:$0x6] =	wrdreg $0x9  }
0xb4: {  	_ =	task.clear_ibuf [dreg:s8], $0x7FFFF;
	_ =	strace $0x90000046  }
0xb5: {  	s29 =	simm.s32 $0x9;
	_ =	strace $0x80000048  }
0xb6: {  	_ =	swait.ge [sflag:s29], $0x1  }
0xb7: {  	[sflag:s29] =	ssyncadd.s32 $0xFFFFFFFF  }
0xb8: {  	_ =	strace $0x90000048  }
0xb9: {  	_ =	sfence  }
0xba: {  	s30 =	sld [smem:$0x0];
	_ =	sdelay $0x2  }
0xbb: {  	s31 =	sshll.u32 s1, $0xD;
	s1 =	sshrl.u32 s1, $0x2  }
0xbc: {  	s3 =	sand.u32 $0x4000, s31;
	s1 =	sadd.s32 s1, s30  }
0xbd: {  	s0 =	sor.u32 s3, s0;
	s1 =	sshll.u32 s1, $0x11  }
0xbe: {  	s0 =	sor.u32 s1, s0  }
0xbf: {  	s0 =	sadd.s32 $0x8F2B, s0  }
0xc0: {  	[sflag:s0] =	ssyncadd.remote.s32 $0x1  }
0xc1: {  	_ =	sfence.sel $0xFFFF  }
0xc2: {  	[dreg:$0x0] =	wrdreg $0xFFFFFFFF;
	(pc) =	sbr.abs _section_cstart, $3  }
0xc3: {  	[dreg:$0x1] =	wrdreg $0xFFFFFFFF  }
0xc4: {  	_ =	task.clear_ibuf [dreg:s8], $0x2FFFF;
	_ =	strace $0x9FFFFFFF  }
0xc5: {  	(tm) =	ssettm $0x7FFFFFFF  }
tec
execute0_lowered:
.L_overlay_start_1:
0x0: {  	(tag) =	ssettag $0x1  }
0x1: {  	s6 =	rddreg [dreg:$0x0]  }
0x2: {  	s4 =	rddreg [dreg:$0x1]  }
0x3: {  	s1 =	rddreg [dreg:$0x2]  }
0x4: {  	s2 =	rddreg [dreg:$0x3];
	s8 =	simm.s32 $0x0  }
0x5: {  	s21 =	simm.s32 $0x480;
	[smem:$0x7FF] =	sst s8  }
0x6: {  	s22 =	simm.s32 $0x880;
	_ =	strace $0x80000047;
	[dreg:$0x8] =	wrdreg s21  }
0x7: {  	s23 =	simm.s32 $0xC80;
	[dreg:$0x9] =	wrdreg s22  }
0x8: {  	s24 =	simm.s32 $0x1080;
	[dreg:$0xa] =	wrdreg s23  }
0x9: {  	s25 =	simm.s32 $0x1480;
	[dreg:$0xb] =	wrdreg s24  }
0xa: {  	s26 =	simm.s32 $0x1880;
	[dreg:$0xc] =	wrdreg s25  }
0xb: {  	s28 =	simm.s32 $0x1C80;
	[dreg:$0xd] =	wrdreg s26  }
0xc: {  	s29 =	simm.s32 $0x100;
	[dreg:$0xe] =	wrdreg s28  }
0xd: {  	s30 =	simm.s32 $0x500;
	[dreg:$0xf] =	wrdreg s29  }
0xe: {  	s31 =	simm.s32 $0x900;
	[dreg:$0x10] =	wrdreg s30  }
0xf: {  	s8 =	simm.s32 $0x1500;
	[dreg:$0x11] =	wrdreg s31  }
0x10: {  	s9 =	simm.s32 $0x1900;
	[dreg:$0x14] =	wrdreg s8  }
0x11: {  	s10 =	simm.s32 $0x1D00;
	[dreg:$0x15] =	wrdreg s9  }
0x12: {  	s11 =	simm.s32 $0x180;
	[dreg:$0x16] =	wrdreg s10  }
0x13: {  	s12 =	simm.s32 $0x580;
	[dreg:$0x17] =	wrdreg s11  }
0x14: {  	s13 =	simm.s32 $0x980;
	[dreg:$0x18] =	wrdreg s12  }
0x15: {  	s7 =	stileid.u32;
	s14 =	simm.s32 $0xD80;
	[dreg:$0x19] =	wrdreg s13  }
0x16: {  	s15 =	simm.s32 $0x1180;
	s18 =	sshll.u32 s7, $0x6;
	[dreg:$0x1a] =	wrdreg s14  }
0x17: {  	s19 =	sor.u32 $0x1C02, s18;
	[dreg:$0x1b] =	wrdreg s15  }
0x18: {  	s18 =	simm.s32 $0x1D80;
	[dreg:$0x6] =	wrdreg s19  }
0x19: {  	s21 =	simm.s32 $0xA00;
	[dreg:$0x1e] =	wrdreg s18  }
0x1a: {  	s22 =	simm.s32 $0xE00;
	[smem:$0x715] =	sst s21  }
0x1b: {  	s23 =	simm.s32 $0x1200;
	[smem:$0x716] =	sst s22  }
0x1c: {  	s24 =	simm.s32 $0x1600;
	[smem:$0x717] =	sst s23  }
0x1d: {  	s25 =	simm.s32 $0x1A00;
	[smem:$0x718] =	sst s24  }
0x1e: {  	s26 =	simm.s32 $0x1E00;
	[smem:$0x719] =	sst s25  }
0x1f: {  	s28 =	simm.s32 $0x280;
	[smem:$0x71A] =	sst s26  }
0x20: {  	s29 =	simm.s32 $0x680;
	[smem:$0x71B] =	sst s28  }
0x21: {  	s30 =	simm.s32 $0xA80;
	[smem:$0x71C] =	sst s29  }
0x22: {  	s31 =	simm.s32 $0xE80;
	[smem:$0x71D] =	sst s30  }
0x23: {  	s8 =	simm.s32 $0x1A80;
	[smem:$0x71E] =	sst s31  }
0x24: {  	s9 =	simm.s32 $0x1E80;
	[smem:$0x721] =	sst s8  }
0x25: {  	s10 =	simm.s32 $0x300;
	[smem:$0x722] =	sst s9  }
0x26: {  	s11 =	simm.s32 $0x700;
	[smem:$0x723] =	sst s10  }
0x27: {  	s12 =	simm.s32 $0xB00;
	[smem:$0x724] =	sst s11  }
0x28: {  	s13 =	simm.s32 $0xF00;
	[smem:$0x725] =	sst s12  }
0x29: {  	s14 =	simm.s32 $0x1300;
	[smem:$0x726] =	sst s13  }
0x2a: {  	s15 =	simm.s32 $0x1700;
	[smem:$0x727] =	sst s14  }
0x2b: {  	s19 =	simm.s32 $0x200;
	[smem:$0x728] =	sst s15  }
0x2c: {  	s18 =	simm.s32 $0x380;
	[dreg:$0x1f] =	wrdreg s19  }
0x2d: {  	s21 =	simm.s32 $0xF80;
	[smem:$0x72B] =	sst s18  }
0x2e: {  	s22 =	simm.s32 $0x1380;
	[smem:$0x72E] =	sst s21  }
0x2f: {  	s23 =	simm.s32 $0x1780;
	[smem:$0x72F] =	sst s22  }
0x30: {  	s24 =	simm.s32 $0x1B80;
	[smem:$0x730] =	sst s23  }
0x31: {  	s25 =	simm.s32 $0x1F80;
	[smem:$0x731] =	sst s24  }
0x32: {  	s26 =	simm.s32 $0x400;
	[smem:$0x732] =	sst s25  }
0x33: {  	s28 =	simm.s32 $0x800;
	[smem:$0x733] =	sst s26  }
0x34: {  	s29 =	simm.s32 $0xC00;
	[smem:$0x734] =	sst s28  }
0x35: {  	s30 =	simm.s32 $0x1000;
	[smem:$0x735] =	sst s29  }
0x36: {  	s31 =	simm.s32 $0x1400;
	[smem:$0x736] =	sst s30  }
0x37: {  	s8 =	simm.s32 $0x2080;
	[smem:$0x737] =	sst s31  }
0x38: {  	s9 =	simm.s32 $0x2480;
	[smem:$0x73A] =	sst s8  }
0x39: {  	s10 =	simm.s32 $0x2880;
	[smem:$0x73B] =	sst s9  }
0x3a: {  	s0 =	srdreg.scid;
	s11 =	simm.s32 $0x2C80;
	[smem:$0x73C] =	sst s10  }
0x3b: {  	s5 =	sand.u32 $0x1, s0;
	s12 =	simm.s32 $0x3080;
	[smem:$0x73D] =	sst s11  }
0x3c: {  	s16 =	smul.u32 $0x300000, s7;
	s13 =	simm.s32 $0x3480;
	[smem:$0x73E] =	sst s12  }
0x3d: {  	s3 =	smul.u32 $0x180000, s5;
	s14 =	simm.s32 $0x3880;
	[smem:$0x73F] =	sst s13  }
0x3e: {  	s17 =	sshll.u32 s7, $0xD;
	s15 =	simm.s32 $0x3C80;
	[smem:$0x740] =	sst s14  }
0x3f: {  	s0 =	sadd.s32 s3, s16;
	s16 =	simm.s32 $0x1580;
	[smem:$0x741] =	sst s15  }
0x40: {  	s3 =	sadd.s32 s17, s2;
	s17 =	simm.s32 $0x1980;
	[dreg:$0x1c] =	wrdreg s16  }
0x41: {  	s19 =	simm.s32 $0x780;
	[dreg:$0x1d] =	wrdreg s17  }
0x42: {  	s18 =	simm.s32 $0x2900;
	[smem:$0x72C] =	sst s19  }
0x43: {  	s21 =	simm.s32 $0x3500;
	[smem:$0x744] =	sst s18  }
0x44: {  	s22 =	simm.s32 $0x3900;
	[smem:$0x747] =	sst s21  }
0x45: {  	s23 =	simm.s32 $0x3D00;
	[smem:$0x748] =	sst s22  }
0x46: {  	s24 =	simm.s32 $0x2180;
	[smem:$0x749] =	sst s23  }
0x47: {  	s25 =	simm.s32 $0x2580;
	[smem:$0x74A] =	sst s24  }
0x48: {  	s26 =	simm.s32 $0x2980;
	[smem:$0x74B] =	sst s25  }
0x49: {  	s28 =	simm.s32 $0x2D80;
	[smem:$0x74C] =	sst s26  }
0x4a: {  	s29 =	simm.s32 $0x3180;
	[smem:$0x74D] =	sst s28  }
0x4b: {  	s30 =	simm.s32 $0x3580;
	[smem:$0x74E] =	sst s29  }
0x4c: {  	s31 =	simm.s32 $0x3980;
	[smem:$0x74F] =	sst s30  }
0x4d: {  	s8 =	simm.s32 $0x2600;
	[smem:$0x750] =	sst s31  }
0x4e: {  	s9 =	simm.s32 $0x2A00;
	[smem:$0x753] =	sst s8  }
0x4f: {  	s10 =	simm.s32 $0x2E00;
	[smem:$0x754] =	sst s9  }
0x50: {  	s11 =	simm.s32 $0x3200;
	[smem:$0x755] =	sst s10  }
0x51: {  	s12 =	simm.s32 $0x3600;
	[smem:$0x756] =	sst s11  }
0x52: {  	s13 =	simm.s32 $0x3A00;
	[smem:$0x757] =	sst s12  }
0x53: {  	s14 =	simm.s32 $0x3E00;
	[smem:$0x758] =	sst s13  }
0x54: {  	s15 =	simm.s32 $0x2280;
	[smem:$0x759] =	sst s14  }
0x55: {  	s20 =	sshrl.u32 s3, $0x3;
	[smem:$0x75A] =	sst s15  }
0x56: {  	s3 =	simm.s32 $0x1100;
	[dreg:$0x7] =	wrdreg s20  }
0x57: {  	s16 =	simm.s32 $0x1B00;
	[dreg:$0x13] =	wrdreg s3  }
0x58: {  	s17 =	simm.s32 $0x1F00;
	[smem:$0x729] =	sst s16  }
0x59: {  	s19 =	simm.s32 $0x2D00;
	[smem:$0x72A] =	sst s17  }
0x5a: {  	s18 =	simm.s32 $0x2E80;
	[smem:$0x745] =	sst s19  }
0x5b: {  	s21 =	simm.s32 $0x3A80;
	[smem:$0x75D] =	sst s18  }
0x5c: {  	s22 =	simm.s32 $0x3E80;
	[smem:$0x760] =	sst s21  }
0x5d: {  	s23 =	simm.s32 $0x2300;
	[smem:$0x761] =	sst s22  }
0x5e: {  	s24 =	simm.s32 $0x2700;
	[smem:$0x762] =	sst s23  }
0x5f: {  	s25 =	simm.s32 $0x2B00;
	[smem:$0x763] =	sst s24  }
0x60: {  	s26 =	simm.s32 $0x2F00;
	[smem:$0x764] =	sst s25  }
0x61: {  	s28 =	simm.s32 $0x3300;
	[smem:$0x765] =	sst s26  }
0x62: {  	s29 =	simm.s32 $0x3700;
	[smem:$0x766] =	sst s28  }
0x63: {  	s30 =	simm.s32 $0x3B00;
	[smem:$0x767] =	sst s29  }
0x64: {  	s31 =	simm.s32 $0x3F00;
	[smem:$0x768] =	sst s30  }
0x65: {  	s8 =	simm.s32 $0x2B80;
	[smem:$0x769] =	sst s31  }
0x66: {  	s9 =	simm.s32 $0x2F80;
	[smem:$0x76C] =	sst s8  }
0x67: {  	s10 =	simm.s32 $0x3380;
	[smem:$0x76D] =	sst s9  }
0x68: {  	s11 =	simm.s32 $0x3780;
	[smem:$0x76E] =	sst s10  }
0x69: {  	s12 =	simm.s32 $0x3B80;
	[smem:$0x76F] =	sst s11  }
0x6a: {  	s13 =	simm.s32 $0x3F80;
	[smem:$0x770] =	sst s12  }
0x6b: {  	s14 =	simm.s32 $0x2400;
	[smem:$0x771] =	sst s13  }
0x6c: {  	s0 =	sshrl.u32 s0, $0x3;
	s15 =	simm.s32 $0x2800;
	[smem:$0x772] =	sst s14  }
0x6d: {  	s0 =	sadd.s32 s0, s1;
	[smem:$0x773] =	sst s15  }
0x6e: {  	s1 =	simm.s32 $0xD00;
	[dreg:$0x5] =	wrdreg s0  }
0x6f: {  	s20 =	simm.s32 $0x600;
	[dreg:$0x12] =	wrdreg s1  }
0x70: {  	s3 =	simm.s32 $0x1680;
	[smem:$0x714] =	sst s20  }
0x71: {  	s16 =	simm.s32 $0x2100;
	[smem:$0x720] =	sst s3  }
0x72: {  	s17 =	simm.s32 $0x2500;
	[smem:$0x742] =	sst s16  }
0x73: {  	s19 =	simm.s32 $0x3280;
	[smem:$0x743] =	sst s17  }
0x74: {  	s18 =	simm.s32 $0x3400;
	[smem:$0x75E] =	sst s19  }
0x75: {  	s21 =	simm.s32 $0x4000;
	[smem:$0x776] =	sst s18  }
0x76: {  	s22 =	simm.s32 $0x4080;
	[smem:$0x779] =	sst s21  }
0x77: {  	s23 =	simm.s32 $0x4480;
	[smem:$0x77A] =	sst s22  }
0x78: {  	s24 =	simm.s32 $0x4880;
	[smem:$0x77B] =	sst s23  }
0x79: {  	s25 =	simm.s32 $0x4C80;
	[smem:$0x77C] =	sst s24  }
0x7a: {  	s26 =	simm.s32 $0x5080;
	[smem:$0x77D] =	sst s25  }
0x7b: {  	s28 =	simm.s32 $0x5480;
	[smem:$0x77E] =	sst s26  }
0x7c: {  	s29 =	simm.s32 $0x5880;
	[smem:$0x77F] =	sst s28  }
0x7d: {  	s30 =	simm.s32 $0x5C80;
	[smem:$0x780] =	sst s29  }
0x7e: {  	s31 =	simm.s32 $0x4100;
	[smem:$0x781] =	sst s30  }
0x7f: {  	s8 =	simm.s32 $0x4D00;
	[smem:$0x782] =	sst s31  }
0x80: {  	s9 =	simm.s32 $0x5100;
	[smem:$0x785] =	sst s8  }
0x81: {  	s10 =	simm.s32 $0x5500;
	[smem:$0x786] =	sst s9  }
0x82: {  	s11 =	simm.s32 $0x5900;
	[smem:$0x787] =	sst s10  }
0x83: {  	s12 =	simm.s32 $0x5D00;
	[smem:$0x788] =	sst s11  }
0x84: {  	s13 =	simm.s32 $0x4180;
	[smem:$0x789] =	sst s12  }
0x85: {  	s14 =	simm.s32 $0x4580;
	[smem:$0x78A] =	sst s13  }
0x86: {  	s15 =	simm.s32 $0x4980;
	[smem:$0x78B] =	sst s14  }
0x87: {  	s1 =	simm.s32 $0x1280;
	[smem:$0x78C] =	sst s15  }
0x88: {  	s20 =	simm.s32 $0xB80;
	[smem:$0x71F] =	sst s1  }
0x89: {  	s3 =	simm.s32 $0x1C00;
	[smem:$0x72D] =	sst s20  }
0x8a: {  	s16 =	simm.s32 $0x2680;
	[smem:$0x739] =	sst s3  }
0x8b: {  	s17 =	simm.s32 $0x2A80;
	[smem:$0x75B] =	sst s16  }
0x8c: {  	s19 =	simm.s32 $0x3800;
	[smem:$0x75C] =	sst s17  }
0x8d: {  	s18 =	simm.s32 $0x5580;
	[smem:$0x777] =	sst s19  }
0x8e: {  	s21 =	simm.s32 $0x4200;
	[smem:$0x78F] =	sst s18  }
0x8f: {  	s22 =	simm.s32 $0x4600;
	[smem:$0x792] =	sst s21  }
0x90: {  	s23 =	simm.s32 $0x4A00;
	[smem:$0x793] =	sst s22  }
0x91: {  	s24 =	simm.s32 $0x4E00;
	[smem:$0x794] =	sst s23  }
0x92: {  	s25 =	simm.s32 $0x5200;
	[smem:$0x795] =	sst s24  }
0x93: {  	s26 =	simm.s32 $0x5600;
	[smem:$0x796] =	sst s25  }
0x94: {  	s28 =	simm.s32 $0x5A00;
	[smem:$0x797] =	sst s26  }
0x95: {  	s29 =	simm.s32 $0x5E00;
	[smem:$0x798] =	sst s28  }
0x96: {  	s30 =	simm.s32 $0x4280;
	[smem:$0x799] =	sst s29  }
0x97: {  	s31 =	simm.s32 $0x4680;
	[smem:$0x79A] =	sst s30  }
0x98: {  	s8 =	simm.s32 $0x5280;
	[smem:$0x79B] =	sst s31  }
0x99: {  	s9 =	simm.s32 $0x5680;
	[smem:$0x79E] =	sst s8  }
0x9a: {  	s10 =	simm.s32 $0x5A80;
	[smem:$0x79F] =	sst s9  }
0x9b: {  	s11 =	simm.s32 $0x5E80;
	[smem:$0x7A0] =	sst s10  }
0x9c: {  	s12 =	simm.s32 $0x4300;
	[smem:$0x7A1] =	sst s11  }
0x9d: {  	s13 =	simm.s32 $0x4700;
	[smem:$0x7A2] =	sst s12  }
0x9e: {  	s14 =	simm.s32 $0x4B00;
	[smem:$0x7A3] =	sst s13  }
0x9f: {  	s15 =	simm.s32 $0x4F00;
	[smem:$0x7A4] =	sst s14  }
0xa0: {  	s1 =	simm.s32 $0x1800;
	[smem:$0x7A5] =	sst s15  }
0xa1: {  	s20 =	simm.s32 $0x3100;
	[smem:$0x738] =	sst s1  }
0xa2: {  	s3 =	simm.s32 $0x2200;
	[smem:$0x746] =	sst s20  }
0xa3: {  	s16 =	simm.s32 $0x2C00;
	[smem:$0x752] =	sst s3  }
0xa4: {  	s17 =	simm.s32 $0x3000;
	[smem:$0x774] =	sst s16  }
0xa5: {  	s19 =	simm.s32 $0x5980;
	[smem:$0x775] =	sst s17  }
0xa6: {  	s18 =	simm.s32 $0x5B00;
	[smem:$0x790] =	sst s19  }
0xa7: {  	s21 =	simm.s32 $0x4780;
	[smem:$0x7A8] =	sst s18  }
0xa8: {  	s22 =	simm.s32 $0x4B80;
	[smem:$0x7AB] =	sst s21  }
0xa9: {  	s23 =	simm.s32 $0x4F80;
	[smem:$0x7AC] =	sst s22  }
0xaa: {  	s24 =	simm.s32 $0x5380;
	[smem:$0x7AD] =	sst s23  }
0xab: {  	s25 =	simm.s32 $0x5780;
	[smem:$0x7AE] =	sst s24  }
0xac: {  	s26 =	simm.s32 $0x5B80;
	[smem:$0x7AF] =	sst s25  }
0xad: {  	s28 =	simm.s32 $0x5F80;
	[smem:$0x7B0] =	sst s26  }
0xae: {  	s29 =	simm.s32 $0x4400;
	[smem:$0x7B1] =	sst s28  }
0xaf: {  	s30 =	simm.s32 $0x4800;
	[smem:$0x7B2] =	sst s29  }
0xb0: {  	s31 =	simm.s32 $0x4C00;
	[smem:$0x7B3] =	sst s30  }
0xb1: {  	s8 =	simm.s32 $0x5800;
	[smem:$0x7B4] =	sst s31  }
0xb2: {  	s9 =	simm.s32 $0x5C00;
	[smem:$0x7B7] =	sst s8  }
0xb3: {  	s10 =	simm.s32 $0x6000;
	[smem:$0x7B8] =	sst s9  }
0xb4: {  	s11 =	simm.s32 $0x6080;
	[smem:$0x7B9] =	sst s10  }
0xb5: {  	s12 =	simm.s32 $0x6480;
	[smem:$0x7BA] =	sst s11  }
0xb6: {  	s13 =	simm.s32 $0x6880;
	[smem:$0x7BB] =	sst s12  }
0xb7: {  	s14 =	simm.s32 $0x6C80;
	[smem:$0x7BC] =	sst s13  }
0xb8: {  	s15 =	simm.s32 $0x7080;
	[smem:$0x7BD] =	sst s14  }
0xb9: {  	s1 =	simm.s32 $0x3D80;
	[smem:$0x7BE] =	sst s15  }
0xba: {  	s20 =	simm.s32 $0x3680;
	[smem:$0x751] =	sst s1  }
0xbb: {  	s3 =	simm.s32 $0x2780;
	[smem:$0x75F] =	sst s20  }
0xbc: {  	s16 =	simm.s32 $0x4D80;
	[smem:$0x76B] =	sst s3  }
0xbd: {  	s17 =	simm.s32 $0x5180;
	[smem:$0x78D] =	sst s16  }
0xbe: {  	s19 =	simm.s32 $0x5F00;
	[smem:$0x78E] =	sst s17  }
0xbf: {  	s18 =	simm.s32 $0x7C80;
	[smem:$0x7A9] =	sst s19  }
0xc0: {  	s21 =	simm.s32 $0x6900;
	[smem:$0x7C1] =	sst s18  }
0xc1: {  	s22 =	simm.s32 $0x6D00;
	[smem:$0x7C4] =	sst s21  }
0xc2: {  	s23 =	simm.s32 $0x7100;
	[smem:$0x7C5] =	sst s22  }
0xc3: {  	s24 =	simm.s32 $0x7500;
	[smem:$0x7C6] =	sst s23  }
0xc4: {  	s25 =	simm.s32 $0x7900;
	[smem:$0x7C7] =	sst s24  }
0xc5: {  	s26 =	simm.s32 $0x7D00;
	[smem:$0x7C8] =	sst s25  }
0xc6: {  	s28 =	simm.s32 $0x6180;
	[smem:$0x7C9] =	sst s26  }
0xc7: {  	s29 =	simm.s32 $0x6580;
	[smem:$0x7CA] =	sst s28  }
0xc8: {  	s30 =	simm.s32 $0x6980;
	[smem:$0x7CB] =	sst s29  }
0xc9: {  	s31 =	simm.s32 $0x6D80;
	[smem:$0x7CC] =	sst s30  }
0xca: {  	s8 =	simm.s32 $0x7980;
	[smem:$0x7CD] =	sst s31  }
0xcb: {  	s9 =	simm.s32 $0x7D80;
	[smem:$0x7D0] =	sst s8  }
0xcc: {  	s10 =	simm.s32 $0x6200;
	[smem:$0x7D1] =	sst s9  }
0xcd: {  	s11 =	simm.s32 $0x6600;
	[smem:$0x7D2] =	sst s10  }
0xce: {  	s12 =	simm.s32 $0x6A00;
	[smem:$0x7D3] =	sst s11  }
0xcf: {  	s13 =	simm.s32 $0x6E00;
	[smem:$0x7D4] =	sst s12  }
0xd0: {  	s14 =	simm.s32 $0x7200;
	[smem:$0x7D5] =	sst s13  }
0xd1: {  	s15 =	simm.s32 $0x7600;
	[smem:$0x7D6] =	sst s14  }
0xd2: {  	s1 =	simm.s32 $0x2380;
	[smem:$0x7D7] =	sst s15  }
0xd3: {  	s20 =	simm.s32 $0x3C00;
	[smem:$0x76A] =	sst s1  }
0xd4: {  	s3 =	simm.s32 $0x4900;
	[smem:$0x778] =	sst s20  }
0xd5: {  	s16 =	simm.s32 $0x5300;
	[smem:$0x784] =	sst s3  }
0xd6: {  	s17 =	simm.s32 $0x5700;
	[smem:$0x7A6] =	sst s16  }
0xd7: {  	s19 =	simm.s32 $0x6100;
	[smem:$0x7A7] =	sst s17  }
0xd8: {  	s18 =	simm.s32 $0x6280;
	[smem:$0x7C2] =	sst s19  }
0xd9: {  	s21 =	simm.s32 $0x6E80;
	[smem:$0x7DA] =	sst s18  }
0xda: {  	s22 =	simm.s32 $0x7280;
	[smem:$0x7DD] =	sst s21  }
0xdb: {  	s23 =	simm.s32 $0x7680;
	[smem:$0x7DE] =	sst s22  }
0xdc: {  	s24 =	simm.s32 $0x7A80;
	[smem:$0x7DF] =	sst s23  }
0xdd: {  	s25 =	simm.s32 $0x7E80;
	[smem:$0x7E0] =	sst s24  }
0xde: {  	s26 =	simm.s32 $0x6300;
	[smem:$0x7E1] =	sst s25  }
0xdf: {  	s28 =	simm.s32 $0x6700;
	[smem:$0x7E2] =	sst s26  }
0xe0: {  	s29 =	simm.s32 $0x6B00;
	[smem:$0x7E3] =	sst s28  }
0xe1: {  	s30 =	simm.s32 $0x6F00;
	[smem:$0x7E4] =	sst s29  }
0xe2: {  	s31 =	simm.s32 $0x7300;
	[smem:$0x7E5] =	sst s30  }
0xe3: {  	s8 =	simm.s32 $0x7F00;
	[smem:$0x7E6] =	sst s31  }
0xe4: {  	s9 =	simm.s32 $0x6380;
	[smem:$0x7E9] =	sst s8  }
0xe5: {  	s10 =	simm.s32 $0x6780;
	[smem:$0x7EA] =	sst s9  }
0xe6: {  	s11 =	simm.s32 $0x6B80;
	[smem:$0x7EB] =	sst s10  }
0xe7: {  	s13 =	simm.s32 $0x6F80;
	[smem:$0x7EC] =	sst s11  }
0xe8: {  	s14 =	simm.s32 $0x7380;
	[smem:$0x7ED] =	sst s13  }
0xe9: {  	s1 =	simm.s32 $0x4500;
	[smem:$0x7EE] =	sst s14  }
0xea: {  	s20 =	simm.s32 $0x5D80;
	[smem:$0x783] =	sst s1  }
0xeb: {  	s3 =	simm.s32 $0x4E80;
	[smem:$0x791] =	sst s20  }
0xec: {  	s16 =	simm.s32 $0x7480;
	[smem:$0x79D] =	sst s3  }
0xed: {  	s17 =	simm.s32 $0x7880;
	[smem:$0x7BF] =	sst s16  }
0xee: {  	s19 =	simm.s32 $0x6680;
	[smem:$0x7C0] =	sst s17  }
0xef: {  	s18 =	simm.s32 $0x7B80;
	[smem:$0x7DB] =	sst s19  }
0xf0: {  	s21 =	simm.s32 $0x6400;
	[smem:$0x7F0] =	sst s18  }
0xf1: {  	s22 =	simm.s32 $0x6800;
	[smem:$0x7F2] =	sst s21  }
0xf2: {  	s23 =	simm.s32 $0x6C00;
	[smem:$0x7F3] =	sst s22  }
0xf3: {  	s24 =	simm.s32 $0x7000;
	[smem:$0x7F5] =	sst s23  }
0xf4: {  	s25 =	simm.s32 $0x7400;
	[smem:$0x7F7] =	sst s24  }
0xf5: {  	s28 =	simm.s32 $0x7800;
	[smem:$0x7F9] =	sst s25  }
0xf6: {  	s29 =	simm.s32 $0x7C00;
	[smem:$0x7FA] =	sst s28  }
0xf7: {  	s30 =	simm.s32 $0x8000;
	[smem:$0x7FB] =	sst s29  }
0xf8: {  	s31 =	simm.s32 $0x60000;
	[smem:$0x7FC] =	sst s30  }
0xf9: {  	s1 =	simm.s32 $0x4A80;
	[smem:$0x7FD] =	sst s31  }
0xfa: {  	s20 =	simm.s32 $0x4380;
	[smem:$0x79C] =	sst s1  }
0xfb: {  	s3 =	simm.s32 $0x5400;
	[smem:$0x7AA] =	sst s20  }
0xfc: {  	s16 =	simm.s32 $0x7A00;
	[smem:$0x7B6] =	sst s3  }
0xfd: {  	s17 =	simm.s32 $0x7E00;
	[smem:$0x7D8] =	sst s16  }
0xfe: {  	s19 =	simm.s32 $0x7F80;
	[smem:$0x7D9] =	sst s17  }
0xff: {  	s12 =	sshll.u32 s7, $0xA;
	s1 =	simm.s32 $0x5000;
	[smem:$0x7F1] =	sst s19  }
0x100: {  	s15 =	ssub.s32 $0x2, s5;
	s20 =	simm.s32 $0x6500;
	[smem:$0x7B5] =	sst s1  }
0x101: {  	s5 =	sshll.u32 s5, $0x2;
	s3 =	simm.s32 $0x7580;
	[smem:$0x7C3] =	sst s20  }
0x102: {  	s8 =	simm.s32 $0x80;
	s16 =	simm.s32 $0x7780;
	[smem:$0x7CF] =	sst s3  }
0x103: {  	s9 =	simm.s32 $0x2000;
	s1 =	simm.s32 $0x7180;
	[smem:$0x7EF] =	sst s16  }
0x104: {  	s17 =	sshrl.u32 s15, $0x1;
	s20 =	simm.s32 $0x6A80;
	[smem:$0x7CE] =	sst s1  }
0x105: {  	s3 =	simm.s32 $0x7B00;
	[smem:$0x7DC] =	sst s20;
	s1 =	simm.s32 $0x7700  }
0x106: {  	[smem:$0x7E8] =	sst s3;
	s3 =	ssub.s32 s15, s17;
	s20 =	sshll.u32 s7, $0x3  }
0x107: {  	[smem:$0x7E7] =	sst s1;
	s5 =	sor.u32 s5, s20;
	s3 =	smax.u32 s3, $0x1  }
0x108: {  	s1 =	sadd.s32 s12, s6;
	s4 =	sadd.s32 s4, s5;
	[smem:$0x7F6] =	sst s3  }
0x109: {  	s10 =	simm.s32 $0x1;
	s26 =	sadd.s32 $0xC00, s1;
	[smem:$0x7F4] =	sst s4  }
0x10a: {  	s7 =	simm.s32 $0x2;
	s1 =	simm.s32 $0x0;
	[smem:$0x7F8] =	sst s26  }
.LBB2_1:
0x10b: {  	s24 =	sld [smem:$0x7F4];
	_ =	sdelay $0x1  }
0x10c: {  	[smem:$0x713] =	sst s1;
	s0 =	simm.s32 $0x0  }
0x10d: {  	[tilespmem:s0], [sflag:$0x2] =	stream.linear.gather [hbm4b:s24+s0], $0x20, $0x38;
	[tilespmem:$0xA080] =	vst v63  }
0x10e: {  	_ =	swait.ge [sflag:s7], $0x20  }
0x10f: {  	s14 =	sld [smem:$0x7F8]  }
0x110: {  	s25 =	rddreg [dreg:$0x6];
	[sflag:s7] =	ssyncset.done $0x0  }
0x111: {  	s26 =	rddreg [dreg:$0x7];
	[sflag:s7] =	ssyncadd.s32 $0xFFFFFFE0  }
0x112: {  	[spmem:s26], [sflag:s25] =	dma.local [hbm:s14], $0x400  }
0x113: {  	_ =	swait.ge [sflag:s7], $0x400  }
0x114: {  	[sflag:s7] =	ssyncset.done $0x0  }
0x115: {  	[sflag:s7] =	ssyncadd.s32 $0xFFFFFC00  }
0x116: {  	[bflag:$0x0] =	sbarrier.arrive $0xFFFF  }
0x117: {  	v1 =	vld [tilespmem:$0x0];
	_ =	sdelay $0x4  }
0x118: {  	(v2sf) =	vpush v1, $0x0;
	_ =	sdelay $0xb  }
0x119: {  	(v2sf) =	vpush v1, $0x1;
	_ =	sdelay $0x2  }
0x11a: {  	s28 =	spop (v2sf)  }
0x11b: {  	s29 =	sshll.u32 s28, $0xA  }
0x11c: {  	s30 =	rddreg [dreg:$0x8];
	s0 =	sshll.u32 s28, $0x7;
	s1 =	sand.u32 $0xFFFFE000, s29  }
0x11d: {  	s4 =	rddreg [dreg:$0x9];
	s0 =	sand.u32 $0x380, s0;
	s1 =	sadd.s32 s1, s2  }
0x11e: {  	s5 =	rddreg [dreg:$0xa];
	s0 =	sadd.s32 s0, s1  }
0x11f: {  	v0 =	vld [tilespmem:$0x10];
	[tilespmem:s8], [sflag:$0x1] =	stream.linear.gather [spmem:s0], $0x80, $0x38  }
0x120: {  	s6 =	rddreg [dreg:$0xb];
	s3 =	sadd.s32 $0x400, s0  }
0x121: {  	[tilespmem:s30], [sflag:$0x1] =	stream.linear.gather [spmem:s3], $0x80, $0x38;
	[tilespmem:$0xA080] =	vst v63  }
0x122: {  	s16 =	rddreg [dreg:$0xc];
	s11 =	sadd.s32 $0x800, s0  }
0x123: {  	(v2sf) =	vpush v1, $0x2;
	[tilespmem:s4], [sflag:$0x1] =	stream.linear.gather [spmem:s11], $0x80, $0x38;
	[tilespmem:$0xA080] =	vst v63  }
0x124: {  	s18 =	rddreg [dreg:$0xd];
	s13 =	sadd.s32 $0xC00, s0  }
0x125: {  	[tilespmem:s5], [sflag:$0x1] =	stream.linear.gather [spmem:s13], $0x80, $0x38;
	[tilespmem:$0xA080] =	vst v63  }
0x126: {  	s20 =	rddreg [dreg:$0xe];
	s31 =	spop (v2sf);
	s15 =	sadd.s32 $0x1000, s0  }
0x127: {  	[tilespmem:s6], [sflag:$0x1] =	stream.linear.gather [spmem:s15], $0x80, $0x38;
	[tilespmem:$0xA080] =	vst v63  }
0x128: {  	s21 =	rddreg [dreg:$0xf];
	s12 =	sshll.u32 s31, $0xA;
	s17 =	sadd.s32 $0x1400, s0  }
0x129: {  	[tilespmem:s16], [sflag:$0x1] =	stream.linear.gather [spmem:s17], $0x80, $0x38;
	[tilespmem:$0xA080] =	vst v63  }
0x12a: {  	s1 =	sshll.u32 s31, $0x7;
	s19 =	sadd.s32 $0x1800, s0;
	s3 =	sand.u32 $0xFFFFE000, s12  }
0x12b: {  	[tilespmem:s18], [sflag:$0x1] =	stream.linear.gather [spmem:s19], $0x80, $0x38;
	[tilespmem:$0xA080] =	vst v63  }
0x12c: {  	s0 =	sadd.s32 $0x1C00, s0;
	s1 =	sand.u32 $0x380, s1;
	s3 =	sadd.s32 s3, s2  }
0x12d: {  	[tilespmem:s20], [sflag:$0x1] =	stream.linear.gather [spmem:s0], $0x80, $0x38;
	[tilespmem:$0xA080] =	vst v63  }
0x12e: {  	s23 =	rddreg [dreg:$0x10];
	s22 =	sadd.s32 s1, s3  }
0x12f: {  	[tilespmem:s21], [sflag:$0x1] =	stream.linear.gather [spmem:s22], $0x80, $0x38;
	[tilespmem:$0xA080] =	vst v63  }
0x130: {  	s24 =	rddreg [dreg:$0x11];
	s3 =	sadd.s32 $0x400, s22  }
0x131: {  	[tilespmem:s23], [sflag:$0x1] =	stream.linear.gather [spmem:s3], $0x80, $0x38;
	[tilespmem:$0xA080] =	vst v63  }
0x132: {  	s28 =	rddreg [dreg:$0x12];
	s25 =	spop (v2sf);
	s26 =	sadd.s32 $0x800, s22  }
0x133: {  	(v2sf) =	vpush v1, $0x3;
	[tilespmem:s24], [sflag:$0x1] =	stream.linear.gather [spmem:s26], $0x80, $0x38;
	[tilespmem:$0xA080] =	vst v63  }
0x134: {  	s29 =	sshll.u32 s25, $0xA;
	s31 =	rddreg [dreg:$0x13];
	s30 =	sadd.s32 $0xC00, s22  }
0x135: {  	[tilespmem:s28], [sflag:$0x1] =	stream.linear.gather [spmem:s30], $0x80, $0x38;
	[tilespmem:$0xA080] =	vst v63  }
0x136: {  	s11 =	rddreg [dreg:$0x14];
	s1 =	sshll.u32 s25, $0x7;
	s5 =	sadd.s32 $0x1000, s22  }
0x137: {  	[tilespmem:s31], [sflag:$0x1] =	stream.linear.gather [spmem:s5], $0x80, $0x38;
	[tilespmem:$0xA080] =	vst v63  }
0x138: {  	s12 =	sadd.s32 $0x1400, s22;
	s1 =	sand.u32 $0x380, s1;
	s13 =	rddreg [dreg:$0x15]  }
0x139: {  	[tilespmem:s11], [sflag:$0x1] =	stream.linear.gather [spmem:s12], $0x80, $0x38;
	[tilespmem:$0xA080] =	vst v63  }
0x13a: {  	s15 =	sadd.s32 $0x1800, s22;
	s16 =	rddreg [dreg:$0x16];
	s3 =	sand.u32 $0xFFFFE000, s29  }
0x13b: {  	[tilespmem:s13], [sflag:$0x1] =	stream.linear.gather [spmem:s15], $0x80, $0x38;
	[tilespmem:$0xA080] =	vst v63  }
0x13c: {  	s17 =	rddreg [dreg:$0x17];
	s0 =	sadd.s32 $0x1C00, s22;
	s3 =	sadd.s32 s3, s2  }
0x13d: {  	[tilespmem:s16], [sflag:$0x1] =	stream.linear.gather [spmem:s0], $0x80, $0x38;
	[tilespmem:$0xA080] =	vst v63  }
0x13e: {  	s19 =	rddreg [dreg:$0x18];
	s18 =	sadd.s32 s1, s3  }
0x13f: {  	[tilespmem:s17], [sflag:$0x1] =	stream.linear.gather [spmem:s18], $0x80, $0x38;
	[tilespmem:$0xA080] =	vst v63  }
0x140: {  	s20 =	rddreg [dreg:$0x19];
	s3 =	sadd.s32 $0x400, s18  }
0x141: {  	[tilespmem:s19], [sflag:$0x1] =	stream.linear.gather [spmem:s3], $0x80, $0x38;
	[tilespmem:$0xA080] =	vst v63  }
0x142: {  	s21 =	spop (v2sf);
	s23 =	rddreg [dreg:$0x1a];
	s22 =	sadd.s32 $0x800, s18  }
0x143: {  	(v2sf) =	vpush v1, $0x4;
	[tilespmem:s20], [sflag:$0x1] =	stream.linear.gather [spmem:s22], $0x80, $0x38;
	[tilespmem:$0xA080] =	vst v63  }
0x144: {  	s29 =	rddreg [dreg:$0x1c];
	s24 =	sshll.u32 s21, $0xA;
	s25 =	sadd.s32 $0xC00, s18  }
0x145: {  	(v2sf) =	vpush v1, $0x5;
	[tilespmem:s23], [sflag:$0x1] =	stream.linear.gather [spmem:s25], $0x80, $0x38;
	[tilespmem:$0xA080] =	vst v63  }
0x146: {  	s26 =	rddreg [dreg:$0x1b];
	s1 =	sshll.u32 s21, $0x7;
	s28 =	sadd.s32 $0x1000, s18  }
0x147: {  	(v2sf) =	vpush v1, $0x6;
	[tilespmem:s26], [sflag:$0x1] =	stream.linear.gather [spmem:s28], $0x80, $0x38;
	[tilespmem:$0xA080] =	vst v63  }
0x148: {  	s1 =	sand.u32 $0x380, s1;
	s30 =	sadd.s32 $0x1400, s18;
	s31 =	rddreg [dreg:$0x1d]  }
0x149: {  	(v2sf) =	vpush v1, $0x7;
	[tilespmem:s29], [sflag:$0x1] =	stream.linear.gather [spmem:s30], $0x80, $0x38;
	[tilespmem:$0xA080] =	vst v63  }
0x14a: {  	s11 =	sadd.s32 $0x1800, s18;
	s12 =	rddreg [dreg:$0x1e];
	s3 =	sand.u32 $0xFFFFE000, s24  }
0x14b: {  	(v2sf) =	vpush v1, $0x8;
	[tilespmem:s31], [sflag:$0x1] =	stream.linear.gather [spmem:s11], $0x80, $0x38;
	[tilespmem:$0xA080] =	vst v63  }
0x14c: {  	s13 =	rddreg [dreg:$0x1f];
	s0 =	sadd.s32 $0x1C00, s18;
	s3 =	sadd.s32 s3, s2  }
0x14d: {  	[tilespmem:s12], [sflag:$0x1] =	stream.linear.gather [spmem:s0], $0x80, $0x38;
	[tilespmem:$0xA080] =	vst v63  }
0x14e: {  	s16 =	sld [smem:$0x714];
	s15 =	sadd.s32 s1, s3  }
0x14f: {  	[tilespmem:s13], [sflag:$0x1] =	stream.linear.gather [spmem:s15], $0x80, $0x38;
	[tilespmem:$0xA080] =	vst v63  }
0x150: {  	s17 =	sld [smem:$0x715];
	s1 =	sadd.s32 $0x400, s15  }
0x151: {  	[tilespmem:s16], [sflag:$0x1] =	stream.linear.gather [spmem:s1], $0x80, $0x38;
	[tilespmem:$0xA080] =	vst v63  }
0x152: {  	s19 =	sld [smem:$0x716];
	s20 =	spop (v2sf);
	s18 =	sadd.s32 $0x800, s15  }
0x153: {  	[tilespmem:s17], [sflag:$0x1] =	stream.linear.gather [spmem:s18], $0x80, $0x38;
	[tilespmem:$0xA080] =	vst v63  }
0x154: {  	s22 =	sld [smem:$0x717];
	s21 =	sadd.s32 $0xC00, s15;
	s6 =	spop (v2sf)  }
0x155: {  	[tilespmem:s19], [sflag:$0x1] =	stream.linear.gather [spmem:s21], $0x80, $0x38;
	[tilespmem:$0xA080] =	vst v63  }
0x156: {  	s24 =	sld [smem:$0x718];
	s23 =	sadd.s32 $0x1000, s15;
	s3 =	spop (v2sf)  }
0x157: {  	[tilespmem:s22], [sflag:$0x1] =	stream.linear.gather [spmem:s23], $0x80, $0x38;
	[tilespmem:$0xA080] =	vst v63  }
0x158: {  	s25 =	sadd.s32 $0x1400, s15;
	s11 =	sld [smem:$0x719];
	s1 =	spop (v2sf)  }
0x159: {  	[tilespmem:s24], [sflag:$0x1] =	stream.linear.gather [spmem:s25], $0x80, $0x38;
	[tilespmem:$0xA080] =	vst v63  }
0x15a: {  	s26 =	sadd.s32 $0x1800, s15;
	s12 =	sld [smem:$0x71A];
	s0 =	spop (v2sf)  }
0x15b: {  	(v2sf) =	vpush v1, $0x9;
	[tilespmem:s11], [sflag:$0x1] =	stream.linear.gather [spmem:s26], $0x80, $0x38;
	[tilespmem:$0xA080] =	vst v63  }
0x15c: {  	s5 =	sadd.s32 $0x1C00, s15;
	s28 =	sshll.u32 s20, $0xA;
	s11 =	sld [smem:$0x71B]  }
0x15d: {  	[tilespmem:s12], [sflag:$0x1] =	stream.linear.gather [spmem:s5], $0x80, $0x38;
	[tilespmem:$0xA080] =	vst v63  }
0x15e: {  	s4 =	sshll.u32 s20, $0x7;
	s5 =	sand.u32 $0xFFFFE000, s28;
	s29 =	sld [smem:$0x71C]  }
0x15f: {  	s4 =	sand.u32 $0x380, s4;
	s5 =	sadd.s32 s5, s2;
	s31 =	sld [smem:$0x71D]  }
0x160: {  	s15 =	sld [smem:$0x71E];
	s4 =	sadd.s32 s4, s5  }
0x161: {  	[tilespmem:s11], [sflag:$0x1] =	stream.linear.gather [spmem:s4], $0x80, $0x38;
	[tilespmem:$0xA080] =	vst v63  }
0x162: {  	s17 =	sld [smem:$0x71F];
	s30 =	sadd.s32 $0x400, s4  }
0x163: {  	[tilespmem:s29], [sflag:$0x1] =	stream.linear.gather [spmem:s30], $0x80, $0x38;
	[tilespmem:$0xA080] =	vst v63  }
0x164: {  	s19 =	sld [smem:$0x720];
	s13 =	sadd.s32 $0x800, s4  }
0x165: {  	[tilespmem:s31], [sflag:$0x1] =	stream.linear.gather [spmem:s13], $0x80, $0x38;
	[tilespmem:$0xA080] =	vst v63  }
0x166: {  	s21 =	sld [smem:$0x721];
	s16 =	sadd.s32 $0xC00, s4  }
0x167: {  	[tilespmem:s15], [sflag:$0x1] =	stream.linear.gather [spmem:s16], $0x80, $0x38;
	[tilespmem:$0xA080] =	vst v63  }
0x168: {  	s24 =	sshll.u32 s6, $0xA;
	s23 =	sld [smem:$0x722];
	s18 =	sadd.s32 $0x1000, s4  }
0x169: {  	[tilespmem:s17], [sflag:$0x1] =	stream.linear.gather [spmem:s18], $0x80, $0x38;
	[tilespmem:$0xA080] =	vst v63  }
0x16a: {  	s26 =	sshll.u32 s6, $0x7;
	s28 =	sld [smem:$0x723];
	s20 =	sadd.s32 $0x1400, s4  }
0x16b: {  	[tilespmem:s19], [sflag:$0x1] =	stream.linear.gather [spmem:s20], $0x80, $0x38;
	[tilespmem:$0xA080] =	vst v63  }
0x16c: {  	s5 =	sand.u32 $0x380, s26;
	s26 =	sld [smem:$0x72C];
	s22 =	sadd.s32 $0x1800, s4  }
0x16d: {  	[tilespmem:s21], [sflag:$0x1] =	stream.linear.gather [spmem:s22], $0x80, $0x38;
	[tilespmem:$0xA080] =	vst v63  }
0x16e: {  	s25 =	sand.u32 $0xFFFFE000, s24;
	s4 =	sadd.s32 $0x1C00, s4;
	s11 =	sld [smem:$0x72F]  }
0x16f: {  	[tilespmem:s23], [sflag:$0x1] =	stream.linear.gather [spmem:s4], $0x80, $0x38;
	[tilespmem:$0xA080] =	vst v63  }
0x170: {  	s29 =	sld [smem:$0x724];
	s4 =	sadd.s32 s25, s2  }
0x171: {  	s31 =	sld [smem:$0x725];
	s4 =	sadd.s32 s5, s4  }
0x172: {  	[tilespmem:s28], [sflag:$0x1] =	stream.linear.gather [spmem:s4], $0x80, $0x38;
	[tilespmem:$0xA080] =	vst v63  }
0x173: {  	s13 =	sld [smem:$0x726];
	s30 =	sadd.s32 $0x400, s4  }
0x174: {  	[tilespmem:s29], [sflag:$0x1] =	stream.linear.gather [spmem:s30], $0x80, $0x38;
	[tilespmem:$0xA080] =	vst v63  }
0x175: {  	s16 =	sld [smem:$0x727];
	s12 =	sadd.s32 $0x800, s4  }
0x176: {  	[tilespmem:s31], [sflag:$0x1] =	stream.linear.gather [spmem:s12], $0x80, $0x38;
	[tilespmem:$0xA080] =	vst v63  }
0x177: {  	s18 =	sld [smem:$0x728];
	s15 =	sadd.s32 $0xC00, s4  }
0x178: {  	[tilespmem:s13], [sflag:$0x1] =	stream.linear.gather [spmem:s15], $0x80, $0x38;
	[tilespmem:$0xA080] =	vst v63  }
0x179: {  	s20 =	sld [smem:$0x729];
	s17 =	sadd.s32 $0x1000, s4  }
0x17a: {  	[tilespmem:s16], [sflag:$0x1] =	stream.linear.gather [spmem:s17], $0x80, $0x38;
	[tilespmem:$0xA080] =	vst v63  }
0x17b: {  	s22 =	sld [smem:$0x72A];
	s19 =	sadd.s32 $0x1400, s4  }
0x17c: {  	[tilespmem:s18], [sflag:$0x1] =	stream.linear.gather [spmem:s19], $0x80, $0x38;
	[tilespmem:$0xA080] =	vst v63  }
0x17d: {  	s23 =	sshll.u32 s3, $0xA;
	s3 =	sshll.u32 s3, $0x7;
	s21 =	sadd.s32 $0x1800, s4  }
0x17e: {  	[tilespmem:s20], [sflag:$0x1] =	stream.linear.gather [spmem:s21], $0x80, $0x38;
	[tilespmem:$0xA080] =	vst v63  }
0x17f: {  	s25 =	sld [smem:$0x72B];
	s24 =	sand.u32 $0xFFFFE000, s23;
	s4 =	sadd.s32 $0x1C00, s4  }
0x180: {  	[tilespmem:s22], [sflag:$0x1] =	stream.linear.gather [spmem:s4], $0x80, $0x38;
	[tilespmem:$0xA080] =	vst v63  }
0x181: {  	s3 =	sand.u32 $0x380, s3;
	s29 =	sld [smem:$0x72D];
	s4 =	sadd.s32 s24, s2  }
0x182: {  	s31 =	sld [smem:$0x72E];
	s3 =	sadd.s32 s3, s4  }
0x183: {  	[tilespmem:s25], [sflag:$0x1] =	stream.linear.gather [spmem:s3], $0x80, $0x38;
	[tilespmem:$0xA080] =	vst v63  }
0x184: {  	s13 =	sld [smem:$0x730];
	s28 =	sadd.s32 $0x400, s3  }
0x185: {  	[tilespmem:s26], [sflag:$0x1] =	stream.linear.gather [spmem:s28], $0x80, $0x38;
	[tilespmem:$0xA080] =	vst v63  }
0x186: {  	s16 =	sld [smem:$0x731];
	s30 =	sadd.s32 $0x800, s3  }
0x187: {  	[tilespmem:s29], [sflag:$0x1] =	stream.linear.gather [spmem:s30], $0x80, $0x38;
	[tilespmem:$0xA080] =	vst v63  }
0x188: {  	s18 =	sld [smem:$0x732];
	s6 =	sadd.s32 $0xC00, s3  }
0x189: {  	[tilespmem:s31], [sflag:$0x1] =	stream.linear.gather [spmem:s6], $0x80, $0x38;
	[tilespmem:$0xA080] =	vst v63  }
0x18a: {  	s21 =	sld [smem:$0x733];
	s12 =	sadd.s32 $0x1000, s3  }
0x18b: {  	[tilespmem:s11], [sflag:$0x1] =	stream.linear.gather [spmem:s12], $0x80, $0x38;
	[tilespmem:$0xA080] =	vst v63  }
0x18c: {  	s19 =	sshll.u32 s1, $0xA;
	s22 =	sld [smem:$0x734];
	s15 =	sadd.s32 $0x1400, s3  }
0x18d: {  	[tilespmem:s13], [sflag:$0x1] =	stream.linear.gather [spmem:s15], $0x80, $0x38;
	[tilespmem:$0xA080] =	vst v63  }
0x18e: {  	s1 =	sshll.u32 s1, $0x7;
	s24 =	sld [smem:$0x735];
	s17 =	sadd.s32 $0x1800, s3  }
0x18f: {  	[tilespmem:s16], [sflag:$0x1] =	stream.linear.gather [spmem:s17], $0x80, $0x38;
	[tilespmem:$0xA080] =	vst v63  }
0x190: {  	s20 =	sand.u32 $0xFFFFE000, s19;
	s4 =	sld [smem:$0x743];
	s3 =	sadd.s32 $0x1C00, s3  }
0x191: {  	[tilespmem:s18], [sflag:$0x1] =	stream.linear.gather [spmem:s3], $0x80, $0x38;
	[tilespmem:$0xA080] =	vst v63  }
0x192: {  	s1 =	sand.u32 $0x380, s1;
	s26 =	sld [smem:$0x736];
	s3 =	sadd.s32 s20, s2  }
0x193: {  	s29 =	sld [smem:$0x737];
	s1 =	sadd.s32 s1, s3  }
0x194: {  	[tilespmem:s21], [sflag:$0x1] =	stream.linear.gather [spmem:s1], $0x80, $0x38;
	[tilespmem:$0xA080] =	vst v63  }
0x195: {  	s31 =	sld [smem:$0x738];
	s23 =	sadd.s32 $0x400, s1  }
0x196: {  	[tilespmem:s22], [sflag:$0x1] =	stream.linear.gather [spmem:s23], $0x80, $0x38;
	[tilespmem:$0xA080] =	vst v63  }
0x197: {  	s11 =	sld [smem:$0x739];
	s25 =	sadd.s32 $0x800, s1  }
0x198: {  	[tilespmem:s24], [sflag:$0x1] =	stream.linear.gather [spmem:s25], $0x80, $0x38;
	[tilespmem:$0xA080] =	vst v63  }
0x199: {  	s6 =	sshll.u32 s0, $0xA;
	s13 =	sld [smem:$0x73A];
	s28 =	sadd.s32 $0xC00, s1  }
0x19a: {  	[tilespmem:s26], [sflag:$0x1] =	stream.linear.gather [spmem:s28], $0x80, $0x38;
	[tilespmem:$0xA080] =	vst v63  }
0x19b: {  	s0 =	sshll.u32 s0, $0x7;
	s15 =	sld [smem:$0x73B];
	s30 =	sadd.s32 $0x1000, s1  }
0x19c: {  	[tilespmem:s29], [sflag:$0x1] =	stream.linear.gather [spmem:s30], $0x80, $0x38;
	[tilespmem:$0xA080] =	vst v63  }
0x19d: {  	s0 =	sand.u32 $0x380, s0;
	s16 =	sld [smem:$0x73C];
	s5 =	sadd.s32 $0x1400, s1  }
0x19e: {  	[tilespmem:s31], [sflag:$0x1] =	stream.linear.gather [spmem:s5], $0x80, $0x38;
	[tilespmem:$0xA080] =	vst v63  }
0x19f: {  	s18 =	sld [smem:$0x73D];
	s3 =	sand.u32 $0xFFFFE000, s6;
	s12 =	sadd.s32 $0x1800, s1  }
0x1a0: {  	[tilespmem:s11], [sflag:$0x1] =	stream.linear.gather [spmem:s12], $0x80, $0x38;
	[tilespmem:$0xA080] =	vst v63  }
0x1a1: {  	s20 =	sld [smem:$0x73E];
	s3 =	sadd.s32 s3, s2;
	s1 =	sadd.s32 $0x1C00, s1  }
0x1a2: {  	[tilespmem:s9], [sflag:$0x1] =	stream.linear.gather [spmem:s1], $0x80, $0x38;
	[tilespmem:$0xA080] =	vst v63  }
0x1a3: {  	s0 =	sadd.s32 s0, s3;
	s22 =	sld [smem:$0x73F]  }
0x1a4: {  	[tilespmem:s13], [sflag:$0x1] =	stream.linear.gather [spmem:s0], $0x80, $0x38;
	[tilespmem:$0xA080] =	vst v63  }
0x1a5: {  	s3 =	sadd.s32 $0x400, s0;
	s25 =	sld [smem:$0x740]  }
0x1a6: {  	[tilespmem:s15], [sflag:$0x1] =	stream.linear.gather [spmem:s3], $0x80, $0x38;
	[tilespmem:$0xA080] =	vst v63  }
0x1a7: {  	s17 =	sadd.s32 $0x800, s0;
	s23 =	spop (v2sf);
	s29 =	sld [smem:$0x741]  }
0x1a8: {  	(v2sf) =	vpush v1, $0xA;
	[tilespmem:s16], [sflag:$0x1] =	stream.linear.gather [spmem:s17], $0x80, $0x38;
	[tilespmem:$0xA080] =	vst v63  }
0x1a9: {  	s19 =	sadd.s32 $0xC00, s0;
	s30 =	sld [smem:$0x742]  }
0x1aa: {  	[tilespmem:s18], [sflag:$0x1] =	stream.linear.gather [spmem:s19], $0x80, $0x38;
	[tilespmem:$0xA080] =	vst v63  }
0x1ab: {  	s21 =	sadd.s32 $0x1000, s0;
	s24 =	sadd.s32 $0x1400, s0;
	s5 =	sld [smem:$0x744]  }
0x1ac: {  	[tilespmem:s20], [sflag:$0x1] =	stream.linear.gather [spmem:s21], $0x80, $0x38;
	[tilespmem:$0xA080] =	vst v63  }
0x1ad: {  	s26 =	sshll.u32 s23, $0xA;
	s28 =	sadd.s32 $0x1800, s0;
	s11 =	sld [smem:$0x745]  }
0x1ae: {  	[tilespmem:s22], [sflag:$0x1] =	stream.linear.gather [spmem:s24], $0x80, $0x38;
	[tilespmem:$0xA080] =	vst v63  }
0x1af: {  	s1 =	sshll.u32 s23, $0x7;
	s23 =	sld [smem:$0x74A];
	s3 =	sand.u32 $0xFFFFE000, s26  }
0x1b0: {  	[tilespmem:s25], [sflag:$0x1] =	stream.linear.gather [spmem:s28], $0x80, $0x38;
	[tilespmem:$0xA080] =	vst v63  }
0x1b1: {  	s1 =	sand.u32 $0x380, s1;
	s0 =	sadd.s32 $0x1C00, s0;
	s3 =	sadd.s32 s3, s2  }
0x1b2: {  	[tilespmem:s29], [sflag:$0x1] =	stream.linear.gather [spmem:s0], $0x80, $0x38;
	[tilespmem:$0xA080] =	vst v63  }
0x1b3: {  	s13 =	sld [smem:$0x746];
	s31 =	sadd.s32 s1, s3  }
0x1b4: {  	[tilespmem:s30], [sflag:$0x1] =	stream.linear.gather [spmem:s31], $0x80, $0x38;
	[tilespmem:$0xA080] =	vst v63  }
0x1b5: {  	s26 =	sld [smem:$0x74C];
	s3 =	sadd.s32 $0x400, s31  }
0x1b6: {  	[tilespmem:s4], [sflag:$0x1] =	stream.linear.gather [spmem:s3], $0x80, $0x38;
	[tilespmem:$0xA080] =	vst v63  }
0x1b7: {  	s16 =	sld [smem:$0x747];
	s17 =	spop (v2sf);
	s6 =	sadd.s32 $0x800, s31  }
0x1b8: {  	(v2sf) =	vpush v1, $0xB;
	[tilespmem:s5], [sflag:$0x1] =	stream.linear.gather [spmem:s6], $0x80, $0x38;
	[tilespmem:$0xA080] =	vst v63  }
0x1b9: {  	s12 =	sadd.s32 $0xC00, s31;
	s15 =	sadd.s32 $0x1000, s31;
	s19 =	sld [smem:$0x748]  }
0x1ba: {  	[tilespmem:s11], [sflag:$0x1] =	stream.linear.gather [spmem:s12], $0x80, $0x38;
	[tilespmem:$0xA080] =	vst v63  }
0x1bb: {  	s1 =	sshll.u32 s17, $0x7;
	s20 =	sshll.u32 s17, $0xA;
	s17 =	sld [smem:$0x752]  }
0x1bc: {  	[tilespmem:s13], [sflag:$0x1] =	stream.linear.gather [spmem:s15], $0x80, $0x38;
	[tilespmem:$0xA080] =	vst v63  }
0x1bd: {  	s18 =	sadd.s32 $0x1400, s31;
	s1 =	sand.u32 $0x380, s1;
	s22 =	sld [smem:$0x749]  }
0x1be: {  	[tilespmem:s16], [sflag:$0x1] =	stream.linear.gather [spmem:s18], $0x80, $0x38;
	[tilespmem:$0xA080] =	vst v63  }
0x1bf: {  	s21 =	sadd.s32 $0x1800, s31;
	s25 =	sld [smem:$0x74B];
	s3 =	sand.u32 $0xFFFFE000, s20  }
0x1c0: {  	[tilespmem:s19], [sflag:$0x1] =	stream.linear.gather [spmem:s21], $0x80, $0x38;
	[tilespmem:$0xA080] =	vst v63  }
0x1c1: {  	s0 =	sadd.s32 $0x1C00, s31;
	s29 =	sld [smem:$0x74D];
	s3 =	sadd.s32 s3, s2  }
0x1c2: {  	[tilespmem:s22], [sflag:$0x1] =	stream.linear.gather [spmem:s0], $0x80, $0x38;
	[tilespmem:$0xA080] =	vst v63  }
0x1c3: {  	s31 =	sld [smem:$0x74E];
	s24 =	sadd.s32 s1, s3  }
0x1c4: {  	[tilespmem:s23], [sflag:$0x1] =	stream.linear.gather [spmem:s24], $0x80, $0x38;
	[tilespmem:$0xA080] =	vst v63  }
0x1c5: {  	s20 =	sld [smem:$0x754];
	s3 =	sadd.s32 $0x400, s24  }
0x1c6: {  	[tilespmem:s25], [sflag:$0x1] =	stream.linear.gather [spmem:s3], $0x80, $0x38;
	[tilespmem:$0xA080] =	vst v63  }
0x1c7: {  	s4 =	sld [smem:$0x763];
	s6 =	spop (v2sf);
	s28 =	sadd.s32 $0x800, s24  }
0x1c8: {  	(v2sf) =	vpush v1, $0xC;
	[tilespmem:s26], [sflag:$0x1] =	stream.linear.gather [spmem:s28], $0x80, $0x38;
	[tilespmem:$0xA080] =	vst v63  }
0x1c9: {  	s5 =	sld [smem:$0x74F];
	s30 =	sadd.s32 $0xC00, s24  }
0x1ca: {  	[tilespmem:s29], [sflag:$0x1] =	stream.linear.gather [spmem:s30], $0x80, $0x38;
	[tilespmem:$0xA080] =	vst v63  }
0x1cb: {  	s1 =	sshll.u32 s6, $0x7;
	s11 =	sadd.s32 $0x1400, s24;
	s3 =	sadd.s32 $0x1000, s24  }
0x1cc: {  	[tilespmem:s31], [sflag:$0x1] =	stream.linear.gather [spmem:s3], $0x80, $0x38;
	[tilespmem:$0xA080] =	vst v63  }
0x1cd: {  	s12 =	sld [smem:$0x750];
	s1 =	sand.u32 $0x380, s1;
	s13 =	sshll.u32 s6, $0xA  }
0x1ce: {  	[tilespmem:s5], [sflag:$0x1] =	stream.linear.gather [spmem:s11], $0x80, $0x38;
	[tilespmem:$0xA080] =	vst v63  }
0x1cf: {  	s15 =	sadd.s32 $0x1800, s24;
	s16 =	sld [smem:$0x751];
	s3 =	sand.u32 $0xFFFFE000, s13  }
0x1d0: {  	[tilespmem:s12], [sflag:$0x1] =	stream.linear.gather [spmem:s15], $0x80, $0x38;
	[tilespmem:$0xA080] =	vst v63  }
0x1d1: {  	s19 =	sld [smem:$0x753];
	s0 =	sadd.s32 $0x1C00, s24;
	s3 =	sadd.s32 s3, s2  }
0x1d2: {  	[tilespmem:s16], [sflag:$0x1] =	stream.linear.gather [spmem:s0], $0x80, $0x38;
	[tilespmem:$0xA080] =	vst v63  }
0x1d3: {  	s22 =	sld [smem:$0x755];
	s18 =	sadd.s32 s1, s3  }
0x1d4: {  	[tilespmem:s17], [sflag:$0x1] =	stream.linear.gather [spmem:s18], $0x80, $0x38;
	[tilespmem:$0xA080] =	vst v63  }
0x1d5: {  	s24 =	sld [smem:$0x756];
	s3 =	sadd.s32 $0x400, s18  }
0x1d6: {  	[tilespmem:s19], [sflag:$0x1] =	stream.linear.gather [spmem:s3], $0x80, $0x38;
	[tilespmem:$0xA080] =	vst v63  }
0x1d7: {  	s26 =	sld [smem:$0x757];
	s28 =	spop (v2sf);
	s21 =	sadd.s32 $0x800, s18  }
0x1d8: {  	[tilespmem:s20], [sflag:$0x1] =	stream.linear.gather [spmem:s21], $0x80, $0x38;
	[tilespmem:$0xA080] =	vst v63  }
0x1d9: {  	s30 =	sld [smem:$0x758];
	s31 =	sshll.u32 s28, $0xA;
	s23 =	sadd.s32 $0xC00, s18  }
0x1da: {  	(v2sf) =	vpush v1, $0xD;
	[tilespmem:s22], [sflag:$0x1] =	stream.linear.gather [spmem:s23], $0x80, $0x38;
	[tilespmem:$0xA080] =	vst v63  }
0x1db: {  	s11 =	sld [smem:$0x759];
	s1 =	sshll.u32 s28, $0x7;
	s25 =	sadd.s32 $0x1000, s18  }
0x1dc: {  	[tilespmem:s24], [sflag:$0x1] =	stream.linear.gather [spmem:s25], $0x80, $0x38;
	[tilespmem:$0xA080] =	vst v63  }
0x1dd: {  	s5 =	sld [smem:$0x764];
	s29 =	sadd.s32 $0x1400, s18;
	s6 =	sadd.s32 $0x1800, s18  }
0x1de: {  	[tilespmem:s26], [sflag:$0x1] =	stream.linear.gather [spmem:s29], $0x80, $0x38;
	[tilespmem:$0xA080] =	vst v63  }
0x1df: {  	s1 =	sand.u32 $0x380, s1;
	s12 =	sld [smem:$0x75A];
	s3 =	sand.u32 $0xFFFFE000, s31  }
0x1e0: {  	[tilespmem:s30], [sflag:$0x1] =	stream.linear.gather [spmem:s6], $0x80, $0x38;
	[tilespmem:$0xA080] =	vst v63  }
0x1e1: {  	s15 =	sld [smem:$0x75B];
	s0 =	sadd.s32 $0x1C00, s18;
	s3 =	sadd.s32 s3, s2  }
0x1e2: {  	[tilespmem:s11], [sflag:$0x1] =	stream.linear.gather [spmem:s0], $0x80, $0x38;
	[tilespmem:$0xA080] =	vst v63  }
0x1e3: {  	s16 =	sld [smem:$0x75C];
	s13 =	sadd.s32 s1, s3  }
0x1e4: {  	[tilespmem:s12], [sflag:$0x1] =	stream.linear.gather [spmem:s13], $0x80, $0x38;
	[tilespmem:$0xA080] =	vst v63  }
0x1e5: {  	s18 =	sld [smem:$0x75D];
	s3 =	sadd.s32 $0x400, s13  }
0x1e6: {  	[tilespmem:s15], [sflag:$0x1] =	stream.linear.gather [spmem:s3], $0x80, $0x38;
	[tilespmem:$0xA080] =	vst v63  }
0x1e7: {  	s20 =	sld [smem:$0x75E];
	s17 =	sadd.s32 $0x800, s13  }
0x1e8: {  	[tilespmem:s16], [sflag:$0x1] =	stream.linear.gather [spmem:s17], $0x80, $0x38;
	[tilespmem:$0xA080] =	vst v63  }
0x1e9: {  	s19 =	sadd.s32 $0xC00, s13;
	s21 =	sadd.s32 $0x1000, s13;
	s23 =	spop (v2sf)  }
0x1ea: {  	[tilespmem:s18], [sflag:$0x1] =	stream.linear.gather [spmem:s19], $0x80, $0x38;
	[tilespmem:$0xA080] =	vst v63  }
0x1eb: {  	s28 =	sadd.s32 $0x1800, s13;
	s22 =	sld [smem:$0x75F];
	s1 =	sshll.u32 s23, $0x7  }
0x1ec: {  	(v2sf) =	vpush v1, $0xE;
	[tilespmem:s20], [sflag:$0x1] =	stream.linear.gather [spmem:s21], $0x80, $0x38;
	[tilespmem:$0xA080] =	vst v63  }
0x1ed: {  	s24 =	sadd.s32 $0x1400, s13;
	s25 =	sld [smem:$0x760];
	s26 =	sshll.u32 s23, $0xA  }
0x1ee: {  	[tilespmem:s22], [sflag:$0x1] =	stream.linear.gather [spmem:s24], $0x80, $0x38;
	[tilespmem:$0xA080] =	vst v63  }
0x1ef: {  	s1 =	sand.u32 $0x380, s1;
	s29 =	sld [smem:$0x761];
	s3 =	sand.u32 $0xFFFFE000, s26  }
0x1f0: {  	[tilespmem:s25], [sflag:$0x1] =	stream.linear.gather [spmem:s28], $0x80, $0x38;
	[tilespmem:$0xA080] =	vst v63  }
0x1f1: {  	s30 =	sld [smem:$0x762];
	s0 =	sadd.s32 $0x1C00, s13;
	s3 =	sadd.s32 s3, s2  }
0x1f2: {  	[tilespmem:s29], [sflag:$0x1] =	stream.linear.gather [spmem:s0], $0x80, $0x38;
	[tilespmem:$0xA080] =	vst v63  }
0x1f3: {  	s23 =	sld [smem:$0x76A];
	s31 =	sadd.s32 s1, s3  }
0x1f4: {  	[tilespmem:s30], [sflag:$0x1] =	stream.linear.gather [spmem:s31], $0x80, $0x38;
	[tilespmem:$0xA080] =	vst v63  }
0x1f5: {  	s11 =	sld [smem:$0x765];
	s3 =	sadd.s32 $0x400, s31  }
0x1f6: {  	[tilespmem:s4], [sflag:$0x1] =	stream.linear.gather [spmem:s3], $0x80, $0x38;
	[tilespmem:$0xA080] =	vst v63  }
0x1f7: {  	s13 =	sld [smem:$0x766];
	s6 =	sadd.s32 $0x800, s31  }
0x1f8: {  	[tilespmem:s5], [sflag:$0x1] =	stream.linear.gather [spmem:s6], $0x80, $0x38;
	[tilespmem:$0xA080] =	vst v63  }
0x1f9: {  	s16 =	sld [smem:$0x767];
	s12 =	sadd.s32 $0xC00, s31  }
0x1fa: {  	(v2sf) =	vpush v0, $0x0;
	[tilespmem:s11], [sflag:$0x1] =	stream.linear.gather [spmem:s12], $0x80, $0x38;
	[tilespmem:$0xA080] =	vst v63  }
0x1fb: {  	s15 =	sadd.s32 $0x1000, s31;
	s17 =	spop (v2sf);
	s18 =	sadd.s32 $0x1400, s31  }
0x1fc: {  	(v2sf) =	vpush v1, $0xF;
	[tilespmem:s13], [sflag:$0x1] =	stream.linear.gather [spmem:s15], $0x80, $0x38;
	[tilespmem:$0xA080] =	vst v63  }
0x1fd: {  	s19 =	sld [smem:$0x768];
	s1 =	sshll.u32 s17, $0x7;
	s20 =	sshll.u32 s17, $0xA  }
0x1fe: {  	[tilespmem:s16], [sflag:$0x1] =	stream.linear.gather [spmem:s18], $0x80, $0x38;
	[tilespmem:$0xA080] =	vst v63  }
0x1ff: {  	s21 =	sadd.s32 $0x1800, s31;
	s22 =	sld [smem:$0x769];
	s3 =	sand.u32 $0xFFFFE000, s20  }
0x200: {  	[tilespmem:s19], [sflag:$0x1] =	stream.linear.gather [spmem:s21], $0x80, $0x38;
	[tilespmem:$0xA080] =	vst v63  }
0x201: {  	s1 =	sand.u32 $0x380, s1;
	s0 =	sadd.s32 $0x1C00, s31;
	s3 =	sadd.s32 s3, s2  }
0x202: {  	[tilespmem:s22], [sflag:$0x1] =	stream.linear.gather [spmem:s0], $0x80, $0x38;
	[tilespmem:$0xA080] =	vst v63  }
0x203: {  	s25 =	sld [smem:$0x76B];
	s24 =	sadd.s32 s1, s3  }
0x204: {  	[tilespmem:s23], [sflag:$0x1] =	stream.linear.gather [spmem:s24], $0x80, $0x38;
	[tilespmem:$0xA080] =	vst v63  }
0x205: {  	s26 =	sld [smem:$0x76C];
	s3 =	sadd.s32 $0x400, s24  }
0x206: {  	[tilespmem:s25], [sflag:$0x1] =	stream.linear.gather [spmem:s3], $0x80, $0x38;
	[tilespmem:$0xA080] =	vst v63  }
0x207: {  	s29 =	sld [smem:$0x76D];
	s28 =	sadd.s32 $0x800, s24  }
0x208: {  	[tilespmem:s26], [sflag:$0x1] =	stream.linear.gather [spmem:s28], $0x80, $0x38;
	[tilespmem:$0xA080] =	vst v63  }
0x209: {  	s31 =	sld [smem:$0x76E];
	s1 =	spop (v2sf);
	s30 =	sadd.s32 $0xC00, s24  }
0x20a: {  	[tilespmem:s29], [sflag:$0x1] =	stream.linear.gather [spmem:s30], $0x80, $0x38;
	[tilespmem:$0xA080] =	vst v63  }
0x20b: {  	s6 =	sld [smem:$0x76F];
	s5 =	sadd.s32 $0x1000, s24;
	s16 =	spop (v2sf)  }
0x20c: {  	[tilespmem:s31], [sflag:$0x1] =	stream.linear.gather [spmem:s5], $0x80, $0x38;
	[tilespmem:$0xA080] =	vst v63  }
0x20d: {  	s11 =	sadd.s32 $0x1400, s24;
	s12 =	sld [smem:$0x770];
	s17 =	sshll.u32 s16, $0xA  }
0x20e: {  	[tilespmem:s6], [sflag:$0x1] =	stream.linear.gather [spmem:s11], $0x80, $0x38;
	[tilespmem:$0xA080] =	vst v63  }
0x20f: {  	s13 =	sadd.s32 $0x1800, s24;
	s15 =	sld [smem:$0x771];
	s18 =	sand.u32 $0xFFFFE000, s17  }
0x210: {  	[tilespmem:s12], [sflag:$0x1] =	stream.linear.gather [spmem:s13], $0x80, $0x38;
	[tilespmem:$0xA080] =	vst v63  }
0x211: {  	s19 =	sld [smem:$0x772];
	s0 =	sadd.s32 $0x1C00, s24;
	s3 =	sshll.u32 s16, $0x7  }
0x212: {  	[tilespmem:s15], [sflag:$0x1] =	stream.linear.gather [spmem:s0], $0x80, $0x38;
	[tilespmem:$0xA080] =	vst v63  }
0x213: {  	s20 =	sld [smem:$0x773];
	s3 =	sand.u32 $0x380, s3;
	s0 =	sadd.s32 s18, s2  }
0x214: {  	s22 =	sld [smem:$0x774];
	s0 =	sadd.s32 s3, s0  }
0x215: {  	[tilespmem:s19], [sflag:$0x1] =	stream.linear.gather [spmem:s0], $0x80, $0x38;
	[tilespmem:$0xA080] =	vst v63  }
0x216: {  	s24 =	sld [smem:$0x775];
	s21 =	sadd.s32 $0x400, s0  }
0x217: {  	[tilespmem:s20], [sflag:$0x1] =	stream.linear.gather [spmem:s21], $0x80, $0x38;
	[tilespmem:$0xA080] =	vst v63  }
0x218: {  	s26 =	sld [smem:$0x776];
	s23 =	sadd.s32 $0x800, s0  }
0x219: {  	[tilespmem:s22], [sflag:$0x1] =	stream.linear.gather [spmem:s23], $0x80, $0x38;
	[tilespmem:$0xA080] =	vst v63  }
0x21a: {  	s29 =	sld [smem:$0x777];
	s25 =	sadd.s32 $0xC00, s0  }
0x21b: {  	[tilespmem:s24], [sflag:$0x1] =	stream.linear.gather [spmem:s25], $0x80, $0x38;
	[tilespmem:$0xA080] =	vst v63  }
0x21c: {  	s31 =	sld [smem:$0x778];
	s28 =	sadd.s32 $0x1000, s0  }
0x21d: {  	[tilespmem:s26], [sflag:$0x1] =	stream.linear.gather [spmem:s28], $0x80, $0x38;
	[tilespmem:$0xA080] =	vst v63  }
0x21e: {  	s11 =	sld [smem:$0x779];
	s30 =	sadd.s32 $0x1400, s0  }
0x21f: {  	[tilespmem:s29], [sflag:$0x1] =	stream.linear.gather [spmem:s30], $0x80, $0x38;
	[tilespmem:$0xA080] =	vst v63  }
0x220: {  	(v2sf) =	vpush v0, $0x1;
	s12 =	sshll.u32 s1, $0xA;
	s1 =	sshll.u32 s1, $0x7;
	s6 =	sadd.s32 $0x1800, s0  }
0x221: {  	[tilespmem:s31], [sflag:$0x1] =	stream.linear.gather [spmem:s6], $0x80, $0x38;
	[tilespmem:$0xA080] =	vst v63  }
0x222: {  	s13 =	sand.u32 $0xFFFFE000, s12;
	s15 =	sld [smem:$0x77A];
	s0 =	sadd.s32 $0x1C00, s0  }
0x223: {  	[tilespmem:s11], [sflag:$0x1] =	stream.linear.gather [spmem:s0], $0x80, $0x38;
	[tilespmem:$0xA080] =	vst v63  }
0x224: {  	s16 =	sld [smem:$0x77B];
	s1 =	sand.u32 $0x380, s1;
	s0 =	sadd.s32 s13, s2  }
0x225: {  	s5 =	sld [smem:$0x782];
	s0 =	sadd.s32 s1, s0  }
0x226: {  	[tilespmem:s15], [sflag:$0x1] =	stream.linear.gather [spmem:s0], $0x80, $0x38;
	[tilespmem:$0xA080] =	vst v63  }
0x227: {  	s18 =	sld [smem:$0x77C];
	s17 =	sadd.s32 $0x400, s0  }
0x228: {  	[tilespmem:s16], [sflag:$0x1] =	stream.linear.gather [spmem:s17], $0x80, $0x38;
	[tilespmem:$0xA080] =	vst v63  }
0x229: {  	s20 =	sld [smem:$0x77D];
	s19 =	sadd.s32 $0x800, s0  }
0x22a: {  	[tilespmem:s18], [sflag:$0x1] =	stream.linear.gather [spmem:s19], $0x80, $0x38;
	[tilespmem:$0xA080] =	vst v63  }
0x22b: {  	s22 =	sld [smem:$0x77E];
	s21 =	sadd.s32 $0xC00, s0  }
0x22c: {  	[tilespmem:s20], [sflag:$0x1] =	stream.linear.gather [spmem:s21], $0x80, $0x38;
	[tilespmem:$0xA080] =	vst v63  }
0x22d: {  	s24 =	sld [smem:$0x77F];
	s23 =	sadd.s32 $0x1000, s0  }
0x22e: {  	[tilespmem:s22], [sflag:$0x1] =	stream.linear.gather [spmem:s23], $0x80, $0x38;
	[tilespmem:$0xA080] =	vst v63  }
0x22f: {  	s26 =	sld [smem:$0x780];
	s30 =	spop (v2sf);
	(v2sf) =	vpush v0, $0x2;
	s25 =	sadd.s32 $0x1400, s0  }
0x230: {  	[tilespmem:s24], [sflag:$0x1] =	stream.linear.gather [spmem:s25], $0x80, $0x38;
	[tilespmem:$0xA080] =	vst v63  }
0x231: {  	s29 =	sld [smem:$0x781];
	s31 =	sshll.u32 s30, $0xA;
	s28 =	sadd.s32 $0x1800, s0  }
0x232: {  	[tilespmem:s26], [sflag:$0x1] =	stream.linear.gather [spmem:s28], $0x80, $0x38;
	[tilespmem:$0xA080] =	vst v63  }
0x233: {  	s4 =	sand.u32 $0xFFFFE000, s31;
	s1 =	sshll.u32 s30, $0x7;
	s0 =	sadd.s32 $0x1C00, s0  }
0x234: {  	[tilespmem:s29], [sflag:$0x1] =	stream.linear.gather [spmem:s0], $0x80, $0x38;
	[tilespmem:$0xA080] =	vst v63  }
0x235: {  	s1 =	sand.u32 $0x380, s1;
	s0 =	sadd.s32 s4, s2  }
0x236: {  	s6 =	sld [smem:$0x783];
	s0 =	sadd.s32 s1, s0  }
0x237: {  	[tilespmem:s5], [sflag:$0x1] =	stream.linear.gather [spmem:s0], $0x80, $0x38;
	[tilespmem:$0xA080] =	vst v63  }
0x238: {  	s12 =	sld [smem:$0x784];
	s11 =	sadd.s32 $0x400, s0  }
0x239: {  	[tilespmem:s6], [sflag:$0x1] =	stream.linear.gather [spmem:s11], $0x80, $0x38;
	[tilespmem:$0xA080] =	vst v63  }
0x23a: {  	s15 =	sld [smem:$0x785];
	s13 =	sadd.s32 $0x800, s0  }
0x23b: {  	[tilespmem:s12], [sflag:$0x1] =	stream.linear.gather [spmem:s13], $0x80, $0x38;
	[tilespmem:$0xA080] =	vst v63  }
0x23c: {  	s17 =	sld [smem:$0x786];
	s16 =	sadd.s32 $0xC00, s0  }
0x23d: {  	[tilespmem:s15], [sflag:$0x1] =	stream.linear.gather [spmem:s16], $0x80, $0x38;
	[tilespmem:$0xA080] =	vst v63  }
0x23e: {  	s19 =	sld [smem:$0x787];
	s24 =	spop (v2sf);
	s18 =	sadd.s32 $0x1000, s0  }
0x23f: {  	[tilespmem:s17], [sflag:$0x1] =	stream.linear.gather [spmem:s18], $0x80, $0x38;
	[tilespmem:$0xA080] =	vst v63  }
0x240: {  	s21 =	sld [smem:$0x788];
	(v2sf) =	vpush v0, $0x3;
	s25 =	sshll.u32 s24, $0xA;
	s20 =	sadd.s32 $0x1400, s0  }
0x241: {  	[tilespmem:s19], [sflag:$0x1] =	stream.linear.gather [spmem:s20], $0x80, $0x38;
	[tilespmem:$0xA080] =	vst v63  }
0x242: {  	s23 =	sld [smem:$0x789];
	s26 =	sand.u32 $0xFFFFE000, s25;
	s22 =	sadd.s32 $0x1800, s0  }
0x243: {  	[tilespmem:s21], [sflag:$0x1] =	stream.linear.gather [spmem:s22], $0x80, $0x38;
	[tilespmem:$0xA080] =	vst v63  }
0x244: {  	s28 =	sld [smem:$0x78A];
	s1 =	sshll.u32 s24, $0x7;
	s0 =	sadd.s32 $0x1C00, s0  }
0x245: {  	[tilespmem:s23], [sflag:$0x1] =	stream.linear.gather [spmem:s0], $0x80, $0x38;
	[tilespmem:$0xA080] =	vst v63  }
0x246: {  	s1 =	sand.u32 $0x380, s1;
	s0 =	sadd.s32 s26, s2  }
0x247: {  	s29 =	sld [smem:$0x78B];
	s0 =	sadd.s32 s1, s0  }
0x248: {  	[tilespmem:s28], [sflag:$0x1] =	stream.linear.gather [spmem:s0], $0x80, $0x38;
	[tilespmem:$0xA080] =	vst v63  }
0x249: {  	s31 =	sld [smem:$0x78C];
	s30 =	sadd.s32 $0x400, s0  }
0x24a: {  	[tilespmem:s29], [sflag:$0x1] =	stream.linear.gather [spmem:s30], $0x80, $0x38;
	[tilespmem:$0xA080] =	vst v63  }
0x24b: {  	s6 =	sld [smem:$0x78D];
	s5 =	sadd.s32 $0x800, s0  }
0x24c: {  	[tilespmem:s31], [sflag:$0x1] =	stream.linear.gather [spmem:s5], $0x80, $0x38;
	[tilespmem:$0xA080] =	vst v63  }
0x24d: {  	s12 =	sld [smem:$0x78E];
	s11 =	sadd.s32 $0xC00, s0  }
0x24e: {  	[tilespmem:s6], [sflag:$0x1] =	stream.linear.gather [spmem:s11], $0x80, $0x38;
	[tilespmem:$0xA080] =	vst v63  }
0x24f: {  	s15 =	sld [smem:$0x78F];
	s20 =	spop (v2sf);
	s13 =	sadd.s32 $0x1000, s0  }
0x250: {  	[tilespmem:s12], [sflag:$0x1] =	stream.linear.gather [spmem:s13], $0x80, $0x38;
	[tilespmem:$0xA080] =	vst v63  }
0x251: {  	s17 =	sld [smem:$0x790];
	(v2sf) =	vpush v0, $0x4;
	s21 =	sshll.u32 s20, $0xA;
	s16 =	sadd.s32 $0x1400, s0  }
0x252: {  	[tilespmem:s15], [sflag:$0x1] =	stream.linear.gather [spmem:s16], $0x80, $0x38;
	[tilespmem:$0xA080] =	vst v63  }
0x253: {  	s19 =	sld [smem:$0x791];
	s22 =	sand.u32 $0xFFFFE000, s21;
	s18 =	sadd.s32 $0x1800, s0  }
0x254: {  	[tilespmem:s17], [sflag:$0x1] =	stream.linear.gather [spmem:s18], $0x80, $0x38;
	[tilespmem:$0xA080] =	vst v63  }
0x255: {  	s23 =	sld [smem:$0x792];
	s1 =	sshll.u32 s20, $0x7;
	s0 =	sadd.s32 $0x1C00, s0  }
0x256: {  	[tilespmem:s19], [sflag:$0x1] =	stream.linear.gather [spmem:s0], $0x80, $0x38;
	[tilespmem:$0xA080] =	vst v63  }
0x257: {  	s1 =	sand.u32 $0x380, s1;
	s0 =	sadd.s32 s22, s2  }
0x258: {  	s24 =	sld [smem:$0x793];
	s0 =	sadd.s32 s1, s0  }
0x259: {  	[tilespmem:s23], [sflag:$0x1] =	stream.linear.gather [spmem:s0], $0x80, $0x38;
	[tilespmem:$0xA080] =	vst v63  }
0x25a: {  	s26 =	sld [smem:$0x794];
	s25 =	sadd.s32 $0x400, s0  }
0x25b: {  	[tilespmem:s24], [sflag:$0x1] =	stream.linear.gather [spmem:s25], $0x80, $0x38;
	[tilespmem:$0xA080] =	vst v63  }
0x25c: {  	s29 =	sld [smem:$0x795];
	s28 =	sadd.s32 $0x800, s0  }
0x25d: {  	[tilespmem:s26], [sflag:$0x1] =	stream.linear.gather [spmem:s28], $0x80, $0x38;
	[tilespmem:$0xA080] =	vst v63  }
0x25e: {  	s31 =	sld [smem:$0x796];
	s30 =	sadd.s32 $0xC00, s0  }
0x25f: {  	[tilespmem:s29], [sflag:$0x1] =	stream.linear.gather [spmem:s30], $0x80, $0x38;
	[tilespmem:$0xA080] =	vst v63  }
0x260: {  	s6 =	sld [smem:$0x797];
	s16 =	spop (v2sf);
	s5 =	sadd.s32 $0x1000, s0  }
0x261: {  	[tilespmem:s31], [sflag:$0x1] =	stream.linear.gather [spmem:s5], $0x80, $0x38;
	[tilespmem:$0xA080] =	vst v63  }
0x262: {  	s12 =	sld [smem:$0x798];
	(v2sf) =	vpush v0, $0x5;
	s17 =	sshll.u32 s16, $0xA;
	s11 =	sadd.s32 $0x1400, s0  }
0x263: {  	[tilespmem:s6], [sflag:$0x1] =	stream.linear.gather [spmem:s11], $0x80, $0x38;
	[tilespmem:$0xA080] =	vst v63  }
0x264: {  	s15 =	sld [smem:$0x799];
	s18 =	sand.u32 $0xFFFFE000, s17;
	s13 =	sadd.s32 $0x1800, s0  }
0x265: {  	[tilespmem:s12], [sflag:$0x1] =	stream.linear.gather [spmem:s13], $0x80, $0x38;
	[tilespmem:$0xA080] =	vst v63  }
0x266: {  	s19 =	sld [smem:$0x79A];
	s1 =	sshll.u32 s16, $0x7;
	s0 =	sadd.s32 $0x1C00, s0  }
0x267: {  	[tilespmem:s15], [sflag:$0x1] =	stream.linear.gather [spmem:s0], $0x80, $0x38;
	[tilespmem:$0xA080] =	vst v63  }
0x268: {  	s1 =	sand.u32 $0x380, s1;
	s0 =	sadd.s32 s18, s2  }
0x269: {  	s20 =	sld [smem:$0x79B];
	s0 =	sadd.s32 s1, s0  }
0x26a: {  	[tilespmem:s19], [sflag:$0x1] =	stream.linear.gather [spmem:s0], $0x80, $0x38;
	[tilespmem:$0xA080] =	vst v63  }
0x26b: {  	s22 =	sld [smem:$0x79C];
	s21 =	sadd.s32 $0x400, s0  }
0x26c: {  	[tilespmem:s20], [sflag:$0x1] =	stream.linear.gather [spmem:s21], $0x80, $0x38;
	[tilespmem:$0xA080] =	vst v63  }
0x26d: {  	s24 =	sld [smem:$0x79D];
	s23 =	sadd.s32 $0x800, s0  }
0x26e: {  	[tilespmem:s22], [sflag:$0x1] =	stream.linear.gather [spmem:s23], $0x80, $0x38;
	[tilespmem:$0xA080] =	vst v63  }
0x26f: {  	s26 =	sld [smem:$0x79E];
	s25 =	sadd.s32 $0xC00, s0  }
0x270: {  	[tilespmem:s24], [sflag:$0x1] =	stream.linear.gather [spmem:s25], $0x80, $0x38;
	[tilespmem:$0xA080] =	vst v63  }
0x271: {  	s29 =	sld [smem:$0x79F];
	s11 =	spop (v2sf);
	s28 =	sadd.s32 $0x1000, s0  }
0x272: {  	[tilespmem:s26], [sflag:$0x1] =	stream.linear.gather [spmem:s28], $0x80, $0x38;
	[tilespmem:$0xA080] =	vst v63  }
0x273: {  	s31 =	sld [smem:$0x7A0];
	s12 =	sshll.u32 s11, $0xA;
	s30 =	sadd.s32 $0x1400, s0  }
0x274: {  	[tilespmem:s29], [sflag:$0x1] =	stream.linear.gather [spmem:s30], $0x80, $0x38;
	[tilespmem:$0xA080] =	vst v63  }
0x275: {  	s6 =	sld [smem:$0x7A1];
	(v2sf) =	vpush v0, $0x6;
	s13 =	sand.u32 $0xFFFFE000, s12;
	s5 =	sadd.s32 $0x1800, s0  }
0x276: {  	[tilespmem:s31], [sflag:$0x1] =	stream.linear.gather [spmem:s5], $0x80, $0x38;
	[tilespmem:$0xA080] =	vst v63  }
0x277: {  	s15 =	sld [smem:$0x7A2];
	s1 =	sshll.u32 s11, $0x7;
	s0 =	sadd.s32 $0x1C00, s0  }
0x278: {  	[tilespmem:s6], [sflag:$0x1] =	stream.linear.gather [spmem:s0], $0x80, $0x38;
	[tilespmem:$0xA080] =	vst v63  }
0x279: {  	s16 =	sld [smem:$0x7A3];
	s1 =	sand.u32 $0x380, s1;
	s0 =	sadd.s32 s13, s2  }
0x27a: {  	s18 =	sld [smem:$0x7A4];
	s0 =	sadd.s32 s1, s0  }
0x27b: {  	[tilespmem:s15], [sflag:$0x1] =	stream.linear.gather [spmem:s0], $0x80, $0x38;
	[tilespmem:$0xA080] =	vst v63  }
0x27c: {  	s20 =	sld [smem:$0x7A5];
	s17 =	sadd.s32 $0x400, s0  }
0x27d: {  	[tilespmem:s16], [sflag:$0x1] =	stream.linear.gather [spmem:s17], $0x80, $0x38;
	[tilespmem:$0xA080] =	vst v63  }
0x27e: {  	s22 =	sld [smem:$0x7A6];
	s19 =	sadd.s32 $0x800, s0  }
0x27f: {  	[tilespmem:s18], [sflag:$0x1] =	stream.linear.gather [spmem:s19], $0x80, $0x38;
	[tilespmem:$0xA080] =	vst v63  }
0x280: {  	s24 =	sld [smem:$0x7A7];
	s21 =	sadd.s32 $0xC00, s0  }
0x281: {  	[tilespmem:s20], [sflag:$0x1] =	stream.linear.gather [spmem:s21], $0x80, $0x38;
	[tilespmem:$0xA080] =	vst v63  }
0x282: {  	s26 =	sld [smem:$0x7A8];
	s23 =	sadd.s32 $0x1000, s0  }
0x283: {  	[tilespmem:s22], [sflag:$0x1] =	stream.linear.gather [spmem:s23], $0x80, $0x38;
	[tilespmem:$0xA080] =	vst v63  }
0x284: {  	s29 =	sld [smem:$0x7A9];
	s30 =	spop (v2sf);
	(v2sf) =	vpush v0, $0x7;
	s25 =	sadd.s32 $0x1400, s0  }
0x285: {  	[tilespmem:s24], [sflag:$0x1] =	stream.linear.gather [spmem:s25], $0x80, $0x38;
	[tilespmem:$0xA080] =	vst v63  }
0x286: {  	s31 =	sshll.u32 s30, $0xA;
	s5 =	sld [smem:$0x7AA];
	s28 =	sadd.s32 $0x1800, s0  }
0x287: {  	[tilespmem:s26], [sflag:$0x1] =	stream.linear.gather [spmem:s28], $0x80, $0x38;
	[tilespmem:$0xA080] =	vst v63  }
0x288: {  	s4 =	sand.u32 $0xFFFFE000, s31;
	s1 =	sshll.u32 s30, $0x7;
	s0 =	sadd.s32 $0x1C00, s0  }
0x289: {  	[tilespmem:s29], [sflag:$0x1] =	stream.linear.gather [spmem:s0], $0x80, $0x38;
	[tilespmem:$0xA080] =	vst v63  }
0x28a: {  	s1 =	sand.u32 $0x380, s1;
	s0 =	sadd.s32 s4, s2  }
0x28b: {  	s6 =	sld [smem:$0x7AB];
	s0 =	sadd.s32 s1, s0  }
0x28c: {  	[tilespmem:s5], [sflag:$0x1] =	stream.linear.gather [spmem:s0], $0x80, $0x38;
	[tilespmem:$0xA080] =	vst v63  }
0x28d: {  	s12 =	sld [smem:$0x7AC];
	s11 =	sadd.s32 $0x400, s0  }
0x28e: {  	[tilespmem:s6], [sflag:$0x1] =	stream.linear.gather [spmem:s11], $0x80, $0x38;
	[tilespmem:$0xA080] =	vst v63  }
0x28f: {  	s15 =	sld [smem:$0x7AD];
	s13 =	sadd.s32 $0x800, s0  }
0x290: {  	[tilespmem:s12], [sflag:$0x1] =	stream.linear.gather [spmem:s13], $0x80, $0x38;
	[tilespmem:$0xA080] =	vst v63  }
0x291: {  	s17 =	sld [smem:$0x7AE];
	s16 =	sadd.s32 $0xC00, s0  }
0x292: {  	[tilespmem:s15], [sflag:$0x1] =	stream.linear.gather [spmem:s16], $0x80, $0x38;
	[tilespmem:$0xA080] =	vst v63  }
0x293: {  	s19 =	sld [smem:$0x7AF];
	s24 =	spop (v2sf);
	s18 =	sadd.s32 $0x1000, s0  }
0x294: {  	[tilespmem:s17], [sflag:$0x1] =	stream.linear.gather [spmem:s18], $0x80, $0x38;
	[tilespmem:$0xA080] =	vst v63  }
0x295: {  	s21 =	sld [smem:$0x7B0];
	(v2sf) =	vpush v0, $0x8;
	s25 =	sshll.u32 s24, $0xA;
	s20 =	sadd.s32 $0x1400, s0  }
0x296: {  	[tilespmem:s19], [sflag:$0x1] =	stream.linear.gather [spmem:s20], $0x80, $0x38;
	[tilespmem:$0xA080] =	vst v63  }
0x297: {  	s23 =	sld [smem:$0x7B1];
	s26 =	sand.u32 $0xFFFFE000, s25;
	s22 =	sadd.s32 $0x1800, s0  }
0x298: {  	[tilespmem:s21], [sflag:$0x1] =	stream.linear.gather [spmem:s22], $0x80, $0x38;
	[tilespmem:$0xA080] =	vst v63  }
0x299: {  	s28 =	sld [smem:$0x7B2];
	s1 =	sshll.u32 s24, $0x7;
	s0 =	sadd.s32 $0x1C00, s0  }
0x29a: {  	[tilespmem:s23], [sflag:$0x1] =	stream.linear.gather [spmem:s0], $0x80, $0x38;
	[tilespmem:$0xA080] =	vst v63  }
0x29b: {  	s1 =	sand.u32 $0x380, s1;
	s0 =	sadd.s32 s26, s2  }
0x29c: {  	s29 =	sld [smem:$0x7B3];
	s0 =	sadd.s32 s1, s0  }
0x29d: {  	[tilespmem:s28], [sflag:$0x1] =	stream.linear.gather [spmem:s0], $0x80, $0x38;
	[tilespmem:$0xA080] =	vst v63  }
0x29e: {  	s31 =	sld [smem:$0x7B4];
	s30 =	sadd.s32 $0x400, s0  }
0x29f: {  	[tilespmem:s29], [sflag:$0x1] =	stream.linear.gather [spmem:s30], $0x80, $0x38;
	[tilespmem:$0xA080] =	vst v63  }
0x2a0: {  	s6 =	sld [smem:$0x7B5];
	s5 =	sadd.s32 $0x800, s0  }
0x2a1: {  	[tilespmem:s31], [sflag:$0x1] =	stream.linear.gather [spmem:s5], $0x80, $0x38;
	[tilespmem:$0xA080] =	vst v63  }
0x2a2: {  	s12 =	sld [smem:$0x7B6];
	s11 =	sadd.s32 $0xC00, s0  }
0x2a3: {  	[tilespmem:s6], [sflag:$0x1] =	stream.linear.gather [spmem:s11], $0x80, $0x38;
	[tilespmem:$0xA080] =	vst v63  }
0x2a4: {  	s15 =	sld [smem:$0x7B7];
	s20 =	spop (v2sf);
	s13 =	sadd.s32 $0x1000, s0  }
0x2a5: {  	[tilespmem:s12], [sflag:$0x1] =	stream.linear.gather [spmem:s13], $0x80, $0x38;
	[tilespmem:$0xA080] =	vst v63  }
0x2a6: {  	s17 =	sld [smem:$0x7B8];
	(v2sf) =	vpush v0, $0x9;
	s21 =	sshll.u32 s20, $0xA;
	s16 =	sadd.s32 $0x1400, s0  }
0x2a7: {  	[tilespmem:s15], [sflag:$0x1] =	stream.linear.gather [spmem:s16], $0x80, $0x38;
	[tilespmem:$0xA080] =	vst v63  }
0x2a8: {  	s19 =	sld [smem:$0x7B9];
	s22 =	sand.u32 $0xFFFFE000, s21;
	s18 =	sadd.s32 $0x1800, s0  }
0x2a9: {  	[tilespmem:s17], [sflag:$0x1] =	stream.linear.gather [spmem:s18], $0x80, $0x38;
	[tilespmem:$0xA080] =	vst v63  }
0x2aa: {  	s23 =	sld [smem:$0x7BA];
	s1 =	sshll.u32 s20, $0x7;
	s0 =	sadd.s32 $0x1C00, s0  }
0x2ab: {  	[tilespmem:s19], [sflag:$0x1] =	stream.linear.gather [spmem:s0], $0x80, $0x38;
	[tilespmem:$0xA080] =	vst v63  }
0x2ac: {  	s1 =	sand.u32 $0x380, s1;
	s0 =	sadd.s32 s22, s2  }
0x2ad: {  	s24 =	sld [smem:$0x7BB];
	s0 =	sadd.s32 s1, s0  }
0x2ae: {  	[tilespmem:s23], [sflag:$0x1] =	stream.linear.gather [spmem:s0], $0x80, $0x38;
	[tilespmem:$0xA080] =	vst v63  }
0x2af: {  	s26 =	sld [smem:$0x7BC];
	s25 =	sadd.s32 $0x400, s0  }
0x2b0: {  	[tilespmem:s24], [sflag:$0x1] =	stream.linear.gather [spmem:s25], $0x80, $0x38;
	[tilespmem:$0xA080] =	vst v63  }
0x2b1: {  	s29 =	sld [smem:$0x7BD];
	s28 =	sadd.s32 $0x800, s0  }
0x2b2: {  	[tilespmem:s26], [sflag:$0x1] =	stream.linear.gather [spmem:s28], $0x80, $0x38;
	[tilespmem:$0xA080] =	vst v63  }
0x2b3: {  	s31 =	sld [smem:$0x7BE];
	s30 =	sadd.s32 $0xC00, s0  }
0x2b4: {  	[tilespmem:s29], [sflag:$0x1] =	stream.linear.gather [spmem:s30], $0x80, $0x38;
	[tilespmem:$0xA080] =	vst v63  }
0x2b5: {  	s6 =	sld [smem:$0x7BF];
	s16 =	spop (v2sf);
	s5 =	sadd.s32 $0x1000, s0  }
0x2b6: {  	[tilespmem:s31], [sflag:$0x1] =	stream.linear.gather [spmem:s5], $0x80, $0x38;
	[tilespmem:$0xA080] =	vst v63  }
0x2b7: {  	s12 =	sld [smem:$0x7C0];
	(v2sf) =	vpush v0, $0xA;
	s17 =	sshll.u32 s16, $0xA;
	s11 =	sadd.s32 $0x1400, s0  }
0x2b8: {  	[tilespmem:s6], [sflag:$0x1] =	stream.linear.gather [spmem:s11], $0x80, $0x38;
	[tilespmem:$0xA080] =	vst v63  }
0x2b9: {  	s15 =	sld [smem:$0x7C1];
	s18 =	sand.u32 $0xFFFFE000, s17;
	s13 =	sadd.s32 $0x1800, s0  }
0x2ba: {  	[tilespmem:s12], [sflag:$0x1] =	stream.linear.gather [spmem:s13], $0x80, $0x38;
	[tilespmem:$0xA080] =	vst v63  }
0x2bb: {  	s19 =	sld [smem:$0x7C2];
	s1 =	sshll.u32 s16, $0x7;
	s0 =	sadd.s32 $0x1C00, s0  }
0x2bc: {  	[tilespmem:s15], [sflag:$0x1] =	stream.linear.gather [spmem:s0], $0x80, $0x38;
	[tilespmem:$0xA080] =	vst v63  }
0x2bd: {  	s1 =	sand.u32 $0x380, s1;
	s0 =	sadd.s32 s18, s2  }
0x2be: {  	s20 =	sld [smem:$0x7C3];
	s0 =	sadd.s32 s1, s0  }
0x2bf: {  	[tilespmem:s19], [sflag:$0x1] =	stream.linear.gather [spmem:s0], $0x80, $0x38;
	[tilespmem:$0xA080] =	vst v63  }
0x2c0: {  	s22 =	sld [smem:$0x7C4];
	s21 =	sadd.s32 $0x400, s0  }
0x2c1: {  	[tilespmem:s20], [sflag:$0x1] =	stream.linear.gather [spmem:s21], $0x80, $0x38;
	[tilespmem:$0xA080] =	vst v63  }
0x2c2: {  	s24 =	sld [smem:$0x7C5];
	s23 =	sadd.s32 $0x800, s0  }
0x2c3: {  	[tilespmem:s22], [sflag:$0x1] =	stream.linear.gather [spmem:s23], $0x80, $0x38;
	[tilespmem:$0xA080] =	vst v63  }
0x2c4: {  	s26 =	sld [smem:$0x7C6];
	s25 =	sadd.s32 $0xC00, s0  }
0x2c5: {  	[tilespmem:s24], [sflag:$0x1] =	stream.linear.gather [spmem:s25], $0x80, $0x38;
	[tilespmem:$0xA080] =	vst v63  }
0x2c6: {  	s29 =	sld [smem:$0x7C7];
	s11 =	spop (v2sf);
	s28 =	sadd.s32 $0x1000, s0  }
0x2c7: {  	[tilespmem:s26], [sflag:$0x1] =	stream.linear.gather [spmem:s28], $0x80, $0x38;
	[tilespmem:$0xA080] =	vst v63  }
0x2c8: {  	s31 =	sld [smem:$0x7C8];
	s12 =	sshll.u32 s11, $0xA;
	s30 =	sadd.s32 $0x1400, s0  }
0x2c9: {  	[tilespmem:s29], [sflag:$0x1] =	stream.linear.gather [spmem:s30], $0x80, $0x38;
	[tilespmem:$0xA080] =	vst v63  }
0x2ca: {  	s6 =	sld [smem:$0x7C9];
	(v2sf) =	vpush v0, $0xB;
	s13 =	sand.u32 $0xFFFFE000, s12;
	s5 =	sadd.s32 $0x1800, s0  }
0x2cb: {  	[tilespmem:s31], [sflag:$0x1] =	stream.linear.gather [spmem:s5], $0x80, $0x38;
	[tilespmem:$0xA080] =	vst v63  }
0x2cc: {  	s15 =	sld [smem:$0x7CA];
	s1 =	sshll.u32 s11, $0x7;
	s0 =	sadd.s32 $0x1C00, s0  }
0x2cd: {  	[tilespmem:s6], [sflag:$0x1] =	stream.linear.gather [spmem:s0], $0x80, $0x38;
	[tilespmem:$0xA080] =	vst v63  }
0x2ce: {  	s16 =	sld [smem:$0x7CB];
	s1 =	sand.u32 $0x380, s1;
	s0 =	sadd.s32 s13, s2  }
0x2cf: {  	s18 =	sld [smem:$0x7CC];
	s0 =	sadd.s32 s1, s0  }
0x2d0: {  	[tilespmem:s15], [sflag:$0x1] =	stream.linear.gather [spmem:s0], $0x80, $0x38;
	[tilespmem:$0xA080] =	vst v63  }
0x2d1: {  	s20 =	sld [smem:$0x7CD];
	s17 =	sadd.s32 $0x400, s0  }
0x2d2: {  	[tilespmem:s16], [sflag:$0x1] =	stream.linear.gather [spmem:s17], $0x80, $0x38;
	[tilespmem:$0xA080] =	vst v63  }
0x2d3: {  	s22 =	sld [smem:$0x7CE];
	s19 =	sadd.s32 $0x800, s0  }
0x2d4: {  	[tilespmem:s18], [sflag:$0x1] =	stream.linear.gather [spmem:s19], $0x80, $0x38;
	[tilespmem:$0xA080] =	vst v63  }
0x2d5: {  	s24 =	sld [smem:$0x7CF];
	s21 =	sadd.s32 $0xC00, s0  }
0x2d6: {  	[tilespmem:s20], [sflag:$0x1] =	stream.linear.gather [spmem:s21], $0x80, $0x38;
	[tilespmem:$0xA080] =	vst v63  }
0x2d7: {  	s26 =	sld [smem:$0x7D0];
	s23 =	sadd.s32 $0x1000, s0  }
0x2d8: {  	[tilespmem:s22], [sflag:$0x1] =	stream.linear.gather [spmem:s23], $0x80, $0x38;
	[tilespmem:$0xA080] =	vst v63  }
0x2d9: {  	s29 =	sld [smem:$0x7D1];
	s30 =	spop (v2sf);
	(v2sf) =	vpush v0, $0xC;
	s25 =	sadd.s32 $0x1400, s0  }
0x2da: {  	[tilespmem:s24], [sflag:$0x1] =	stream.linear.gather [spmem:s25], $0x80, $0x38;
	[tilespmem:$0xA080] =	vst v63  }
0x2db: {  	s31 =	sshll.u32 s30, $0xA;
	s5 =	sld [smem:$0x7D2];
	s28 =	sadd.s32 $0x1800, s0  }
0x2dc: {  	[tilespmem:s26], [sflag:$0x1] =	stream.linear.gather [spmem:s28], $0x80, $0x38;
	[tilespmem:$0xA080] =	vst v63  }
0x2dd: {  	s4 =	sand.u32 $0xFFFFE000, s31;
	s1 =	sshll.u32 s30, $0x7;
	s0 =	sadd.s32 $0x1C00, s0  }
0x2de: {  	[tilespmem:s29], [sflag:$0x1] =	stream.linear.gather [spmem:s0], $0x80, $0x38;
	[tilespmem:$0xA080] =	vst v63  }
0x2df: {  	s1 =	sand.u32 $0x380, s1;
	s0 =	sadd.s32 s4, s2  }
0x2e0: {  	s6 =	sld [smem:$0x7D3];
	s0 =	sadd.s32 s1, s0  }
0x2e1: {  	[tilespmem:s5], [sflag:$0x1] =	stream.linear.gather [spmem:s0], $0x80, $0x38;
	[tilespmem:$0xA080] =	vst v63  }
0x2e2: {  	s12 =	sld [smem:$0x7D4];
	s11 =	sadd.s32 $0x400, s0  }
0x2e3: {  	[tilespmem:s6], [sflag:$0x1] =	stream.linear.gather [spmem:s11], $0x80, $0x38;
	[tilespmem:$0xA080] =	vst v63  }
0x2e4: {  	s15 =	sld [smem:$0x7D5];
	s13 =	sadd.s32 $0x800, s0  }
0x2e5: {  	[tilespmem:s12], [sflag:$0x1] =	stream.linear.gather [spmem:s13], $0x80, $0x38;
	[tilespmem:$0xA080] =	vst v63  }
0x2e6: {  	s17 =	sld [smem:$0x7D6];
	s16 =	sadd.s32 $0xC00, s0  }
0x2e7: {  	[tilespmem:s15], [sflag:$0x1] =	stream.linear.gather [spmem:s16], $0x80, $0x38;
	[tilespmem:$0xA080] =	vst v63  }
0x2e8: {  	s19 =	sld [smem:$0x7D7];
	s24 =	spop (v2sf);
	s18 =	sadd.s32 $0x1000, s0  }
0x2e9: {  	[tilespmem:s17], [sflag:$0x1] =	stream.linear.gather [spmem:s18], $0x80, $0x38;
	[tilespmem:$0xA080] =	vst v63  }
0x2ea: {  	s21 =	sld [smem:$0x7D8];
	(v2sf) =	vpush v0, $0xD;
	s25 =	sshll.u32 s24, $0xA;
	s20 =	sadd.s32 $0x1400, s0  }
0x2eb: {  	[tilespmem:s19], [sflag:$0x1] =	stream.linear.gather [spmem:s20], $0x80, $0x38;
	[tilespmem:$0xA080] =	vst v63  }
0x2ec: {  	s23 =	sld [smem:$0x7D9];
	s26 =	sand.u32 $0xFFFFE000, s25;
	s22 =	sadd.s32 $0x1800, s0  }
0x2ed: {  	[tilespmem:s21], [sflag:$0x1] =	stream.linear.gather [spmem:s22], $0x80, $0x38;
	[tilespmem:$0xA080] =	vst v63  }
0x2ee: {  	s28 =	sld [smem:$0x7DA];
	s1 =	sshll.u32 s24, $0x7;
	s0 =	sadd.s32 $0x1C00, s0  }
0x2ef: {  	[tilespmem:s23], [sflag:$0x1] =	stream.linear.gather [spmem:s0], $0x80, $0x38;
	[tilespmem:$0xA080] =	vst v63  }
0x2f0: {  	s1 =	sand.u32 $0x380, s1;
	s0 =	sadd.s32 s26, s2  }
0x2f1: {  	s29 =	sld [smem:$0x7DB];
	s0 =	sadd.s32 s1, s0  }
0x2f2: {  	[tilespmem:s28], [sflag:$0x1] =	stream.linear.gather [spmem:s0], $0x80, $0x38;
	[tilespmem:$0xA080] =	vst v63  }
0x2f3: {  	s31 =	sld [smem:$0x7DC];
	s30 =	sadd.s32 $0x400, s0  }
0x2f4: {  	[tilespmem:s29], [sflag:$0x1] =	stream.linear.gather [spmem:s30], $0x80, $0x38;
	[tilespmem:$0xA080] =	vst v63  }
0x2f5: {  	s6 =	sld [smem:$0x7DD];
	s5 =	sadd.s32 $0x800, s0  }
0x2f6: {  	[tilespmem:s31], [sflag:$0x1] =	stream.linear.gather [spmem:s5], $0x80, $0x38;
	[tilespmem:$0xA080] =	vst v63  }
0x2f7: {  	s12 =	sld [smem:$0x7DE];
	s11 =	sadd.s32 $0xC00, s0  }
0x2f8: {  	[tilespmem:s6], [sflag:$0x1] =	stream.linear.gather [spmem:s11], $0x80, $0x38;
	[tilespmem:$0xA080] =	vst v63  }
0x2f9: {  	s15 =	sld [smem:$0x7DF];
	s20 =	spop (v2sf);
	s13 =	sadd.s32 $0x1000, s0  }
0x2fa: {  	[tilespmem:s12], [sflag:$0x1] =	stream.linear.gather [spmem:s13], $0x80, $0x38;
	[tilespmem:$0xA080] =	vst v63  }
0x2fb: {  	s17 =	sld [smem:$0x7E0];
	(v2sf) =	vpush v0, $0xE;
	s21 =	sshll.u32 s20, $0xA;
	s16 =	sadd.s32 $0x1400, s0  }
0x2fc: {  	[tilespmem:s15], [sflag:$0x1] =	stream.linear.gather [spmem:s16], $0x80, $0x38;
	[tilespmem:$0xA080] =	vst v63  }
0x2fd: {  	s19 =	sld [smem:$0x7E1];
	s22 =	sand.u32 $0xFFFFE000, s21;
	s18 =	sadd.s32 $0x1800, s0  }
0x2fe: {  	[tilespmem:s17], [sflag:$0x1] =	stream.linear.gather [spmem:s18], $0x80, $0x38;
	[tilespmem:$0xA080] =	vst v63  }
0x2ff: {  	s23 =	sld [smem:$0x7E2];
	s1 =	sshll.u32 s20, $0x7;
	s0 =	sadd.s32 $0x1C00, s0  }
0x300: {  	[tilespmem:s19], [sflag:$0x1] =	stream.linear.gather [spmem:s0], $0x80, $0x38;
	[tilespmem:$0xA080] =	vst v63  }
0x301: {  	s1 =	sand.u32 $0x380, s1;
	s0 =	sadd.s32 s22, s2  }
0x302: {  	s24 =	sld [smem:$0x7E3];
	s0 =	sadd.s32 s1, s0  }
0x303: {  	[tilespmem:s23], [sflag:$0x1] =	stream.linear.gather [spmem:s0], $0x80, $0x38;
	[tilespmem:$0xA080] =	vst v63  }
0x304: {  	s26 =	sld [smem:$0x7E4];
	s25 =	sadd.s32 $0x400, s0  }
0x305: {  	[tilespmem:s24], [sflag:$0x1] =	stream.linear.gather [spmem:s25], $0x80, $0x38;
	[tilespmem:$0xA080] =	vst v63  }
0x306: {  	s29 =	sld [smem:$0x7E5];
	s28 =	sadd.s32 $0x800, s0  }
0x307: {  	[tilespmem:s26], [sflag:$0x1] =	stream.linear.gather [spmem:s28], $0x80, $0x38;
	[tilespmem:$0xA080] =	vst v63  }
0x308: {  	s31 =	sld [smem:$0x7E6];
	s30 =	sadd.s32 $0xC00, s0  }
0x309: {  	[tilespmem:s29], [sflag:$0x1] =	stream.linear.gather [spmem:s30], $0x80, $0x38;
	[tilespmem:$0xA080] =	vst v63  }
0x30a: {  	s6 =	sld [smem:$0x7E7];
	s16 =	spop (v2sf);
	s5 =	sadd.s32 $0x1000, s0  }
0x30b: {  	[tilespmem:s31], [sflag:$0x1] =	stream.linear.gather [spmem:s5], $0x80, $0x38;
	[tilespmem:$0xA080] =	vst v63  }
0x30c: {  	s12 =	sld [smem:$0x7E8];
	(v2sf) =	vpush v0, $0xF;
	s17 =	sshll.u32 s16, $0xA;
	s11 =	sadd.s32 $0x1400, s0  }
0x30d: {  	[tilespmem:s6], [sflag:$0x1] =	stream.linear.gather [spmem:s11], $0x80, $0x38;
	[tilespmem:$0xA080] =	vst v63  }
0x30e: {  	s15 =	sld [smem:$0x7E9];
	s18 =	sand.u32 $0xFFFFE000, s17;
	s13 =	sadd.s32 $0x1800, s0  }
0x30f: {  	[tilespmem:s12], [sflag:$0x1] =	stream.linear.gather [spmem:s13], $0x80, $0x38;
	[tilespmem:$0xA080] =	vst v63  }
0x310: {  	s19 =	sld [smem:$0x7EA];
	s1 =	sshll.u32 s16, $0x7;
	s0 =	sadd.s32 $0x1C00, s0  }
0x311: {  	[tilespmem:s15], [sflag:$0x1] =	stream.linear.gather [spmem:s0], $0x80, $0x38;
	[tilespmem:$0xA080] =	vst v63  }
0x312: {  	s1 =	sand.u32 $0x380, s1;
	s0 =	sadd.s32 s18, s2  }
0x313: {  	s20 =	sld [smem:$0x7EB];
	s0 =	sadd.s32 s1, s0  }
0x314: {  	[tilespmem:s19], [sflag:$0x1] =	stream.linear.gather [spmem:s0], $0x80, $0x38;
	[tilespmem:$0xA080] =	vst v63  }
0x315: {  	s22 =	sld [smem:$0x7EC];
	s21 =	sadd.s32 $0x400, s0  }
0x316: {  	[tilespmem:s20], [sflag:$0x1] =	stream.linear.gather [spmem:s21], $0x80, $0x38;
	[tilespmem:$0xA080] =	vst v63  }
0x317: {  	s24 =	sld [smem:$0x7ED];
	s23 =	sadd.s32 $0x800, s0  }
0x318: {  	[tilespmem:s22], [sflag:$0x1] =	stream.linear.gather [spmem:s23], $0x80, $0x38;
	[tilespmem:$0xA080] =	vst v63  }
0x319: {  	s26 =	sld [smem:$0x7EE];
	s25 =	sadd.s32 $0xC00, s0  }
0x31a: {  	[tilespmem:s24], [sflag:$0x1] =	stream.linear.gather [spmem:s25], $0x80, $0x38;
	[tilespmem:$0xA080] =	vst v63  }
0x31b: {  	s29 =	sld [smem:$0x7EF];
	s11 =	spop (v2sf);
	s28 =	sadd.s32 $0x1000, s0  }
0x31c: {  	[tilespmem:s26], [sflag:$0x1] =	stream.linear.gather [spmem:s28], $0x80, $0x38;
	[tilespmem:$0xA080] =	vst v63  }
0x31d: {  	s31 =	sld [smem:$0x7F0];
	s12 =	sshll.u32 s11, $0xA;
	s30 =	sadd.s32 $0x1400, s0  }
0x31e: {  	[tilespmem:s29], [sflag:$0x1] =	stream.linear.gather [spmem:s30], $0x80, $0x38;
	[tilespmem:$0xA080] =	vst v63  }
0x31f: {  	s6 =	sld [smem:$0x7F1];
	s13 =	sand.u32 $0xFFFFE000, s12;
	s5 =	sadd.s32 $0x1800, s0  }
0x320: {  	[tilespmem:s31], [sflag:$0x1] =	stream.linear.gather [spmem:s5], $0x80, $0x38;
	[tilespmem:$0xA080] =	vst v63  }
0x321: {  	s15 =	sld [smem:$0x7F2];
	s1 =	sshll.u32 s11, $0x7;
	s0 =	sadd.s32 $0x1C00, s0  }
0x322: {  	[tilespmem:s6], [sflag:$0x1] =	stream.linear.gather [spmem:s0], $0x80, $0x38;
	[tilespmem:$0xA080] =	vst v63  }
0x323: {  	s1 =	sand.u32 $0x380, s1;
	s0 =	sadd.s32 s13, s2  }
0x324: {  	s16 =	sld [smem:$0x7F3];
	s0 =	sadd.s32 s1, s0  }
0x325: {  	[tilespmem:s15], [sflag:$0x1] =	stream.linear.gather [spmem:s0], $0x80, $0x38;
	[tilespmem:$0xA080] =	vst v63  }
0x326: {  	s18 =	sld [smem:$0x7F5];
	s17 =	sadd.s32 $0x400, s0  }
0x327: {  	[tilespmem:s16], [sflag:$0x1] =	stream.linear.gather [spmem:s17], $0x80, $0x38;
	[tilespmem:$0xA080] =	vst v63  }
0x328: {  	s20 =	sld [smem:$0x7F7];
	s19 =	sadd.s32 $0x800, s0  }
0x329: {  	[tilespmem:s18], [sflag:$0x1] =	stream.linear.gather [spmem:s19], $0x80, $0x38;
	[tilespmem:$0xA080] =	vst v63  }
0x32a: {  	s22 =	sld [smem:$0x7F9];
	s21 =	sadd.s32 $0xC00, s0  }
0x32b: {  	[tilespmem:s20], [sflag:$0x1] =	stream.linear.gather [spmem:s21], $0x80, $0x38;
	[tilespmem:$0xA080] =	vst v63  }
0x32c: {  	s24 =	sld [smem:$0x7FA];
	s23 =	sadd.s32 $0x1000, s0  }
0x32d: {  	[tilespmem:s22], [sflag:$0x1] =	stream.linear.gather [spmem:s23], $0x80, $0x38;
	[tilespmem:$0xA080] =	vst v63  }
0x32e: {  	s26 =	sld [smem:$0x7FB];
	s25 =	sadd.s32 $0x1400, s0  }
0x32f: {  	[tilespmem:s24], [sflag:$0x1] =	stream.linear.gather [spmem:s25], $0x80, $0x38;
	[tilespmem:$0xA080] =	vst v63  }
0x330: {  	s29 =	sld [smem:$0x7FC];
	s28 =	sadd.s32 $0x1800, s0  }
0x331: {  	[tilespmem:s26], [sflag:$0x1] =	stream.linear.gather [spmem:s28], $0x80, $0x38;
	[tilespmem:$0xA080] =	vst v63  }
0x332: {  	s0 =	sadd.s32 $0x1C00, s0  }
0x333: {  	[tilespmem:s29], [sflag:$0x1] =	stream.linear.gather [spmem:s0], $0x80, $0x38;
	[tilespmem:$0xA080] =	vst v63  }
0x334: {  	_ =	swait.ge [sflag:s10], $0x8000  }
0x335: {  	s31 =	sld [smem:$0x7FD]  }
0x336: {  	s30 =	rddreg [dreg:$0x5];
	[sflag:s10] =	ssyncset.done $0x0  }
0x337: {  	[sflag:s10] =	ssyncadd.s32 $0xFFFF8000;
	s0 =	sadd.s32 $0x0, s30  }
0x338: {  	[hbm4b:s0+s9] =	stream.strided.scatter [tilespmem:s8], [sflag:$0x2], $0x8000, s31, s9, $0x38;
	[tilespmem:$0xA080] =	vst v63  }
0x339: {  	_ =	swait.ge [sflag:s7], $0x8000  }
0x33a: {  	[sflag:s7] =	ssyncset.done $0x0  }
0x33b: {  	s12 =	simm.s32 $0x400;
	[sflag:s7] =	ssyncadd.s32 $0xFFFF8000  }
.LBB2_2:
0x33c: {  	[bflag:$0x0] =	sbarrier.arrive $0xFFFF;
	s0 =	smov.u32 s12  }
0x33d: {  	[smem:$0x712] =	sst s0  }
0x33e: {  	s19 =	rddreg [dreg:$0x6]  }
0x33f: {  	s14 =	sadd.s32 $0x4000, s14;
	s1 =	rddreg [dreg:$0x7]  }
0x340: {  	[spmem:s1], [sflag:s19] =	dma.local [hbm:s14], $0x400  }
0x341: {  	_ =	swait.ge [sflag:s7], $0x400  }
0x342: {  	[sflag:s7] =	ssyncset.done $0x0  }
0x343: {  	[sflag:s7] =	ssyncadd.s32 $0xFFFFFC00  }
0x344: {  	[bflag:$0x0] =	sbarrier.arrive $0xFFFF  }
0x345: {  	v1 =	vld [tilespmem:$0x0];
	_ =	sdelay $0x4  }
0x346: {  	(v2sf) =	vpush v1, $0x0;
	_ =	sdelay $0x2  }
0x347: {  	(v2sf) =	vpush v1, $0x1;
	_ =	sdelay $0x2  }
0x348: {  	(v2sf) =	vpush v1, $0x2;
	_ =	sdelay $0x3  }
0x349: {  	s22 =	rddreg [dreg:$0x8]  }
0x34a: {  	s6 =	rddreg [dreg:$0x9]  }
0x34b: {  	s24 =	rddreg [dreg:$0xa]  }
0x34c: {  	s26 =	rddreg [dreg:$0xb]  }
0x34d: {  	s16 =	rddreg [dreg:$0xc]  }
0x34e: {  	s30 =	rddreg [dreg:$0xd];
	s20 =	spop (v2sf)  }
0x34f: {  	s7 =	rddreg [dreg:$0xe];
	s21 =	sshll.u32 s20, $0xA  }
0x350: {  	s13 =	rddreg [dreg:$0xf];
	s0 =	sshll.u32 s20, $0x7;
	s1 =	sand.u32 $0xFFFFE000, s21  }
0x351: {  	s3 =	spop (v2sf);
	s0 =	sand.u32 $0x380, s0;
	s1 =	sadd.s32 s1, s2  }
0x352: {  	s19 =	rddreg [dreg:$0x10];
	s4 =	sshll.u32 s3, $0xA;
	s0 =	sadd.s32 s0, s1  }
0x353: {  	v0 =	vld [tilespmem:$0x10];
	[tilespmem:s8], [sflag:$0x1] =	stream.linear.gather [spmem:s0], $0x80, $0x38  }
0x354: {  	s3 =	sshll.u32 s3, $0x7;
	s11 =	spop (v2sf);
	s5 =	sadd.s32 $0x400, s0  }
0x355: {  	(v2sf) =	vpush v1, $0x3;
	[tilespmem:s22], [sflag:$0x1] =	stream.linear.gather [spmem:s5], $0x80, $0x38;
	[tilespmem:$0xA080] =	vst v63  }
0x356: {  	s4 =	sand.u32 $0xFFFFE000, s4;
	s15 =	sshll.u32 s11, $0xA;
	s23 =	sadd.s32 $0x800, s0  }
0x357: {  	[tilespmem:s6], [sflag:$0x1] =	stream.linear.gather [spmem:s23], $0x80, $0x38;
	[tilespmem:$0xA080] =	vst v63  }
0x358: {  	s10 =	sand.u32 $0x380, s3;
	s4 =	sadd.s32 s4, s2;
	s25 =	sadd.s32 $0xC00, s0  }
0x359: {  	(v2sf) =	vpush v1, $0x4;
	[tilespmem:s24], [sflag:$0x1] =	stream.linear.gather [spmem:s25], $0x80, $0x38;
	[tilespmem:$0xA080] =	vst v63  }
0x35a: {  	s15 =	sand.u32 $0xFFFFE000, s15;
	s28 =	sadd.s32 $0x1000, s0;
	s29 =	sadd.s32 $0x1400, s0  }
0x35b: {  	[tilespmem:s26], [sflag:$0x1] =	stream.linear.gather [spmem:s28], $0x80, $0x38;
	[tilespmem:$0xA080] =	vst v63  }
0x35c: {  	s31 =	sadd.s32 $0x1800, s0;
	s0 =	sadd.s32 $0x1C00, s0;
	s17 =	sadd.s32 s10, s4  }
0x35d: {  	(v2sf) =	vpush v1, $0x5;
	[tilespmem:s16], [sflag:$0x1] =	stream.linear.gather [spmem:s29], $0x80, $0x38;
	[tilespmem:$0xA080] =	vst v63  }
0x35e: {  	s10 =	sadd.s32 $0x1C00, s17;
	s5 =	sadd.s32 s15, s2;
	s6 =	sshll.u32 s11, $0x7  }
0x35f: {  	[tilespmem:s30], [sflag:$0x1] =	stream.linear.gather [spmem:s31], $0x80, $0x38;
	[tilespmem:$0xA080] =	vst v63  }
0x360: {  	s22 =	sadd.s32 $0x400, s17;
	s23 =	rddreg [dreg:$0x11];
	s6 =	sand.u32 $0x380, s6  }
0x361: {  	[tilespmem:s7], [sflag:$0x1] =	stream.linear.gather [spmem:s0], $0x80, $0x38;
	[tilespmem:$0xA080] =	vst v63  }
0x362: {  	s24 =	sadd.s32 $0x800, s17;
	s25 =	sadd.s32 $0xC00, s17;
	s6 =	sadd.s32 s6, s5  }
0x363: {  	[tilespmem:s13], [sflag:$0x1] =	stream.linear.gather [spmem:s17], $0x80, $0x38;
	[tilespmem:$0xA080] =	vst v63  }
0x364: {  	s26 =	rddreg [dreg:$0x13];
	s29 =	sadd.s32 $0x1000, s17;
	s8 =	spop (v2sf)  }
0x365: {  	[tilespmem:s19], [sflag:$0x1] =	stream.linear.gather [spmem:s22], $0x80, $0x38;
	[tilespmem:$0xA080] =	vst v63  }
0x366: {  	s18 =	sshll.u32 s8, $0xA;
	s3 =	sshll.u32 s8, $0x7;
	s30 =	rddreg [dreg:$0x14]  }
0x367: {  	[tilespmem:s23], [sflag:$0x1] =	stream.linear.gather [spmem:s24], $0x80, $0x38;
	[tilespmem:$0xA080] =	vst v63  }
0x368: {  	s20 =	spop (v2sf);
	s0 =	sand.u32 $0xFFFFE000, s18;
	s18 =	rddreg [dreg:$0x12]  }
0x369: {  	[tilespmem:s18], [sflag:$0x1] =	stream.linear.gather [spmem:s25], $0x80, $0x38;
	[tilespmem:$0xA080] =	vst v63  }
0x36a: {  	s31 =	sadd.s32 $0x1400, s17;
	s8 =	sadd.s32 $0x1800, s17;
	s21 =	sshll.u32 s20, $0xA  }
0x36b: {  	[tilespmem:s26], [sflag:$0x1] =	stream.linear.gather [spmem:s29], $0x80, $0x38;
	[tilespmem:$0xA080] =	vst v63  }
0x36c: {  	s28 =	spop (v2sf);
	s3 =	sand.u32 $0x380, s3;
	s7 =	rddreg [dreg:$0x15]  }
0x36d: {  	[tilespmem:s30], [sflag:$0x1] =	stream.linear.gather [spmem:s31], $0x80, $0x38;
	[tilespmem:$0xA080] =	vst v63  }
0x36e: {  	s4 =	sadd.s32 s0, s2;
	s0 =	sshll.u32 s20, $0x7;
	s20 =	rddreg [dreg:$0x16]  }
0x36f: {  	(v2sf) =	vpush v1, $0x6;
	[tilespmem:s7], [sflag:$0x1] =	stream.linear.gather [spmem:s8], $0x80, $0x38;
	[tilespmem:$0xA080] =	vst v63  }
0x370: {  	s15 =	sand.u32 $0xFFFFE000, s21;
	s13 =	rddreg [dreg:$0x17];
	s19 =	sshll.u32 s28, $0xA  }
0x371: {  	[tilespmem:s20], [sflag:$0x1] =	stream.linear.gather [spmem:s10], $0x80, $0x38;
	[tilespmem:$0xA080] =	vst v63  }
0x372: {  	s16 =	sshll.u32 s28, $0x7;
	s19 =	sand.u32 $0xFFFFE000, s19;
	s23 =	rddreg [dreg:$0x1a]  }
0x373: {  	[tilespmem:s13], [sflag:$0x1] =	stream.linear.gather [spmem:s6], $0x80, $0x38;
	[tilespmem:$0xA080] =	vst v63  }
0x374: {  	s11 =	sadd.s32 s19, s2;
	s19 =	sadd.s32 $0x400, s6;
	s18 =	rddreg [dreg:$0x18]  }
0x375: {  	(v2sf) =	vpush v1, $0x7;
	[tilespmem:s18], [sflag:$0x1] =	stream.linear.gather [spmem:s19], $0x80, $0x38;
	[tilespmem:$0xA080] =	vst v63  }
0x376: {  	s1 =	sadd.s32 s15, s2;
	s22 =	sadd.s32 $0x800, s6;
	s20 =	rddreg [dreg:$0x19]  }
0x377: {  	[tilespmem:s20], [sflag:$0x1] =	stream.linear.gather [spmem:s22], $0x80, $0x38;
	[tilespmem:$0xA080] =	vst v63  }
0x378: {  	s16 =	sand.u32 $0x380, s16;
	s25 =	sadd.s32 $0xC00, s6;
	s26 =	rddreg [dreg:$0x1b]  }
0x379: {  	[tilespmem:s23], [sflag:$0x1] =	stream.linear.gather [spmem:s25], $0x80, $0x38;
	[tilespmem:$0xA080] =	vst v63  }
0x37a: {  	s4 =	sadd.s32 s3, s4;
	s28 =	sadd.s32 $0x1000, s6;
	s29 =	rddreg [dreg:$0x1c]  }
0x37b: {  	[tilespmem:s26], [sflag:$0x1] =	stream.linear.gather [spmem:s28], $0x80, $0x38;
	[tilespmem:$0xA080] =	vst v63  }
0x37c: {  	s0 =	sand.u32 $0x380, s0;
	s30 =	sadd.s32 $0x1400, s6;
	s31 =	rddreg [dreg:$0x1d]  }
0x37d: {  	[tilespmem:s29], [sflag:$0x1] =	stream.linear.gather [spmem:s30], $0x80, $0x38;
	[tilespmem:$0xA080] =	vst v63  }
0x37e: {  	s21 =	spop (v2sf);
	s7 =	sadd.s32 $0x1800, s6;
	s8 =	rddreg [dreg:$0x1e]  }
0x37f: {  	[tilespmem:s31], [sflag:$0x1] =	stream.linear.gather [spmem:s7], $0x80, $0x38;
	[tilespmem:$0xA080] =	vst v63  }
0x380: {  	s24 =	sshll.u32 s21, $0xA;
	s6 =	sadd.s32 $0x1C00, s6;
	s13 =	rddreg [dreg:$0x1f]  }
0x381: {  	(v2sf) =	vpush v1, $0x8;
	[tilespmem:s8], [sflag:$0x1] =	stream.linear.gather [spmem:s6], $0x80, $0x38;
	[tilespmem:$0xA080] =	vst v63  }
0x382: {  	s15 =	sshll.u32 s21, $0x7;
	s21 =	sadd.s32 $0x400, s4;
	s18 =	sld [smem:$0x714]  }
0x383: {  	[tilespmem:s13], [sflag:$0x1] =	stream.linear.gather [spmem:s4], $0x80, $0x38;
	[tilespmem:$0xA080] =	vst v63  }
0x384: {  	s10 =	spop (v2sf);
	s19 =	sand.u32 $0xFFFFE000, s24;
	s22 =	sld [smem:$0x715]  }
0x385: {  	[tilespmem:s18], [sflag:$0x1] =	stream.linear.gather [spmem:s21], $0x80, $0x38;
	[tilespmem:$0xA080] =	vst v63  }
0x386: {  	s24 =	sld [smem:$0x716];
	s5 =	sadd.s32 s19, s2;
	s23 =	sadd.s32 $0x800, s4  }
0x387: {  	[tilespmem:s22], [sflag:$0x1] =	stream.linear.gather [spmem:s23], $0x80, $0x38;
	[tilespmem:$0xA080] =	vst v63  }
0x388: {  	s19 =	sshll.u32 s10, $0xA;
	s25 =	sadd.s32 $0xC00, s4;
	s26 =	sld [smem:$0x717]  }
0x389: {  	[tilespmem:s24], [sflag:$0x1] =	stream.linear.gather [spmem:s25], $0x80, $0x38;
	[tilespmem:$0xA080] =	vst v63  }
0x38a: {  	s28 =	sadd.s32 $0x1000, s4;
	s29 =	sld [smem:$0x718];
	s31 =	sadd.s32 $0x1400, s4  }
0x38b: {  	[tilespmem:s26], [sflag:$0x1] =	stream.linear.gather [spmem:s28], $0x80, $0x38;
	[tilespmem:$0xA080] =	vst v63  }
0x38c: {  	s7 =	sld [smem:$0x719];
	s6 =	sand.u32 $0xFFFFE000, s19;
	s8 =	sadd.s32 $0x1800, s4  }
0x38d: {  	[tilespmem:s29], [sflag:$0x1] =	stream.linear.gather [spmem:s31], $0x80, $0x38;
	[tilespmem:$0xA080] =	vst v63  }
0x38e: {  	(v2sf) =	vpush v1, $0x9;
	s3 =	sadd.s32 s6, s2;
	s6 =	sshll.u32 s10, $0x7;
	s10 =	sld [smem:$0x71A]  }
0x38f: {  	[tilespmem:s7], [sflag:$0x1] =	stream.linear.gather [spmem:s8], $0x80, $0x38;
	[tilespmem:$0xA080] =	vst v63  }
0x390: {  	s30 =	spop (v2sf);
	s4 =	sadd.s32 $0x1C00, s4;
	s13 =	sld [smem:$0x71B]  }
0x391: {  	[tilespmem:s10], [sflag:$0x1] =	stream.linear.gather [spmem:s4], $0x80, $0x38;
	[tilespmem:$0xA080] =	vst v63  }
0x392: {  	s11 =	sadd.s32 s16, s11;
	s15 =	sand.u32 $0x380, s15;
	s18 =	sld [smem:$0x71C]  }
0x393: {  	s19 =	sadd.s32 s0, s1;
	s6 =	sand.u32 $0x380, s6;
	s23 =	sld [smem:$0x71D]  }
0x394: {  	[tilespmem:s13], [sflag:$0x1] =	stream.linear.gather [spmem:s19], $0x80, $0x38;
	[tilespmem:$0xA080] =	vst v63  }
0x395: {  	s21 =	sshll.u32 s30, $0xA;
	s22 =	sadd.s32 $0x400, s19;
	s25 =	sld [smem:$0x71E]  }
0x396: {  	[tilespmem:s18], [sflag:$0x1] =	stream.linear.gather [spmem:s22], $0x80, $0x38;
	[tilespmem:$0xA080] =	vst v63  }
0x397: {  	s21 =	sand.u32 $0xFFFFE000, s21;
	s24 =	sadd.s32 $0x800, s19;
	s29 =	sld [smem:$0x71F]  }
0x398: {  	[tilespmem:s23], [sflag:$0x1] =	stream.linear.gather [spmem:s24], $0x80, $0x38;
	[tilespmem:$0xA080] =	vst v63  }
0x399: {  	s0 =	sadd.s32 s21, s2;
	s28 =	sadd.s32 $0xC00, s19;
	s7 =	sld [smem:$0x720]  }
0x39a: {  	(v2sf) =	vpush v1, $0xA;
	[tilespmem:s25], [sflag:$0x1] =	stream.linear.gather [spmem:s28], $0x80, $0x38;
	[tilespmem:$0xA080] =	vst v63  }
0x39b: {  	s31 =	sadd.s32 $0x1000, s19;
	s8 =	sadd.s32 $0x1400, s19;
	s20 =	sld [smem:$0x723]  }
0x39c: {  	[tilespmem:s29], [sflag:$0x1] =	stream.linear.gather [spmem:s31], $0x80, $0x38;
	[tilespmem:$0xA080] =	vst v63  }
0x39d: {  	s4 =	sshll.u32 s30, $0x7;
	s26 =	spop (v2sf);
	s22 =	sld [smem:$0x721]  }
0x39e: {  	(v2sf) =	vpush v1, $0xB;
	[tilespmem:s7], [sflag:$0x1] =	stream.linear.gather [spmem:s8], $0x80, $0x38;
	[tilespmem:$0xA080] =	vst v63  }
0x39f: {  	s10 =	sadd.s32 $0x1800, s19;
	s30 =	sshll.u32 s26, $0xA;
	s13 =	sld [smem:$0x722]  }
0x3a0: {  	[tilespmem:s22], [sflag:$0x1] =	stream.linear.gather [spmem:s10], $0x80, $0x38;
	[tilespmem:$0xA080] =	vst v63  }
0x3a1: {  	s19 =	sadd.s32 $0x1C00, s19;
	s21 =	sand.u32 $0xFFFFE000, s30;
	s30 =	sld [smem:$0x727]  }
0x3a2: {  	[tilespmem:s13], [sflag:$0x1] =	stream.linear.gather [spmem:s19], $0x80, $0x38;
	[tilespmem:$0xA080] =	vst v63  }
0x3a3: {  	s4 =	sand.u32 $0x380, s4;
	s1 =	sadd.s32 s21, s2;
	s21 =	sld [smem:$0x724]  }
0x3a4: {  	[tilespmem:s20], [sflag:$0x1] =	stream.linear.gather [spmem:s11], $0x80, $0x38;
	[tilespmem:$0xA080] =	vst v63  }
0x3a5: {  	s18 =	sshll.u32 s26, $0x7;
	s23 =	sadd.s32 $0x400, s11;
	s24 =	sld [smem:$0x725]  }
0x3a6: {  	[tilespmem:s21], [sflag:$0x1] =	stream.linear.gather [spmem:s23], $0x80, $0x38;
	[tilespmem:$0xA080] =	vst v63  }
0x3a7: {  	s26 =	sadd.s32 $0x800, s11;
	s28 =	sld [smem:$0x726];
	s29 =	sadd.s32 $0xC00, s11  }
0x3a8: {  	[tilespmem:s24], [sflag:$0x1] =	stream.linear.gather [spmem:s26], $0x80, $0x38;
	[tilespmem:$0xA080] =	vst v63  }
0x3a9: {  	s31 =	sadd.s32 $0x1000, s11;
	s7 =	sld [smem:$0x728];
	s22 =	spop (v2sf)  }
0x3aa: {  	[tilespmem:s28], [sflag:$0x1] =	stream.linear.gather [spmem:s29], $0x80, $0x38;
	[tilespmem:$0xA080] =	vst v63  }
0x3ab: {  	s8 =	sadd.s32 $0x1400, s11;
	s10 =	sld [smem:$0x729];
	s25 =	sshll.u32 s22, $0xA  }
0x3ac: {  	[tilespmem:s30], [sflag:$0x1] =	stream.linear.gather [spmem:s31], $0x80, $0x38;
	[tilespmem:$0xA080] =	vst v63  }
0x3ad: {  	s13 =	spop (v2sf);
	s21 =	sand.u32 $0xFFFFE000, s25;
	s25 =	sld [smem:$0x72B]  }
0x3ae: {  	(v2sf) =	vpush v1, $0xC;
	[tilespmem:s7], [sflag:$0x1] =	stream.linear.gather [spmem:s8], $0x80, $0x38;
	[tilespmem:$0xA080] =	vst v63  }
0x3af: {  	s20 =	sadd.s32 $0x1800, s11;
	s11 =	sadd.s32 $0x1C00, s11;
	s24 =	sld [smem:$0x72A]  }
0x3b0: {  	[tilespmem:s10], [sflag:$0x1] =	stream.linear.gather [spmem:s20], $0x80, $0x38;
	[tilespmem:$0xA080] =	vst v63  }
0x3b1: {  	s19 =	sshll.u32 s13, $0x7;
	s23 =	sshll.u32 s13, $0xA;
	s26 =	sld [smem:$0x72C]  }
0x3b2: {  	[tilespmem:s24], [sflag:$0x1] =	stream.linear.gather [spmem:s11], $0x80, $0x38;
	[tilespmem:$0xA080] =	vst v63  }
0x3b3: {  	s16 =	sadd.s32 s21, s2;
	s30 =	sld [smem:$0x72D];
	s11 =	sadd.s32 s15, s5  }
0x3b4: {  	(v2sf) =	vpush v1, $0xD;
	[tilespmem:s25], [sflag:$0x1] =	stream.linear.gather [spmem:s11], $0x80, $0x38;
	[tilespmem:$0xA080] =	vst v63  }
0x3b5: {  	s21 =	sadd.s32 s6, s3;
	s7 =	sld [smem:$0x72E];
	s29 =	sadd.s32 $0x400, s11  }
0x3b6: {  	[tilespmem:s26], [sflag:$0x1] =	stream.linear.gather [spmem:s29], $0x80, $0x38;
	[tilespmem:$0xA080] =	vst v63  }
0x3b7: {  	s6 =	sadd.s32 $0x400, s21;
	s10 =	sld [smem:$0x72F];
	s31 =	sadd.s32 $0x800, s11  }
0x3b8: {  	[tilespmem:s30], [sflag:$0x1] =	stream.linear.gather [spmem:s31], $0x80, $0x38;
	[tilespmem:$0xA080] =	vst v63  }
0x3b9: {  	s28 =	sand.u32 $0xFFFFE000, s23;
	s24 =	sld [smem:$0x730];
	s8 =	sadd.s32 $0xC00, s11  }
0x3ba: {  	[tilespmem:s7], [sflag:$0x1] =	stream.linear.gather [spmem:s8], $0x80, $0x38;
	[tilespmem:$0xA080] =	vst v63  }
0x3bb: {  	s15 =	sadd.s32 s28, s2;
	s28 =	sld [smem:$0x731];
	s23 =	sadd.s32 $0x1000, s11  }
0x3bc: {  	[tilespmem:s10], [sflag:$0x1] =	stream.linear.gather [spmem:s23], $0x80, $0x38;
	[tilespmem:$0xA080] =	vst v63  }
0x3bd: {  	s13 =	spop (v2sf);
	s26 =	sadd.s32 $0x1400, s11;
	s30 =	sld [smem:$0x733]  }
0x3be: {  	(v2sf) =	vpush v1, $0xE;
	[tilespmem:s24], [sflag:$0x1] =	stream.linear.gather [spmem:s26], $0x80, $0x38;
	[tilespmem:$0xA080] =	vst v63  }
0x3bf: {  	s20 =	sadd.s32 s4, s0;
	s29 =	sadd.s32 $0x1800, s11;
	s24 =	sld [smem:$0x732]  }
0x3c0: {  	[tilespmem:s28], [sflag:$0x1] =	stream.linear.gather [spmem:s29], $0x80, $0x38;
	[tilespmem:$0xA080] =	vst v63  }
0x3c1: {  	s25 =	sshll.u32 s13, $0xA;
	s11 =	sadd.s32 $0x1C00, s11;
	s31 =	sld [smem:$0x734]  }
0x3c2: {  	[tilespmem:s24], [sflag:$0x1] =	stream.linear.gather [spmem:s11], $0x80, $0x38;
	[tilespmem:$0xA080] =	vst v63  }
0x3c3: {  	s7 =	sld [smem:$0x735];
	s8 =	spop (v2sf);
	s23 =	sand.u32 $0xFFFFE000, s25  }
0x3c4: {  	[tilespmem:s30], [sflag:$0x1] =	stream.linear.gather [spmem:s21], $0x80, $0x38;
	[tilespmem:$0xA080] =	vst v63  }
0x3c5: {  	s10 =	sadd.s32 $0x800, s21;
	s25 =	sadd.s32 $0xC00, s21;
	s5 =	sadd.s32 s23, s2  }
0x3c6: {  	[tilespmem:s31], [sflag:$0x1] =	stream.linear.gather [spmem:s6], $0x80, $0x38;
	[tilespmem:$0xA080] =	vst v63  }
0x3c7: {  	s11 =	sshll.u32 s13, $0x7;
	s13 =	sld [smem:$0x736];
	s24 =	sshll.u32 s8, $0xA  }
0x3c8: {  	[tilespmem:s7], [sflag:$0x1] =	stream.linear.gather [spmem:s10], $0x80, $0x38;
	[tilespmem:$0xA080] =	vst v63  }
0x3c9: {  	s26 =	sld [smem:$0x737];
	s28 =	sadd.s32 $0x1000, s21;
	s23 =	sand.u32 $0xFFFFE000, s24  }
0x3ca: {  	[tilespmem:s13], [sflag:$0x1] =	stream.linear.gather [spmem:s25], $0x80, $0x38;
	[tilespmem:$0xA080] =	vst v63  }
0x3cb: {  	s29 =	sld [smem:$0x738];
	s3 =	sadd.s32 s23, s2;
	s30 =	sadd.s32 $0x1400, s21  }
0x3cc: {  	[tilespmem:s26], [sflag:$0x1] =	stream.linear.gather [spmem:s28], $0x80, $0x38;
	[tilespmem:$0xA080] =	vst v63  }
0x3cd: {  	s31 =	sld [smem:$0x739];
	s6 =	sshll.u32 s8, $0x7;
	s8 =	spop (v2sf)  }
0x3ce: {  	[tilespmem:s29], [sflag:$0x1] =	stream.linear.gather [spmem:s30], $0x80, $0x38;
	[tilespmem:$0xA080] =	vst v63  }
0x3cf: {  	s23 =	sld [smem:$0x73B];
	s24 =	sshll.u32 s8, $0xA;
	s7 =	sadd.s32 $0x1800, s21  }
0x3d0: {  	[tilespmem:s31], [sflag:$0x1] =	stream.linear.gather [spmem:s7], $0x80, $0x38;
	[tilespmem:$0xA080] =	vst v63  }
0x3d1: {  	s10 =	sadd.s32 $0x1C00, s21;
	s4 =	sand.u32 $0xFFFFE000, s24;
	s13 =	sld [smem:$0x73A]  }
0x3d2: {  	(v2sf) =	vpush v0, $0x0;
	[tilespmem:s9], [sflag:$0x1] =	stream.linear.gather [spmem:s10], $0x80, $0x38;
	[tilespmem:$0xA080] =	vst v63  }
0x3d3: {  	s0 =	sadd.s32 s4, s2;
	s4 =	sshll.u32 s8, $0x7;
	s8 =	sld [smem:$0x73F]  }
0x3d4: {  	[tilespmem:s13], [sflag:$0x1] =	stream.linear.gather [spmem:s20], $0x80, $0x38;
	[tilespmem:$0xA080] =	vst v63  }
0x3d5: {  	s25 =	sadd.s32 $0x400, s20;
	s26 =	sld [smem:$0x73C]  }
0x3d6: {  	[tilespmem:s23], [sflag:$0x1] =	stream.linear.gather [spmem:s25], $0x80, $0x38;
	[tilespmem:$0xA080] =	vst v63  }
0x3d7: {  	s28 =	sadd.s32 $0x800, s20;
	s29 =	sld [smem:$0x73D]  }
0x3d8: {  	[tilespmem:s26], [sflag:$0x1] =	stream.linear.gather [spmem:s28], $0x80, $0x38;
	[tilespmem:$0xA080] =	vst v63  }
0x3d9: {  	s30 =	sadd.s32 $0xC00, s20;
	s31 =	sld [smem:$0x73E]  }
0x3da: {  	(v2sf) =	vpush v1, $0xF;
	[tilespmem:s29], [sflag:$0x1] =	stream.linear.gather [spmem:s30], $0x80, $0x38;
	[tilespmem:$0xA080] =	vst v63  }
0x3db: {  	s7 =	sadd.s32 $0x1000, s20;
	s13 =	sld [smem:$0x740]  }
0x3dc: {  	[tilespmem:s31], [sflag:$0x1] =	stream.linear.gather [spmem:s7], $0x80, $0x38;
	[tilespmem:$0xA080] =	vst v63  }
0x3dd: {  	s18 =	sand.u32 $0x380, s18;
	s10 =	sadd.s32 $0x1400, s20;
	s26 =	sld [smem:$0x741]  }
0x3de: {  	[tilespmem:s8], [sflag:$0x1] =	stream.linear.gather [spmem:s10], $0x80, $0x38;
	[tilespmem:$0xA080] =	vst v63  }
0x3df: {  	s17 =	sshll.u32 s22, $0x7;
	s22 =	sadd.s32 $0x1800, s20;
	s28 =	sld [smem:$0x742]  }
0x3e0: {  	[tilespmem:s13], [sflag:$0x1] =	stream.linear.gather [spmem:s22], $0x80, $0x38;
	[tilespmem:$0xA080] =	vst v63  }
0x3e1: {  	s9 =	spop (v2sf);
	s20 =	sadd.s32 $0x1C00, s20;
	s29 =	sld [smem:$0x743]  }
0x3e2: {  	[tilespmem:s26], [sflag:$0x1] =	stream.linear.gather [spmem:s20], $0x80, $0x38;
	[tilespmem:$0xA080] =	vst v63  }
0x3e3: {  	s25 =	sshll.u32 s9, $0xA;
	s31 =	sld [smem:$0x744];
	s20 =	sadd.s32 s18, s1  }
0x3e4: {  	[tilespmem:s28], [sflag:$0x1] =	stream.linear.gather [spmem:s20], $0x80, $0x38;
	[tilespmem:$0xA080] =	vst v63  }
0x3e5: {  	s25 =	sand.u32 $0xFFFFE000, s25;
	s8 =	sld [smem:$0x745];
	s30 =	sadd.s32 $0x400, s20  }
0x3e6: {  	[tilespmem:s29], [sflag:$0x1] =	stream.linear.gather [spmem:s30], $0x80, $0x38;
	[tilespmem:$0xA080] =	vst v63  }
0x3e7: {  	s13 =	sld [smem:$0x746];
	s1 =	sadd.s32 s25, s2;
	s7 =	sadd.s32 $0x800, s20  }
0x3e8: {  	[tilespmem:s31], [sflag:$0x1] =	stream.linear.gather [spmem:s7], $0x80, $0x38;
	[tilespmem:$0xA080] =	vst v63  }
0x3e9: {  	s18 =	sshll.u32 s9, $0x7;
	s9 =	spop (v2sf);
	s10 =	sadd.s32 $0xC00, s20  }
0x3ea: {  	[tilespmem:s8], [sflag:$0x1] =	stream.linear.gather [spmem:s10], $0x80, $0x38;
	[tilespmem:$0xA080] =	vst v63  }
0x3eb: {  	s26 =	sshll.u32 s9, $0xA;
	s28 =	sadd.s32 $0x1000, s20;
	s29 =	sld [smem:$0x747]  }
0x3ec: {  	(v2sf) =	vpush v0, $0x1;
	[tilespmem:s13], [sflag:$0x1] =	stream.linear.gather [spmem:s28], $0x80, $0x38;
	[tilespmem:$0xA080] =	vst v63  }
0x3ed: {  	s25 =	sand.u32 $0xFFFFE000, s26;
	s26 =	sld [smem:$0x748];
	s30 =	sadd.s32 $0x1400, s20  }
0x3ee: {  	[tilespmem:s29], [sflag:$0x1] =	stream.linear.gather [spmem:s30], $0x80, $0x38;
	[tilespmem:$0xA080] =	vst v63  }
0x3ef: {  	s31 =	sadd.s32 $0x1800, s20;
	s7 =	sld [smem:$0x749]  }
0x3f0: {  	[tilespmem:s26], [sflag:$0x1] =	stream.linear.gather [spmem:s31], $0x80, $0x38;
	[tilespmem:$0xA080] =	vst v63  }
0x3f1: {  	s17 =	sand.u32 $0x380, s17;
	s20 =	sadd.s32 $0x1C00, s20;
	s8 =	sld [smem:$0x74A]  }
0x3f2: {  	[tilespmem:s7], [sflag:$0x1] =	stream.linear.gather [spmem:s20], $0x80, $0x38;
	[tilespmem:$0xA080] =	vst v63  }
0x3f3: {  	s16 =	sadd.s32 s17, s16;
	s24 =	sshll.u32 s9, $0x7;
	s9 =	sld [smem:$0x74B]  }
0x3f4: {  	[tilespmem:s8], [sflag:$0x1] =	stream.linear.gather [spmem:s16], $0x80, $0x38;
	[tilespmem:$0xA080] =	vst v63  }
0x3f5: {  	s19 =	sand.u32 $0x380, s19;
	s10 =	sadd.s32 $0x400, s16;
	s13 =	sld [smem:$0x74C]  }
0x3f6: {  	(v2sf) =	vpush v0, $0x2;
	[tilespmem:s9], [sflag:$0x1] =	stream.linear.gather [spmem:s10], $0x80, $0x38;
	[tilespmem:$0xA080] =	vst v63  }
0x3f7: {  	s11 =	sand.u32 $0x380, s11;
	s28 =	sadd.s32 $0x800, s16;
	s29 =	sld [smem:$0x74D]  }
0x3f8: {  	[tilespmem:s13], [sflag:$0x1] =	stream.linear.gather [spmem:s28], $0x80, $0x38;
	[tilespmem:$0xA080] =	vst v63  }
0x3f9: {  	s5 =	sadd.s32 s11, s5;
	s31 =	sadd.s32 $0xC00, s16;
	s7 =	sld [smem:$0x74E]  }
0x3fa: {  	[tilespmem:s29], [sflag:$0x1] =	stream.linear.gather [spmem:s31], $0x80, $0x38;
	[tilespmem:$0xA080] =	vst v63  }
0x3fb: {  	s20 =	spop (v2sf);
	s8 =	sadd.s32 $0x1000, s16;
	s9 =	sld [smem:$0x74F]  }
0x3fc: {  	[tilespmem:s7], [sflag:$0x1] =	stream.linear.gather [spmem:s8], $0x80, $0x38;
	[tilespmem:$0xA080] =	vst v63  }
0x3fd: {  	s26 =	sshll.u32 s20, $0xA;
	s10 =	sadd.s32 $0x1400, s16;
	s13 =	sld [smem:$0x750]  }
0x3fe: {  	[tilespmem:s9], [sflag:$0x1] =	stream.linear.gather [spmem:s10], $0x80, $0x38;
	[tilespmem:$0xA080] =	vst v63  }
0x3ff: {  	s30 =	sand.u32 $0xFFFFE000, s26;
	s26 =	sadd.s32 $0x1800, s16;
	s29 =	sld [smem:$0x751]  }
0x400: {  	[tilespmem:s13], [sflag:$0x1] =	stream.linear.gather [spmem:s26], $0x80, $0x38;
	[tilespmem:$0xA080] =	vst v63  }
0x401: {  	s21 =	sadd.s32 s30, s2;
	s30 =	sld [smem:$0x752];
	s16 =	sadd.s32 $0x1C00, s16  }
0x402: {  	(v2sf) =	vpush v0, $0x3;
	[tilespmem:s29], [sflag:$0x1] =	stream.linear.gather [spmem:s16], $0x80, $0x38;
	[tilespmem:$0xA080] =	vst v63  }
0x403: {  	s6 =	sand.u32 $0x380, s6;
	s31 =	sld [smem:$0x753];
	s16 =	sadd.s32 s19, s15  }
0x404: {  	[tilespmem:s30], [sflag:$0x1] =	stream.linear.gather [spmem:s16], $0x80, $0x38;
	[tilespmem:$0xA080] =	vst v63  }
0x405: {  	s17 =	spop (v2sf);
	s9 =	sld [smem:$0x754];
	s8 =	sadd.s32 $0x400, s16  }
0x406: {  	[tilespmem:s31], [sflag:$0x1] =	stream.linear.gather [spmem:s8], $0x80, $0x38;
	[tilespmem:$0xA080] =	vst v63  }
0x407: {  	s28 =	sshll.u32 s17, $0xA;
	s13 =	sld [smem:$0x755];
	s10 =	sadd.s32 $0x800, s16  }
0x408: {  	(v2sf) =	vpush v0, $0x4;
	[tilespmem:s9], [sflag:$0x1] =	stream.linear.gather [spmem:s10], $0x80, $0x38;
	[tilespmem:$0xA080] =	vst v63  }
0x409: {  	s7 =	sand.u32 $0xFFFFE000, s28;
	s29 =	sadd.s32 $0xC00, s16;
	s30 =	sld [smem:$0x756]  }
0x40a: {  	[tilespmem:s13], [sflag:$0x1] =	stream.linear.gather [spmem:s29], $0x80, $0x38;
	[tilespmem:$0xA080] =	vst v63  }
0x40b: {  	s19 =	sadd.s32 s7, s2;
	s7 =	sadd.s32 $0x1000, s16;
	s8 =	sld [smem:$0x757]  }
0x40c: {  	[tilespmem:s30], [sflag:$0x1] =	stream.linear.gather [spmem:s7], $0x80, $0x38;
	[tilespmem:$0xA080] =	vst v63  }
0x40d: {  	s4 =	sand.u32 $0x380, s4;
	s9 =	sadd.s32 $0x1400, s16;
	s29 =	sld [smem:$0x758]  }
0x40e: {  	[tilespmem:s8], [sflag:$0x1] =	stream.linear.gather [spmem:s9], $0x80, $0x38;
	[tilespmem:$0xA080] =	vst v63  }
0x40f: {  	s22 =	sshll.u32 s20, $0x7;
	s10 =	sadd.s32 $0x1800, s16;
	s13 =	sld [smem:$0x759]  }
0x410: {  	[tilespmem:s29], [sflag:$0x1] =	stream.linear.gather [spmem:s10], $0x80, $0x38;
	[tilespmem:$0xA080] =	vst v63  }
0x411: {  	s26 =	spop (v2sf);
	s16 =	sadd.s32 $0x1C00, s16;
	s29 =	sld [smem:$0x75A]  }
0x412: {  	[tilespmem:s13], [sflag:$0x1] =	stream.linear.gather [spmem:s16], $0x80, $0x38;
	[tilespmem:$0xA080] =	vst v63  }
0x413: {  	s20 =	sshll.u32 s26, $0x7;
	s31 =	sshll.u32 s26, $0xA;
	s30 =	sld [smem:$0x75B]  }
0x414: {  	(v2sf) =	vpush v0, $0x5;
	[tilespmem:s29], [sflag:$0x1] =	stream.linear.gather [spmem:s5], $0x80, $0x38;
	[tilespmem:$0xA080] =	vst v63  }
0x415: {  	s28 =	sand.u32 $0xFFFFE000, s31;
	s31 =	sadd.s32 $0x400, s5;
	s7 =	sld [smem:$0x75C]  }
0x416: {  	[tilespmem:s30], [sflag:$0x1] =	stream.linear.gather [spmem:s31], $0x80, $0x38;
	[tilespmem:$0xA080] =	vst v63  }
0x417: {  	s26 =	spop (v2sf);
	s9 =	sadd.s32 $0x800, s5;
	s10 =	sld [smem:$0x75D]  }
0x418: {  	[tilespmem:s7], [sflag:$0x1] =	stream.linear.gather [spmem:s9], $0x80, $0x38;
	[tilespmem:$0xA080] =	vst v63  }
0x419: {  	s15 =	sadd.s32 s28, s2;
	s28 =	sadd.s32 $0xC00, s5;
	s30 =	sld [smem:$0x75E]  }
0x41a: {  	[tilespmem:s10], [sflag:$0x1] =	stream.linear.gather [spmem:s28], $0x80, $0x38;
	[tilespmem:$0xA080] =	vst v63  }
0x41b: {  	s8 =	sshll.u32 s26, $0xA;
	s31 =	sadd.s32 $0x1000, s5;
	s7 =	sld [smem:$0x75F]  }
0x41c: {  	[tilespmem:s30], [sflag:$0x1] =	stream.linear.gather [spmem:s31], $0x80, $0x38;
	[tilespmem:$0xA080] =	vst v63  }
0x41d: {  	s13 =	sand.u32 $0xFFFFE000, s8;
	s8 =	sadd.s32 $0x1400, s5;
	s9 =	sld [smem:$0x760]  }
0x41e: {  	(v2sf) =	vpush v0, $0x6;
	[tilespmem:s7], [sflag:$0x1] =	stream.linear.gather [spmem:s8], $0x80, $0x38;
	[tilespmem:$0xA080] =	vst v63  }
0x41f: {  	s16 =	sadd.s32 s13, s2;
	s13 =	sld [smem:$0x761];
	s10 =	sadd.s32 $0x1800, s5  }
0x420: {  	[tilespmem:s9], [sflag:$0x1] =	stream.linear.gather [spmem:s10], $0x80, $0x38;
	[tilespmem:$0xA080] =	vst v63  }
0x421: {  	s11 =	sshll.u32 s26, $0x7;
	s5 =	sadd.s32 $0x1C00, s5;
	s31 =	sld [smem:$0x762]  }
0x422: {  	[tilespmem:s13], [sflag:$0x1] =	stream.linear.gather [spmem:s5], $0x80, $0x38;
	[tilespmem:$0xA080] =	vst v63  }
0x423: {  	s26 =	sadd.s32 s6, s3;
	s28 =	spop (v2sf);
	s7 =	sld [smem:$0x763]  }
0x424: {  	[tilespmem:s31], [sflag:$0x1] =	stream.linear.gather [spmem:s26], $0x80, $0x38;
	[tilespmem:$0xA080] =	vst v63  }
0x425: {  	s6 =	sadd.s32 $0x400, s26;
	s30 =	sshll.u32 s28, $0xA;
	s9 =	sld [smem:$0x764]  }
0x426: {  	(v2sf) =	vpush v0, $0x7;
	[tilespmem:s7], [sflag:$0x1] =	stream.linear.gather [spmem:s6], $0x80, $0x38;
	[tilespmem:$0xA080] =	vst v63  }
0x427: {  	s8 =	sand.u32 $0xFFFFE000, s30;
	s10 =	sadd.s32 $0x800, s26;
	s13 =	sld [smem:$0x765]  }
0x428: {  	[tilespmem:s9], [sflag:$0x1] =	stream.linear.gather [spmem:s10], $0x80, $0x38;
	[tilespmem:$0xA080] =	vst v63  }
0x429: {  	s30 =	sld [smem:$0x766];
	s6 =	sshll.u32 s28, $0x7;
	s28 =	sadd.s32 $0xC00, s26  }
0x42a: {  	[tilespmem:s13], [sflag:$0x1] =	stream.linear.gather [spmem:s28], $0x80, $0x38;
	[tilespmem:$0xA080] =	vst v63  }
0x42b: {  	s5 =	sadd.s32 s8, s2;
	s8 =	sld [smem:$0x767];
	s7 =	sadd.s32 $0x1000, s26  }
0x42c: {  	[tilespmem:s30], [sflag:$0x1] =	stream.linear.gather [spmem:s7], $0x80, $0x38;
	[tilespmem:$0xA080] =	vst v63  }
0x42d: {  	s31 =	spop (v2sf);
	s10 =	sadd.s32 $0x1400, s26;
	s13 =	sld [smem:$0x768]  }
0x42e: {  	[tilespmem:s8], [sflag:$0x1] =	stream.linear.gather [spmem:s10], $0x80, $0x38;
	[tilespmem:$0xA080] =	vst v63  }
0x42f: {  	s9 =	sshll.u32 s31, $0xA;
	s7 =	sadd.s32 $0x1800, s26;
	s8 =	sld [smem:$0x769]  }
0x430: {  	[tilespmem:s13], [sflag:$0x1] =	stream.linear.gather [spmem:s7], $0x80, $0x38;
	[tilespmem:$0xA080] =	vst v63  }
0x431: {  	s29 =	sand.u32 $0xFFFFE000, s9;
	s9 =	sadd.s32 $0x1C00, s26;
	s10 =	sld [smem:$0x76A]  }
0x432: {  	[tilespmem:s8], [sflag:$0x1] =	stream.linear.gather [spmem:s9], $0x80, $0x38;
	[tilespmem:$0xA080] =	vst v63  }
0x433: {  	s0 =	sadd.s32 s4, s0;
	s23 =	sadd.s32 s25, s2;
	s13 =	sld [smem:$0x76B]  }
0x434: {  	(v2sf) =	vpush v0, $0x8;
	[tilespmem:s10], [sflag:$0x1] =	stream.linear.gather [spmem:s0], $0x80, $0x38;
	[tilespmem:$0xA080] =	vst v63  }
0x435: {  	s25 =	spop (v2sf);
	s30 =	sadd.s32 $0x400, s0;
	s7 =	sld [smem:$0x76C]  }
0x436: {  	[tilespmem:s13], [sflag:$0x1] =	stream.linear.gather [spmem:s30], $0x80, $0x38;
	[tilespmem:$0xA080] =	vst v63  }
0x437: {  	s3 =	sadd.s32 s29, s2;
	s9 =	sadd.s32 $0x800, s0;
	s10 =	sld [smem:$0x76D]  }
0x438: {  	[tilespmem:s7], [sflag:$0x1] =	stream.linear.gather [spmem:s9], $0x80, $0x38;
	[tilespmem:$0xA080] =	vst v63  }
0x439: {  	s8 =	sshll.u32 s25, $0xA;
	s13 =	sadd.s32 $0xC00, s0;
	s7 =	sld [smem:$0x76E]  }
0x43a: {  	[tilespmem:s10], [sflag:$0x1] =	stream.linear.gather [spmem:s13], $0x80, $0x38;
	[tilespmem:$0xA080] =	vst v63  }
0x43b: {  	s29 =	sand.u32 $0xFFFFE000, s8;
	s8 =	sadd.s32 $0x1000, s0;
	s9 =	sld [smem:$0x76F]  }
0x43c: {  	(v2sf) =	vpush v0, $0x9;
	[tilespmem:s7], [sflag:$0x1] =	stream.linear.gather [spmem:s8], $0x80, $0x38;
	[tilespmem:$0xA080] =	vst v63  }
0x43d: {  	s18 =	sand.u32 $0x380, s18;
	s10 =	sadd.s32 $0x1400, s0;
	s13 =	sld [smem:$0x770]  }
0x43e: {  	[tilespmem:s9], [sflag:$0x1] =	stream.linear.gather [spmem:s10], $0x80, $0x38;
	[tilespmem:$0xA080] =	vst v63  }
0x43f: {  	s24 =	sand.u32 $0x380, s24;
	s7 =	sadd.s32 $0x1800, s0;
	s8 =	sld [smem:$0x771]  }
0x440: {  	[tilespmem:s13], [sflag:$0x1] =	stream.linear.gather [spmem:s7], $0x80, $0x38;
	[tilespmem:$0xA080] =	vst v63  }
0x441: {  	s23 =	sadd.s32 s24, s23;
	s0 =	sadd.s32 $0x1C00, s0;
	s10 =	sld [smem:$0x772]  }
0x442: {  	[tilespmem:s8], [sflag:$0x1] =	stream.linear.gather [spmem:s0], $0x80, $0x38;
	[tilespmem:$0xA080] =	vst v63  }
0x443: {  	s24 =	sadd.s32 $0x400, s23;
	s28 =	spop (v2sf);
	s13 =	sld [smem:$0x773]  }
0x444: {  	[tilespmem:s10], [sflag:$0x1] =	stream.linear.gather [spmem:s23], $0x80, $0x38;
	[tilespmem:$0xA080] =	vst v63  }
0x445: {  	s4 =	sshll.u32 s25, $0x7;
	s26 =	sld [smem:$0x774];
	s9 =	sshll.u32 s28, $0xA  }
0x446: {  	[tilespmem:s13], [sflag:$0x1] =	stream.linear.gather [spmem:s24], $0x80, $0x38;
	[tilespmem:$0xA080] =	vst v63  }
0x447: {  	s7 =	sadd.s32 $0x800, s23;
	s8 =	sand.u32 $0xFFFFE000, s9;
	s9 =	sld [smem:$0x775]  }
0x448: {  	(v2sf) =	vpush v0, $0xA;
	[tilespmem:s26], [sflag:$0x1] =	stream.linear.gather [spmem:s7], $0x80, $0x38;
	[tilespmem:$0xA080] =	vst v63  }
0x449: {  	s0 =	sshll.u32 s28, $0x7;
	s10 =	sadd.s32 $0xC00, s23;
	s13 =	sld [smem:$0x776]  }
0x44a: {  	[tilespmem:s9], [sflag:$0x1] =	stream.linear.gather [spmem:s10], $0x80, $0x38;
	[tilespmem:$0xA080] =	vst v63  }
0x44b: {  	s28 =	spop (v2sf);
	s26 =	sadd.s32 $0x1000, s23;
	s7 =	sld [smem:$0x777]  }
0x44c: {  	[tilespmem:s13], [sflag:$0x1] =	stream.linear.gather [spmem:s26], $0x80, $0x38;
	[tilespmem:$0xA080] =	vst v63  }
0x44d: {  	s9 =	sshll.u32 s28, $0xA;
	s10 =	sadd.s32 $0x1400, s23;
	s13 =	sld [smem:$0x778]  }
0x44e: {  	[tilespmem:s7], [sflag:$0x1] =	stream.linear.gather [spmem:s10], $0x80, $0x38;
	[tilespmem:$0xA080] =	vst v63  }
0x44f: {  	s26 =	sand.u32 $0xFFFFE000, s9;
	s9 =	sld [smem:$0x779];
	s7 =	sadd.s32 $0x1800, s23  }
0x450: {  	[tilespmem:s13], [sflag:$0x1] =	stream.linear.gather [spmem:s7], $0x80, $0x38;
	[tilespmem:$0xA080] =	vst v63  }
0x451: {  	s30 =	sadd.s32 s29, s2;
	s10 =	sadd.s32 $0x1C00, s23;
	s13 =	sld [smem:$0x77A]  }
0x452: {  	[tilespmem:s9], [sflag:$0x1] =	stream.linear.gather [spmem:s10], $0x80, $0x38;
	[tilespmem:$0xA080] =	vst v63  }
0x453: {  	s29 =	sadd.s32 s8, s2;
	s8 =	sadd.s32 s18, s1;
	s24 =	sld [smem:$0x77B]  }
0x454: {  	[tilespmem:s13], [sflag:$0x1] =	stream.linear.gather [spmem:s8], $0x80, $0x38;
	[tilespmem:$0xA080] =	vst v63  }
0x455: {  	(v2sf) =	vpush v0, $0xB;
	s1 =	sshll.u32 s28, $0x7;
	s28 =	sadd.s32 $0x400, s8;
	s7 =	sld [smem:$0x77C]  }
0x456: {  	[tilespmem:s24], [sflag:$0x1] =	stream.linear.gather [spmem:s28], $0x80, $0x38;
	[tilespmem:$0xA080] =	vst v63  }
0x457: {  	s25 =	spop (v2sf);
	s9 =	sadd.s32 $0x800, s8;
	s10 =	sld [smem:$0x77D]  }
0x458: {  	[tilespmem:s7], [sflag:$0x1] =	stream.linear.gather [spmem:s9], $0x80, $0x38;
	[tilespmem:$0xA080] =	vst v63  }
0x459: {  	s13 =	sshll.u32 s25, $0xA;
	s9 =	sld [smem:$0x77E]  }
0x45a: {  	s24 =	sadd.s32 $0xC00, s8;
	s7 =	sand.u32 $0xFFFFE000, s13;
	s13 =	sld [smem:$0x77F]  }
0x45b: {  	[tilespmem:s10], [sflag:$0x1] =	stream.linear.gather [spmem:s24], $0x80, $0x38;
	[tilespmem:$0xA080] =	vst v63  }
0x45c: {  	s10 =	sadd.s32 $0x1000, s8;
	s24 =	sadd.s32 s7, s2;
	s7 =	sld [smem:$0x781]  }
0x45d: {  	(v2sf) =	vpush v0, $0xC;
	[tilespmem:s9], [sflag:$0x1] =	stream.linear.gather [spmem:s10], $0x80, $0x38;
	[tilespmem:$0xA080] =	vst v63  }
0x45e: {  	s18 =	sadd.s32 $0x1400, s8;
	s10 =	sld [smem:$0x780]  }
0x45f: {  	[tilespmem:s13], [sflag:$0x1] =	stream.linear.gather [spmem:s18], $0x80, $0x38;
	[tilespmem:$0xA080] =	vst v63  }
0x460: {  	s28 =	sshll.u32 s25, $0x7;
	s25 =	sadd.s32 $0x1800, s8;
	s9 =	sld [smem:$0x798]  }
0x461: {  	[tilespmem:s10], [sflag:$0x1] =	stream.linear.gather [spmem:s25], $0x80, $0x38;
	[tilespmem:$0xA080] =	vst v63  }
0x462: {  	s8 =	sadd.s32 $0x1C00, s8;
	s13 =	sld [smem:$0x782];
	s10 =	sand.u32 $0x380, s22  }
0x463: {  	[tilespmem:s7], [sflag:$0x1] =	stream.linear.gather [spmem:s8], $0x80, $0x38;
	[tilespmem:$0xA080] =	vst v63  }
0x464: {  	s18 =	spop (v2sf);
	s22 =	sld [smem:$0x783];
	s8 =	sadd.s32 s10, s21  }
0x465: {  	[tilespmem:s13], [sflag:$0x1] =	stream.linear.gather [spmem:s8], $0x80, $0x38;
	[tilespmem:$0xA080] =	vst v63  }
0x466: {  	s23 =	sshll.u32 s18, $0xA;
	s7 =	sld [smem:$0x784];
	s25 =	sadd.s32 $0x400, s8  }
0x467: {  	[tilespmem:s22], [sflag:$0x1] =	stream.linear.gather [spmem:s25], $0x80, $0x38;
	[tilespmem:$0xA080] =	vst v63  }
0x468: {  	s21 =	sand.u32 $0xFFFFE000, s23;
	s10 =	sadd.s32 $0x800, s8;
	s13 =	sld [smem:$0x785]  }
0x469: {  	[tilespmem:s7], [sflag:$0x1] =	stream.linear.gather [spmem:s10], $0x80, $0x38;
	[tilespmem:$0xA080] =	vst v63  }
0x46a: {  	s23 =	sadd.s32 s21, s2;
	s21 =	sadd.s32 $0xC00, s8;
	s25 =	sld [smem:$0x786]  }
0x46b: {  	[tilespmem:s13], [sflag:$0x1] =	stream.linear.gather [spmem:s21], $0x80, $0x38;
	[tilespmem:$0xA080] =	vst v63  }
0x46c: {  	(v2sf) =	vpush v0, $0xD;
	s22 =	spop (v2sf);
	s7 =	sadd.s32 $0x1000, s8;
	s10 =	sld [smem:$0x787]  }
0x46d: {  	[tilespmem:s25], [sflag:$0x1] =	stream.linear.gather [spmem:s7], $0x80, $0x38;
	[tilespmem:$0xA080] =	vst v63  }
0x46e: {  	s17 =	sshll.u32 s17, $0x7;
	s13 =	sshll.u32 s22, $0xA;
	s7 =	sld [smem:$0x788]  }
0x46f: {  	s21 =	sadd.s32 $0x1400, s8;
	s25 =	sand.u32 $0xFFFFE000, s13;
	s13 =	sld [smem:$0x789]  }
0x470: {  	[tilespmem:s10], [sflag:$0x1] =	stream.linear.gather [spmem:s21], $0x80, $0x38;
	[tilespmem:$0xA080] =	vst v63  }
0x471: {  	s10 =	sadd.s32 $0x1800, s8;
	s21 =	sand.u32 $0x380, s17;
	s17 =	sld [smem:$0x78E]  }
0x472: {  	[tilespmem:s7], [sflag:$0x1] =	stream.linear.gather [spmem:s10], $0x80, $0x38;
	[tilespmem:$0xA080] =	vst v63  }
0x473: {  	s8 =	sadd.s32 $0x1C00, s8;
	s7 =	sld [smem:$0x78A]  }
0x474: {  	[tilespmem:s13], [sflag:$0x1] =	stream.linear.gather [spmem:s8], $0x80, $0x38;
	[tilespmem:$0xA080] =	vst v63  }
0x475: {  	s8 =	sadd.s32 s21, s19;
	s13 =	sld [smem:$0x78B]  }
0x476: {  	[tilespmem:s7], [sflag:$0x1] =	stream.linear.gather [spmem:s8], $0x80, $0x38;
	[tilespmem:$0xA080] =	vst v63  }
0x477: {  	s19 =	sadd.s32 $0x400, s8;
	s7 =	sld [smem:$0x78C]  }
0x478: {  	(v2sf) =	vpush v0, $0xE;
	[tilespmem:s13], [sflag:$0x1] =	stream.linear.gather [spmem:s19], $0x80, $0x38;
	[tilespmem:$0xA080] =	vst v63  }
0x479: {  	s21 =	sadd.s32 s25, s2;
	s10 =	sadd.s32 $0x800, s8;
	s13 =	sld [smem:$0x78D]  }
0x47a: {  	[tilespmem:s7], [sflag:$0x1] =	stream.linear.gather [spmem:s10], $0x80, $0x38;
	[tilespmem:$0xA080] =	vst v63  }
0x47b: {  	s25 =	sshll.u32 s22, $0x7;
	s22 =	spop (v2sf);
	s19 =	sadd.s32 $0xC00, s8  }
0x47c: {  	[tilespmem:s13], [sflag:$0x1] =	stream.linear.gather [spmem:s19], $0x80, $0x38;
	[tilespmem:$0xA080] =	vst v63  }
0x47d: {  	s7 =	sshll.u32 s22, $0xA;
	s10 =	sadd.s32 $0x1000, s8;
	s13 =	sld [smem:$0x78F]  }
0x47e: {  	[tilespmem:s17], [sflag:$0x1] =	stream.linear.gather [spmem:s10], $0x80, $0x38;
	[tilespmem:$0xA080] =	vst v63  }
0x47f: {  	s19 =	sand.u32 $0xFFFFE000, s7;
	s7 =	sld [smem:$0x790];
	s17 =	sadd.s32 $0x1400, s8  }
0x480: {  	[tilespmem:s13], [sflag:$0x1] =	stream.linear.gather [spmem:s17], $0x80, $0x38;
	[tilespmem:$0xA080] =	vst v63  }
0x481: {  	s10 =	sadd.s32 $0x1800, s8;
	s13 =	sld [smem:$0x791]  }
0x482: {  	(v2sf) =	vpush v0, $0xF;
	[tilespmem:s7], [sflag:$0x1] =	stream.linear.gather [spmem:s10], $0x80, $0x38;
	[tilespmem:$0xA080] =	vst v63  }
0x483: {  	s8 =	sadd.s32 $0x1C00, s8;
	s17 =	sand.u32 $0x380, s20;
	s20 =	sld [smem:$0x792]  }
0x484: {  	[tilespmem:s13], [sflag:$0x1] =	stream.linear.gather [spmem:s8], $0x80, $0x38;
	[tilespmem:$0xA080] =	vst v63  }
0x485: {  	s7 =	sld [smem:$0x793];
	s8 =	sadd.s32 s17, s15  }
0x486: {  	[tilespmem:s20], [sflag:$0x1] =	stream.linear.gather [spmem:s8], $0x80, $0x38;
	[tilespmem:$0xA080] =	vst v63  }
0x487: {  	s10 =	spop (v2sf);
	s17 =	sld [smem:$0x794];
	s15 =	sadd.s32 $0x400, s8  }
0x488: {  	[tilespmem:s7], [sflag:$0x1] =	stream.linear.gather [spmem:s15], $0x80, $0x38;
	[tilespmem:$0xA080] =	vst v63  }
0x489: {  	s13 =	sshll.u32 s10, $0xA;
	s7 =	sadd.s32 $0x800, s8;
	s15 =	sld [smem:$0x795]  }
0x48a: {  	[tilespmem:s17], [sflag:$0x1] =	stream.linear.gather [spmem:s7], $0x80, $0x38;
	[tilespmem:$0xA080] =	vst v63  }
0x48b: {  	s20 =	sand.u32 $0xFFFFE000, s13;
	s13 =	sadd.s32 $0xC00, s8;
	s7 =	sld [smem:$0x796]  }
0x48c: {  	[tilespmem:s15], [sflag:$0x1] =	stream.linear.gather [spmem:s13], $0x80, $0x38;
	[tilespmem:$0xA080] =	vst v63  }
0x48d: {  	s15 =	sadd.s32 $0x1000, s8;
	s13 =	sld [smem:$0x797]  }
0x48e: {  	[tilespmem:s7], [sflag:$0x1] =	stream.linear.gather [spmem:s15], $0x80, $0x38;
	[tilespmem:$0xA080] =	vst v63  }
0x48f: {  	s17 =	sadd.s32 s20, s2;
	s20 =	sshll.u32 s10, $0x7;
	s10 =	sadd.s32 $0x1400, s8  }
0x490: {  	[tilespmem:s13], [sflag:$0x1] =	stream.linear.gather [spmem:s10], $0x80, $0x38;
	[tilespmem:$0xA080] =	vst v63  }
0x491: {  	s15 =	spop (v2sf);
	s7 =	sadd.s32 $0x1800, s8;
	s10 =	sld [smem:$0x799]  }
0x492: {  	[tilespmem:s9], [sflag:$0x1] =	stream.linear.gather [spmem:s7], $0x80, $0x38;
	[tilespmem:$0xA080] =	vst v63  }
0x493: {  	s8 =	sadd.s32 $0x1C00, s8;
	s9 =	sand.u32 $0x380, s11;
	s11 =	sld [smem:$0x79A]  }
0x494: {  	[tilespmem:s10], [sflag:$0x1] =	stream.linear.gather [spmem:s8], $0x80, $0x38;
	[tilespmem:$0xA080] =	vst v63  }
0x495: {  	s13 =	sshll.u32 s15, $0xA;
	s7 =	sadd.s32 s9, s16;
	s8 =	sld [smem:$0x79B]  }
0x496: {  	[tilespmem:s11], [sflag:$0x1] =	stream.linear.gather [spmem:s7], $0x80, $0x38;
	[tilespmem:$0xA080] =	vst v63  }
0x497: {  	s16 =	sand.u32 $0xFFFFE000, s13;
	s13 =	sadd.s32 $0x400, s7;
	s11 =	sld [smem:$0x79C]  }
0x498: {  	[tilespmem:s8], [sflag:$0x1] =	stream.linear.gather [spmem:s13], $0x80, $0x38;
	[tilespmem:$0xA080] =	vst v63  }
0x499: {  	s10 =	sadd.s32 $0x800, s7;
	s13 =	sld [smem:$0x79D]  }
0x49a: {  	[tilespmem:s11], [sflag:$0x1] =	stream.linear.gather [spmem:s10], $0x80, $0x38;
	[tilespmem:$0xA080] =	vst v63  }
0x49b: {  	s10 =	sadd.s32 $0xC00, s7;
	s11 =	sld [smem:$0x79E]  }
0x49c: {  	[tilespmem:s13], [sflag:$0x1] =	stream.linear.gather [spmem:s10], $0x80, $0x38;
	[tilespmem:$0xA080] =	vst v63  }
0x49d: {  	s9 =	sld [smem:$0x79F];
	s13 =	sadd.s32 $0x1000, s7  }
0x49e: {  	[tilespmem:s11], [sflag:$0x1] =	stream.linear.gather [spmem:s13], $0x80, $0x38;
	[tilespmem:$0xA080] =	vst v63  }
0x49f: {  	s11 =	sadd.s32 $0x1400, s7;
	s13 =	sld [smem:$0x7A0]  }
0x4a0: {  	[tilespmem:s9], [sflag:$0x1] =	stream.linear.gather [spmem:s11], $0x80, $0x38;
	[tilespmem:$0xA080] =	vst v63  }
0x4a1: {  	s9 =	sadd.s32 $0x1800, s7;
	s11 =	sld [smem:$0x7A1]  }
0x4a2: {  	[tilespmem:s13], [sflag:$0x1] =	stream.linear.gather [spmem:s9], $0x80, $0x38;
	[tilespmem:$0xA080] =	vst v63  }
0x4a3: {  	s6 =	sand.u32 $0x380, s6;
	s7 =	sadd.s32 $0x1C00, s7;
	s13 =	sld [smem:$0x7A2]  }
0x4a4: {  	[tilespmem:s11], [sflag:$0x1] =	stream.linear.gather [spmem:s7], $0x80, $0x38;
	[tilespmem:$0xA080] =	vst v63  }
0x4a5: {  	s5 =	sadd.s32 s6, s5;
	s7 =	sld [smem:$0x7A3]  }
0x4a6: {  	[tilespmem:s13], [sflag:$0x1] =	stream.linear.gather [spmem:s5], $0x80, $0x38;
	[tilespmem:$0xA080] =	vst v63  }
0x4a7: {  	s8 =	sadd.s32 $0x400, s5;
	s9 =	sld [smem:$0x7A4]  }
0x4a8: {  	[tilespmem:s7], [sflag:$0x1] =	stream.linear.gather [spmem:s8], $0x80, $0x38;
	[tilespmem:$0xA080] =	vst v63  }
0x4a9: {  	s11 =	sadd.s32 $0x800, s5;
	s13 =	sld [smem:$0x7A5]  }
0x4aa: {  	[tilespmem:s9], [sflag:$0x1] =	stream.linear.gather [spmem:s11], $0x80, $0x38;
	[tilespmem:$0xA080] =	vst v63  }
0x4ab: {  	s8 =	sadd.s32 $0xC00, s5;
	s9 =	sld [smem:$0x7A6]  }
0x4ac: {  	[tilespmem:s13], [sflag:$0x1] =	stream.linear.gather [spmem:s8], $0x80, $0x38;
	[tilespmem:$0xA080] =	vst v63  }
0x4ad: {  	s11 =	sadd.s32 $0x1000, s5;
	s13 =	sld [smem:$0x7A7]  }
0x4ae: {  	[tilespmem:s9], [sflag:$0x1] =	stream.linear.gather [spmem:s11], $0x80, $0x38;
	[tilespmem:$0xA080] =	vst v63  }
0x4af: {  	s8 =	sadd.s32 $0x1400, s5;
	s9 =	sld [smem:$0x7A8]  }
0x4b0: {  	[tilespmem:s13], [sflag:$0x1] =	stream.linear.gather [spmem:s8], $0x80, $0x38;
	[tilespmem:$0xA080] =	vst v63  }
0x4b1: {  	s31 =	sshll.u32 s31, $0x7;
	s11 =	sadd.s32 $0x1800, s5;
	s13 =	sld [smem:$0x7A9]  }
0x4b2: {  	[tilespmem:s9], [sflag:$0x1] =	stream.linear.gather [spmem:s11], $0x80, $0x38;
	[tilespmem:$0xA080] =	vst v63  }
0x4b3: {  	s5 =	sadd.s32 $0x1C00, s5;
	s8 =	sand.u32 $0x380, s31;
	s11 =	sld [smem:$0x7AA]  }
0x4b4: {  	[tilespmem:s13], [sflag:$0x1] =	stream.linear.gather [spmem:s5], $0x80, $0x38;
	[tilespmem:$0xA080] =	vst v63  }
0x4b5: {  	s3 =	sadd.s32 s8, s3;
	s13 =	sld [smem:$0x7AB]  }
0x4b6: {  	[tilespmem:s11], [sflag:$0x1] =	stream.linear.gather [spmem:s3], $0x80, $0x38;
	[tilespmem:$0xA080] =	vst v63  }
0x4b7: {  	s31 =	sld [smem:$0x7AC];
	s6 =	sadd.s32 $0x400, s3  }
0x4b8: {  	[tilespmem:s13], [sflag:$0x1] =	stream.linear.gather [spmem:s6], $0x80, $0x38;
	[tilespmem:$0xA080] =	vst v63  }
0x4b9: {  	s11 =	sld [smem:$0x7AD];
	s6 =	sadd.s32 $0x800, s3  }
0x4ba: {  	[tilespmem:s31], [sflag:$0x1] =	stream.linear.gather [spmem:s6], $0x80, $0x38;
	[tilespmem:$0xA080] =	vst v63  }
0x4bb: {  	s13 =	sadd.s32 $0xC00, s3;
	s31 =	sld [smem:$0x7AE]  }
0x4bc: {  	[tilespmem:s11], [sflag:$0x1] =	stream.linear.gather [spmem:s13], $0x80, $0x38;
	[tilespmem:$0xA080] =	vst v63  }
0x4bd: {  	s6 =	sadd.s32 $0x1000, s3;
	s11 =	sld [smem:$0x7AF]  }
0x4be: {  	[tilespmem:s31], [sflag:$0x1] =	stream.linear.gather [spmem:s6], $0x80, $0x38;
	[tilespmem:$0xA080] =	vst v63  }
0x4bf: {  	s13 =	sadd.s32 $0x1400, s3;
	s31 =	sld [smem:$0x7B0]  }
0x4c0: {  	[tilespmem:s11], [sflag:$0x1] =	stream.linear.gather [spmem:s13], $0x80, $0x38;
	[tilespmem:$0xA080] =	vst v63  }
0x4c1: {  	s11 =	sadd.s32 $0x1800, s3;
	s13 =	sld [smem:$0x7B1]  }
0x4c2: {  	[tilespmem:s31], [sflag:$0x1] =	stream.linear.gather [spmem:s11], $0x80, $0x38;
	[tilespmem:$0xA080] =	vst v63  }
0x4c3: {  	s4 =	sand.u32 $0x380, s4;
	s3 =	sadd.s32 $0x1C00, s3;
	s31 =	sld [smem:$0x7B2]  }
0x4c4: {  	[tilespmem:s13], [sflag:$0x1] =	stream.linear.gather [spmem:s3], $0x80, $0x38;
	[tilespmem:$0xA080] =	vst v63  }
0x4c5: {  	s6 =	sld [smem:$0x7B3];
	s3 =	sadd.s32 s4, s30  }
0x4c6: {  	[tilespmem:s31], [sflag:$0x1] =	stream.linear.gather [spmem:s3], $0x80, $0x38;
	[tilespmem:$0xA080] =	vst v63  }
0x4c7: {  	s13 =	sld [smem:$0x7B4];
	s11 =	sadd.s32 $0x400, s3  }
0x4c8: {  	[tilespmem:s6], [sflag:$0x1] =	stream.linear.gather [spmem:s11], $0x80, $0x38;
	[tilespmem:$0xA080] =	vst v63  }
0x4c9: {  	s30 =	sadd.s32 $0x800, s3;
	s31 =	sld [smem:$0x7B5]  }
0x4ca: {  	[tilespmem:s13], [sflag:$0x1] =	stream.linear.gather [spmem:s30], $0x80, $0x38;
	[tilespmem:$0xA080] =	vst v63  }
0x4cb: {  	s11 =	sadd.s32 $0xC00, s3;
	s13 =	sld [smem:$0x7B6]  }
0x4cc: {  	[tilespmem:s31], [sflag:$0x1] =	stream.linear.gather [spmem:s11], $0x80, $0x38;
	[tilespmem:$0xA080] =	vst v63  }
0x4cd: {  	s30 =	sadd.s32 $0x1000, s3;
	s31 =	sld [smem:$0x7B7]  }
0x4ce: {  	[tilespmem:s13], [sflag:$0x1] =	stream.linear.gather [spmem:s30], $0x80, $0x38;
	[tilespmem:$0xA080] =	vst v63  }
0x4cf: {  	s11 =	sadd.s32 $0x1400, s3;
	s13 =	sld [smem:$0x7B8]  }
0x4d0: {  	[tilespmem:s31], [sflag:$0x1] =	stream.linear.gather [spmem:s11], $0x80, $0x38;
	[tilespmem:$0xA080] =	vst v63  }
0x4d1: {  	s30 =	sadd.s32 $0x1800, s3;
	s31 =	sld [smem:$0x7B9]  }
0x4d2: {  	[tilespmem:s13], [sflag:$0x1] =	stream.linear.gather [spmem:s30], $0x80, $0x38;
	[tilespmem:$0xA080] =	vst v63  }
0x4d3: {  	s0 =	sand.u32 $0x380, s0;
	s6 =	sld [smem:$0x7BA];
	s3 =	sadd.s32 $0x1C00, s3  }
0x4d4: {  	[tilespmem:s31], [sflag:$0x1] =	stream.linear.gather [spmem:s3], $0x80, $0x38;
	[tilespmem:$0xA080] =	vst v63  }
0x4d5: {  	s0 =	sadd.s32 s0, s29;
	s11 =	sld [smem:$0x7BB]  }
0x4d6: {  	[tilespmem:s6], [sflag:$0x1] =	stream.linear.gather [spmem:s0], $0x80, $0x38;
	[tilespmem:$0xA080] =	vst v63  }
0x4d7: {  	s29 =	sld [smem:$0x7BC];
	s13 =	sadd.s32 $0x400, s0  }
0x4d8: {  	[tilespmem:s11], [sflag:$0x1] =	stream.linear.gather [spmem:s13], $0x80, $0x38;
	[tilespmem:$0xA080] =	vst v63  }
0x4d9: {  	s30 =	sadd.s32 $0x800, s0;
	s31 =	sld [smem:$0x7BD]  }
0x4da: {  	[tilespmem:s29], [sflag:$0x1] =	stream.linear.gather [spmem:s30], $0x80, $0x38;
	[tilespmem:$0xA080] =	vst v63  }
0x4db: {  	s6 =	sadd.s32 $0xC00, s0;
	s11 =	sld [smem:$0x7BE]  }
0x4dc: {  	[tilespmem:s31], [sflag:$0x1] =	stream.linear.gather [spmem:s6], $0x80, $0x38;
	[tilespmem:$0xA080] =	vst v63  }
0x4dd: {  	s13 =	sadd.s32 $0x1000, s0;
	s29 =	sld [smem:$0x7BF]  }
0x4de: {  	[tilespmem:s11], [sflag:$0x1] =	stream.linear.gather [spmem:s13], $0x80, $0x38;
	[tilespmem:$0xA080] =	vst v63  }
0x4df: {  	s30 =	sadd.s32 $0x1400, s0;
	s31 =	sld [smem:$0x7C0]  }
0x4e0: {  	[tilespmem:s29], [sflag:$0x1] =	stream.linear.gather [spmem:s30], $0x80, $0x38;
	[tilespmem:$0xA080] =	vst v63  }
0x4e1: {  	s1 =	sand.u32 $0x380, s1;
	s6 =	sadd.s32 $0x1800, s0;
	s11 =	sld [smem:$0x7C1]  }
0x4e2: {  	[tilespmem:s31], [sflag:$0x1] =	stream.linear.gather [spmem:s6], $0x80, $0x38;
	[tilespmem:$0xA080] =	vst v63  }
0x4e3: {  	s26 =	sadd.s32 s26, s2;
	s0 =	sadd.s32 $0x1C00, s0;
	s13 =	sld [smem:$0x7C2]  }
0x4e4: {  	[tilespmem:s11], [sflag:$0x1] =	stream.linear.gather [spmem:s0], $0x80, $0x38;
	[tilespmem:$0xA080] =	vst v63  }
0x4e5: {  	s29 =	sld [smem:$0x7C3];
	s0 =	sadd.s32 s1, s26  }
0x4e6: {  	[tilespmem:s13], [sflag:$0x1] =	stream.linear.gather [spmem:s0], $0x80, $0x38;
	[tilespmem:$0xA080] =	vst v63  }
0x4e7: {  	s31 =	sld [smem:$0x7C4];
	s30 =	sadd.s32 $0x400, s0  }
0x4e8: {  	[tilespmem:s29], [sflag:$0x1] =	stream.linear.gather [spmem:s30], $0x80, $0x38;
	[tilespmem:$0xA080] =	vst v63  }
0x4e9: {  	s6 =	sld [smem:$0x7C5];
	s5 =	sadd.s32 $0x800, s0  }
0x4ea: {  	[tilespmem:s31], [sflag:$0x1] =	stream.linear.gather [spmem:s5], $0x80, $0x38;
	[tilespmem:$0xA080] =	vst v63  }
0x4eb: {  	s11 =	sadd.s32 $0xC00, s0;
	s13 =	sld [smem:$0x7C6]  }
0x4ec: {  	[tilespmem:s6], [sflag:$0x1] =	stream.linear.gather [spmem:s11], $0x80, $0x38;
	[tilespmem:$0xA080] =	vst v63  }
0x4ed: {  	s26 =	sadd.s32 $0x1000, s0;
	s29 =	sld [smem:$0x7C7]  }
0x4ee: {  	[tilespmem:s13], [sflag:$0x1] =	stream.linear.gather [spmem:s26], $0x80, $0x38;
	[tilespmem:$0xA080] =	vst v63  }
0x4ef: {  	s30 =	sadd.s32 $0x1400, s0;
	s31 =	sld [smem:$0x7C8]  }
0x4f0: {  	[tilespmem:s29], [sflag:$0x1] =	stream.linear.gather [spmem:s30], $0x80, $0x38;
	[tilespmem:$0xA080] =	vst v63  }
0x4f1: {  	s5 =	sadd.s32 $0x1800, s0;
	s6 =	sld [smem:$0x7C9]  }
0x4f2: {  	[tilespmem:s31], [sflag:$0x1] =	stream.linear.gather [spmem:s5], $0x80, $0x38;
	[tilespmem:$0xA080] =	vst v63  }
0x4f3: {  	s0 =	sadd.s32 $0x1C00, s0;
	s11 =	sand.u32 $0x380, s28;
	s13 =	sld [smem:$0x7CA]  }
0x4f4: {  	[tilespmem:s6], [sflag:$0x1] =	stream.linear.gather [spmem:s0], $0x80, $0x38;
	[tilespmem:$0xA080] =	vst v63  }
0x4f5: {  	s26 =	sld [smem:$0x7CB];
	s0 =	sadd.s32 s11, s24  }
0x4f6: {  	[tilespmem:s13], [sflag:$0x1] =	stream.linear.gather [spmem:s0], $0x80, $0x38;
	[tilespmem:$0xA080] =	vst v63  }
0x4f7: {  	s29 =	sld [smem:$0x7CC];
	s28 =	sadd.s32 $0x400, s0  }
0x4f8: {  	[tilespmem:s26], [sflag:$0x1] =	stream.linear.gather [spmem:s28], $0x80, $0x38;
	[tilespmem:$0xA080] =	vst v63  }
0x4f9: {  	s31 =	sld [smem:$0x7CD];
	s30 =	sadd.s32 $0x800, s0  }
0x4fa: {  	[tilespmem:s29], [sflag:$0x1] =	stream.linear.gather [spmem:s30], $0x80, $0x38;
	[tilespmem:$0xA080] =	vst v63  }
0x4fb: {  	s5 =	sld [smem:$0x7CE];
	s4 =	sadd.s32 $0xC00, s0  }
0x4fc: {  	[tilespmem:s31], [sflag:$0x1] =	stream.linear.gather [spmem:s4], $0x80, $0x38;
	[tilespmem:$0xA080] =	vst v63  }
0x4fd: {  	s11 =	sld [smem:$0x7CF];
	s6 =	sadd.s32 $0x1000, s0  }
0x4fe: {  	[tilespmem:s5], [sflag:$0x1] =	stream.linear.gather [spmem:s6], $0x80, $0x38;
	[tilespmem:$0xA080] =	vst v63  }
0x4ff: {  	s24 =	sld [smem:$0x7D0];
	s13 =	sadd.s32 $0x1400, s0  }
0x500: {  	[tilespmem:s11], [sflag:$0x1] =	stream.linear.gather [spmem:s13], $0x80, $0x38;
	[tilespmem:$0xA080] =	vst v63  }
0x501: {  	s26 =	sadd.s32 $0x1800, s0;
	s28 =	sld [smem:$0x7D1];
	s29 =	sshll.u32 s18, $0x7  }
0x502: {  	[tilespmem:s24], [sflag:$0x1] =	stream.linear.gather [spmem:s26], $0x80, $0x38;
	[tilespmem:$0xA080] =	vst v63  }
0x503: {  	s0 =	sadd.s32 $0x1C00, s0;
	s30 =	sand.u32 $0x380, s29;
	s31 =	sld [smem:$0x7D2]  }
0x504: {  	[tilespmem:s28], [sflag:$0x1] =	stream.linear.gather [spmem:s0], $0x80, $0x38;
	[tilespmem:$0xA080] =	vst v63  }
0x505: {  	s3 =	sld [smem:$0x7D3];
	s0 =	sadd.s32 s30, s23  }
0x506: {  	[tilespmem:s31], [sflag:$0x1] =	stream.linear.gather [spmem:s0], $0x80, $0x38;
	[tilespmem:$0xA080] =	vst v63  }
0x507: {  	s6 =	sld [smem:$0x7D4];
	s5 =	sadd.s32 $0x400, s0  }
0x508: {  	[tilespmem:s3], [sflag:$0x1] =	stream.linear.gather [spmem:s5], $0x80, $0x38;
	[tilespmem:$0xA080] =	vst v63  }
0x509: {  	s13 =	sld [smem:$0x7D5];
	s11 =	sadd.s32 $0x800, s0  }
0x50a: {  	[tilespmem:s6], [sflag:$0x1] =	stream.linear.gather [spmem:s11], $0x80, $0x38;
	[tilespmem:$0xA080] =	vst v63  }
0x50b: {  	s23 =	sld [smem:$0x7D6];
	s18 =	sadd.s32 $0xC00, s0  }
0x50c: {  	[tilespmem:s13], [sflag:$0x1] =	stream.linear.gather [spmem:s18], $0x80, $0x38;
	[tilespmem:$0xA080] =	vst v63  }
0x50d: {  	s26 =	sld [smem:$0x7D7];
	s24 =	sadd.s32 $0x1000, s0  }
0x50e: {  	[tilespmem:s23], [sflag:$0x1] =	stream.linear.gather [spmem:s24], $0x80, $0x38;
	[tilespmem:$0xA080] =	vst v63  }
0x50f: {  	s29 =	sld [smem:$0x7D8];
	s28 =	sadd.s32 $0x1400, s0  }
0x510: {  	[tilespmem:s26], [sflag:$0x1] =	stream.linear.gather [spmem:s28], $0x80, $0x38;
	[tilespmem:$0xA080] =	vst v63  }
0x511: {  	s30 =	sadd.s32 $0x1800, s0;
	s31 =	sld [smem:$0x7D9]  }
0x512: {  	[tilespmem:s29], [sflag:$0x1] =	stream.linear.gather [spmem:s30], $0x80, $0x38;
	[tilespmem:$0xA080] =	vst v63  }
0x513: {  	s0 =	sadd.s32 $0x1C00, s0;
	s5 =	sand.u32 $0x380, s25;
	s6 =	sld [smem:$0x7DA]  }
0x514: {  	[tilespmem:s31], [sflag:$0x1] =	stream.linear.gather [spmem:s0], $0x80, $0x38;
	[tilespmem:$0xA080] =	vst v63  }
0x515: {  	s11 =	sadd.s32 s5, s21;
	s13 =	sld [smem:$0x7DB]  }
0x516: {  	[tilespmem:s6], [sflag:$0x1] =	stream.linear.gather [spmem:s11], $0x80, $0x38;
	[tilespmem:$0xA080] =	vst v63  }
0x517: {  	s21 =	sld [smem:$0x7DC];
	s18 =	sadd.s32 $0x400, s11  }
0x518: {  	[tilespmem:s13], [sflag:$0x1] =	stream.linear.gather [spmem:s18], $0x80, $0x38;
	[tilespmem:$0xA080] =	vst v63  }
0x519: {  	s23 =	sadd.s32 $0x800, s11;
	s24 =	sld [smem:$0x7DD]  }
0x51a: {  	[tilespmem:s21], [sflag:$0x1] =	stream.linear.gather [spmem:s23], $0x80, $0x38;
	[tilespmem:$0xA080] =	vst v63  }
0x51b: {  	s25 =	sadd.s32 $0xC00, s11;
	s26 =	sld [smem:$0x7DE]  }
0x51c: {  	[tilespmem:s24], [sflag:$0x1] =	stream.linear.gather [spmem:s25], $0x80, $0x38;
	[tilespmem:$0xA080] =	vst v63  }
0x51d: {  	s28 =	sadd.s32 $0x1000, s11;
	s29 =	sld [smem:$0x7DF]  }
0x51e: {  	[tilespmem:s26], [sflag:$0x1] =	stream.linear.gather [spmem:s28], $0x80, $0x38;
	[tilespmem:$0xA080] =	vst v63  }
0x51f: {  	s22 =	sshll.u32 s22, $0x7;
	s30 =	sadd.s32 $0x1400, s11;
	s31 =	sld [smem:$0x7E0]  }
0x520: {  	[tilespmem:s29], [sflag:$0x1] =	stream.linear.gather [spmem:s30], $0x80, $0x38;
	[tilespmem:$0xA080] =	vst v63  }
0x521: {  	s19 =	sadd.s32 s19, s2;
	s5 =	sadd.s32 $0x1800, s11;
	s6 =	sld [smem:$0x7E1]  }
0x522: {  	[tilespmem:s31], [sflag:$0x1] =	stream.linear.gather [spmem:s5], $0x80, $0x38;
	[tilespmem:$0xA080] =	vst v63  }
0x523: {  	s0 =	sadd.s32 $0x1C00, s11;
	s11 =	sand.u32 $0x380, s22;
	s13 =	sld [smem:$0x7E2]  }
0x524: {  	[tilespmem:s6], [sflag:$0x1] =	stream.linear.gather [spmem:s0], $0x80, $0x38;
	[tilespmem:$0xA080] =	vst v63  }
0x525: {  	s18 =	sadd.s32 s11, s19;
	s19 =	sld [smem:$0x7E3]  }
0x526: {  	[tilespmem:s13], [sflag:$0x1] =	stream.linear.gather [spmem:s18], $0x80, $0x38;
	[tilespmem:$0xA080] =	vst v63  }
0x527: {  	s22 =	sld [smem:$0x7E4];
	s21 =	sadd.s32 $0x400, s18  }
0x528: {  	[tilespmem:s19], [sflag:$0x1] =	stream.linear.gather [spmem:s21], $0x80, $0x38;
	[tilespmem:$0xA080] =	vst v63  }
0x529: {  	s23 =	sadd.s32 $0x800, s18;
	s24 =	sld [smem:$0x7E5]  }
0x52a: {  	[tilespmem:s22], [sflag:$0x1] =	stream.linear.gather [spmem:s23], $0x80, $0x38;
	[tilespmem:$0xA080] =	vst v63  }
0x52b: {  	s25 =	sadd.s32 $0xC00, s18;
	s26 =	sld [smem:$0x7E6]  }
0x52c: {  	[tilespmem:s24], [sflag:$0x1] =	stream.linear.gather [spmem:s25], $0x80, $0x38;
	[tilespmem:$0xA080] =	vst v63  }
0x52d: {  	s28 =	sadd.s32 $0x1000, s18;
	s29 =	sld [smem:$0x7E7]  }
0x52e: {  	[tilespmem:s26], [sflag:$0x1] =	stream.linear.gather [spmem:s28], $0x80, $0x38;
	[tilespmem:$0xA080] =	vst v63  }
0x52f: {  	s30 =	sadd.s32 $0x1400, s18;
	s31 =	sld [smem:$0x7E8]  }
0x530: {  	[tilespmem:s29], [sflag:$0x1] =	stream.linear.gather [spmem:s30], $0x80, $0x38;
	[tilespmem:$0xA080] =	vst v63  }
0x531: {  	s3 =	sadd.s32 $0x1800, s18;
	s5 =	sld [smem:$0x7E9]  }
0x532: {  	[tilespmem:s31], [sflag:$0x1] =	stream.linear.gather [spmem:s3], $0x80, $0x38;
	[tilespmem:$0xA080] =	vst v63  }
0x533: {  	s11 =	sld [smem:$0x7EA];
	s0 =	sadd.s32 $0x1C00, s18;
	s6 =	sand.u32 $0x380, s20  }
0x534: {  	[tilespmem:s5], [sflag:$0x1] =	stream.linear.gather [spmem:s0], $0x80, $0x38;
	[tilespmem:$0xA080] =	vst v63  }
0x535: {  	s13 =	sadd.s32 s6, s17;
	s17 =	sld [smem:$0x7EB]  }
0x536: {  	[tilespmem:s11], [sflag:$0x1] =	stream.linear.gather [spmem:s13], $0x80, $0x38;
	[tilespmem:$0xA080] =	vst v63  }
0x537: {  	s18 =	sadd.s32 $0x400, s13;
	s19 =	sld [smem:$0x7EC]  }
0x538: {  	[tilespmem:s17], [sflag:$0x1] =	stream.linear.gather [spmem:s18], $0x80, $0x38;
	[tilespmem:$0xA080] =	vst v63  }
0x539: {  	s20 =	sadd.s32 $0x800, s13;
	s21 =	sld [smem:$0x7ED]  }
0x53a: {  	[tilespmem:s19], [sflag:$0x1] =	stream.linear.gather [spmem:s20], $0x80, $0x38;
	[tilespmem:$0xA080] =	vst v63  }
0x53b: {  	s22 =	sadd.s32 $0xC00, s13;
	s23 =	sld [smem:$0x7EE]  }
0x53c: {  	[tilespmem:s21], [sflag:$0x1] =	stream.linear.gather [spmem:s22], $0x80, $0x38;
	[tilespmem:$0xA080] =	vst v63  }
0x53d: {  	s24 =	sadd.s32 $0x1000, s13;
	s25 =	sld [smem:$0x7EF]  }
0x53e: {  	[tilespmem:s23], [sflag:$0x1] =	stream.linear.gather [spmem:s24], $0x80, $0x38;
	[tilespmem:$0xA080] =	vst v63  }
0x53f: {  	s16 =	sadd.s32 s16, s2;
	s26 =	sadd.s32 $0x1400, s13;
	s28 =	sld [smem:$0x7F0]  }
0x540: {  	[tilespmem:s25], [sflag:$0x1] =	stream.linear.gather [spmem:s26], $0x80, $0x38;
	[tilespmem:$0xA080] =	vst v63  }
0x541: {  	s29 =	sadd.s32 $0x1800, s13;
	s30 =	sld [smem:$0x7F1];
	s31 =	sshll.u32 s15, $0x7  }
0x542: {  	[tilespmem:s28], [sflag:$0x1] =	stream.linear.gather [spmem:s29], $0x80, $0x38;
	[tilespmem:$0xA080] =	vst v63  }
0x543: {  	s6 =	sand.u32 $0x380, s31;
	s0 =	sadd.s32 $0x1C00, s13;
	s11 =	sld [smem:$0x7F2]  }
0x544: {  	[tilespmem:s30], [sflag:$0x1] =	stream.linear.gather [spmem:s0], $0x80, $0x38;
	[tilespmem:$0xA080] =	vst v63  }
0x545: {  	s15 =	sld [smem:$0x7F3];
	s13 =	sadd.s32 s6, s16  }
0x546: {  	[tilespmem:s11], [sflag:$0x1] =	stream.linear.gather [spmem:s13], $0x80, $0x38;
	[tilespmem:$0xA080] =	vst v63  }
0x547: {  	s16 =	sadd.s32 $0x400, s13;
	s17 =	sld [smem:$0x7F5]  }
0x548: {  	[tilespmem:s15], [sflag:$0x1] =	stream.linear.gather [spmem:s16], $0x80, $0x38;
	[tilespmem:$0xA080] =	vst v63  }
0x549: {  	s18 =	sadd.s32 $0x800, s13;
	s19 =	sld [smem:$0x7F7]  }
0x54a: {  	[tilespmem:s17], [sflag:$0x1] =	stream.linear.gather [spmem:s18], $0x80, $0x38;
	[tilespmem:$0xA080] =	vst v63  }
0x54b: {  	s20 =	sadd.s32 $0xC00, s13;
	s21 =	sld [smem:$0x7F9]  }
0x54c: {  	[tilespmem:s19], [sflag:$0x1] =	stream.linear.gather [spmem:s20], $0x80, $0x38;
	[tilespmem:$0xA080] =	vst v63  }
0x54d: {  	s22 =	sadd.s32 $0x1000, s13;
	s23 =	sld [smem:$0x7FA]  }
0x54e: {  	[tilespmem:s21], [sflag:$0x1] =	stream.linear.gather [spmem:s22], $0x80, $0x38;
	[tilespmem:$0xA080] =	vst v63  }
0x54f: {  	s24 =	sadd.s32 $0x1400, s13;
	s25 =	sld [smem:$0x7FB]  }
0x550: {  	[tilespmem:s23], [sflag:$0x1] =	stream.linear.gather [spmem:s24], $0x80, $0x38;
	[tilespmem:$0xA080] =	vst v63  }
0x551: {  	s26 =	sadd.s32 $0x1800, s13;
	s28 =	sld [smem:$0x7FC]  }
0x552: {  	[tilespmem:s25], [sflag:$0x1] =	stream.linear.gather [spmem:s26], $0x80, $0x38;
	[tilespmem:$0xA080] =	vst v63  }
0x553: {  	s10 =	simm.s32 $0x1;
	s0 =	sadd.s32 $0x1C00, s13  }
0x554: {  	[tilespmem:s28], [sflag:$0x1] =	stream.linear.gather [spmem:s0], $0x80, $0x38;
	[tilespmem:$0xA080] =	vst v63  }
0x555: {  	_ =	swait.ge [sflag:s10], $0x8000  }
0x556: {  	p0 =	sne.s32 s12, $0xBC00;
	s31 =	sld [smem:$0x712]  }
0x557: {  	s7 =	simm.s32 $0x2;
	s8 =	simm.s32 $0x80;
	s30 =	sld [smem:$0x7FD]  }
0x558: {  	s9 =	simm.s32 $0x2000;
	s29 =	rddreg [dreg:$0x5];
	[sflag:s10] =	ssyncset.done $0x0  }
.Ltmp0:
0x559: {  	[sflag:s10] =	ssyncadd.s32 $0xFFFF8000;
	s0 =	sadd.s32 s31, s29;
	(pc) =	sbr.rel @p0 .LBB2_2-.Ltmp0, $4  }
0x55a: {  	[hbm4b:s0+s9] =	stream.strided.scatter [tilespmem:s8], [sflag:$0x2], $0x8000, s30, s9, $0x38;
	[tilespmem:$0xA080] =	vst v63  }
0x55b: {  	_ =	swait.ge [sflag:s7], $0x8000  }
0x55c: {  	[sflag:s7] =	ssyncset.done $0x0  }
0x55d: {  	s12 =	sadd.s32 $0x400, s12;
	[sflag:s7] =	ssyncadd.s32 $0xFFFF8000  }
0x55e: {  	s1 =	sld [smem:$0x713]  }
0x55f: {  	s0 =	sld [smem:$0x7F6];
	_ =	sdelay $0x1  }
0x560: {  	s1 =	sadd.s32 $0x1, s1  }
0x561: {  	p0 =	sne.s32 s1, s0  }
.Ltmp1:
0x562: {  	_ = 	snop;
	(pc) =	sbr.rel @p0 .LBB2_1-.Ltmp1, $2  }
0x563: {  	_ =	sdelay $0x1  }
0x564: {  	[bflag:$0x0] =	sbarrier.arrive $0xFFFF;
	_ =	sdelay $0x1  }
0x565: {  	_ =	sfence.sel $0x180000  }
0x566: {  	[bflag:$0x0] =	sbarrier.arrive $0xFFFF  }
0x567: {  	_ =	strace $0x90000047  }
0x568: {  	s0 =	stileid.u32;
	[bflag:$0x2] =	sbarrier.arrive $0xFFFF  }
0x569: {  	p0 =	sne.s32 s0, $0x0;
	s0 =	rddreg [dreg:$0x4]  }
0x56a: {  	s0 =	sadd.s32 @!p0 $0x100000, s0  }
0x56b: {  	[sflag:s0] =	ssyncadd.tile.s32 @!p0 $0x1;
	_ =	shalt  }
.Lfunc_end2:
_tile_overlayer_lowered:
.L_overlay_start_2:
0x56c: {  	(tag) =	ssettag $0x2  }
0x56d: {  	s0 =	rddreg [dreg:$0x0];
	s2 =	stileid.u32  }
0x56e: {  	s1 =	rddreg [dreg:$0x1];
	p0 =	sne.s32 s2, $0x0  }
0x56f: {  	s3 =	rddreg [dreg:$0x2];
	[bflag:$0x3] =	sbarrier.arrive $0xFFFF;
	s2 =	simm.s32 @!p0 $0x1C02  }
0x570: {  	[timem:s3], [sflag:s2] =	dma.local @!p0 [hbm:s0], s1  }
0x571: {  	s0 =	simm.s32 @!p0 $0x2  }
0x572: {  	_ =	swait.ge @!p0 [sflag:s0], s1  }
0x573: {  	s1 =	ssub.s32 @!p0 $0x0, s1;
	[sflag:s0] =	ssyncset.done @!p0 $0x0  }
0x574: {  	[sflag:s0] =	ssyncadd.s32 @!p0 s1  }
0x575: {  	[bflag:$0x3] =	sbarrier.arrive $0xFFFF  }
0x576: {  	_ =	shalt  }

</sc_bundles>
